<compile_context>
chip_gen: v7x
topology: tpu7x:2x2x1
jax: 0.10.2.dev20260603
libtpu: 0.0.44.dev20260713+nightly
codegen_flags: <defaults>
</compile_context>

<pallas_src>
import functools

import jax
import jax.numpy as jnp
from jax import lax
from jax.experimental import pallas as pl
from jax.experimental.pallas import tpu as pltpu
from jax.experimental.pallas import tpu_sc as plsc


def _sc_threshold(xflat, idxT, wT, bias, *, B, IN, R, T):
    info = plsc.get_sparse_core_info()
    NC, NS = info.num_cores, info.num_subcores
    NW = NC * NS
    B_CH = 16
    N_CH = B // (NW * B_CH)
    R_CH = 512
    N_RC = R // R_CH

    mesh = plsc.VectorSubcoreMesh(core_axis_name="c", subcore_axis_name="s")

    @functools.partial(
        pl.kernel,
        mesh=mesh,
        compiler_params=pltpu.CompilerParams(needs_layout_passes=False),
        out_type=jax.ShapeDtypeStruct((B, R), jnp.float32),
        scratch_types=[
            pltpu.VMEM((B_CH * IN,), jnp.float32),
            pltpu.VMEM((T, R_CH), jnp.int32),
            pltpu.VMEM((T, R_CH), jnp.float32),
            pltpu.VMEM((R_CH,), jnp.float32),
            pltpu.VMEM((B_CH, R_CH), jnp.float32),
        ],
    )
    def k(xf_hbm, idxT_hbm, wT_hbm, bias_hbm, y_hbm, xv, iv, wv, bv, yv):
        wid = lax.axis_index("s") * NC + lax.axis_index("c")

        def cb_body(cb, carry):
            b0 = (wid * N_CH + cb) * B_CH
            pltpu.sync_copy(xf_hbm.at[pl.ds(b0 * IN, B_CH * IN)], xv)

            def rc_body(rc, carry):
                r0 = rc * R_CH
                pltpu.sync_copy(idxT_hbm.at[:, pl.ds(r0, R_CH)], iv)
                pltpu.sync_copy(wT_hbm.at[:, pl.ds(r0, R_CH)], wv)
                pltpu.sync_copy(bias_hbm.at[pl.ds(r0, R_CH)], bv)

                def g_body(g, carry):
                    goff = g * 16
                    idxg = [iv[t, pl.ds(goff, 16)] for t in range(T)]
                    wg = [wv[t, pl.ds(goff, 16)] for t in range(T)]
                    nb = -bv[pl.ds(goff, 16)]
                    for b in range(B_CH):
                        acc = nb
                        ofs = b * IN
                        for t in range(T):
                            v = plsc.load_gather(xv, [idxg[t] + ofs])
                            acc = acc + wg[t] * v
                        yv[b, pl.ds(goff, 16)] = acc
                    return carry

                lax.fori_loop(0, R_CH // 16, g_body, carry)
                pltpu.sync_copy(yv, y_hbm.at[pl.ds(b0, B_CH), pl.ds(r0, R_CH)])
                return carry

            return lax.fori_loop(0, N_RC, rc_body, carry)

        lax.fori_loop(0, N_CH, cb_body, 0)

    return k(xflat, idxT, wT, bias)


def kernel(x, weight_k, bias, idx):
    B, IN = x.shape
    R, T = idx.shape
    xflat = x.reshape(-1)
    idxT = idx.T
    wT = weight_k.T
    return _sc_threshold(xflat, idxT, wT, bias, B=B, IN=IN, R=R, T=T)

# --- scband reference (transcript-rebuilt; emitter-appended) ---
"""Pipeline reference for scband-threshold-layer-69243462746427 (READ-ONLY COPY).

The authoritative reference and input builder live on the scoring server;
editing this copy changes nothing except your own understanding.
"""

import jax, jax.numpy as jnp
import numpy as np

IN_DIM = 4096
OUT_DIM = 2048
NUM_ACTIVE = 16
BATCH = 1024


def setup_inputs(seed: int = 0) -> dict:
    key = jax.random.key(seed)
    k1, k2, k3, k4 = jax.random.split(key, 4)
    x = jax.random.normal(k1, (BATCH, IN_DIM), dtype=jnp.float32)
    # fixed fan-in connectivity: exactly NUM_ACTIVE distinct input columns per output row
    scores = jax.random.uniform(k2, (OUT_DIM, IN_DIM))
    idx = jnp.argsort(scores, axis=1)[:, :NUM_ACTIVE].astype(jnp.int32)
    bound = 1.0 / np.sqrt(NUM_ACTIVE)
    weight_k = jax.random.uniform(k3, (OUT_DIM, NUM_ACTIVE), minval=-bound, maxval=bound, dtype=jnp.float32)
    bias = jax.random.uniform(k4, (OUT_DIM,), minval=-bound, maxval=bound, dtype=jnp.float32)
    return {"x": x, "weight_k": weight_k, "bias": bias, "idx": idx}


def reference(x, weight_k, bias, idx):
    # y[b, r] = sum_t weight_k[r, t] * x[b, idx[r, t]] - bias[r]
    x_g = jnp.take(x, idx, axis=1)  # [B, OUT_DIM, NUM_ACTIVE] gather
    y = jnp.sum(x_g * weight_k[None, :, :], axis=-1) - bias[None, :]
    return y

if __name__ == "__main__":
    import jax
    _d = setup_inputs()
    print(jax.jit(kernel)(*tuple(_d.values())))

</pallas_src>

<mosaic_0001>
#map = affine_map<(d0, d1) -> (0)>
#map1 = affine_map<(d0, d1) -> (0, 0)>
module attributes {stable_mosaic.version = 14 : i64} {
  func.func @k(%arg0: i32, %arg1: i32, %arg2: memref<4194304xf32, #tpu.memory_space<hbm>>, %arg3: memref<16x2048xi32, #tpu.memory_space<hbm>>, %arg4: memref<16x2048xf32, #tpu.memory_space<hbm>>, %arg5: memref<2048xf32, #tpu.memory_space<hbm>>, %arg6: memref<1024x2048xf32, #tpu.memory_space<hbm>>, %arg7: memref<65536xf32, #tpu.memory_space<vmem>>, %arg8: memref<16x512xi32, #tpu.memory_space<vmem>>, %arg9: memref<16x512xf32, #tpu.memory_space<vmem>>, %arg10: memref<512xf32, #tpu.memory_space<vmem>>, %arg11: memref<16x512xf32, #tpu.memory_space<vmem>>) attributes {dimension_semantics = [#tpu.dimension_semantics<core_parallel>, #tpu.dimension_semantics<subcore_parallel>], iteration_bounds = array<i64: 2, 16>, scalar_prefetch = 0 : i64, scratch_operands = 5 : i64, tpu.core_type = #tpu.core_type<sc_vector_subcore>, window_params = [{transform_indices = #map}, {transform_indices = #map1}, {transform_indices = #map1}, {transform_indices = #map}, {transform_indices = #map1}]} {
    %mul3A = arith.constant 2 : i32
    %mul3A_0 = arith.muli %arg1, %mul3A : i32
    %add3A = arith.addi %mul3A_0, %arg0 : i32
    %scan3A = arith.constant 0 : i32
    %scan3A_1 = arith.constant 0 : i32
    %scan3A_2 = arith.constant 2 : i32
    %scan3A_3 = arith.addi %scan3A_1, %scan3A_2 : i32
    %scan3A_4 = arith.constant 1 : i32
    scf.for %scan3A_6 = %scan3A_1 to %scan3A_3 step %scan3A_4  : i32 {
      %mul3A_7 = arith.constant 2 : i32
      %mul3A_8 = arith.muli %add3A, %mul3A_7 : i32
      %add3A_9 = arith.addi %mul3A_8, %scan3A_6 : i32
      %mul3A_10 = arith.constant 16 : i32
      %mul3A_11 = arith.muli %add3A_9, %mul3A_10 : i32
      %mul3A_12 = arith.constant 4096 : i32
      %mul3A_13 = arith.muli %mul3A_11, %mul3A_12 : i32
      "tpu.region"() ({
        %run_scoped3A = tpu.sem_alloc : memref<!tpu.dma_semaphore, #tpu.memory_space<semaphore_mem>>
        %dma_start3A = tpu.memref_slice %arg2[%mul3A_13] : memref<4194304xf32, #tpu.memory_space<hbm>> -> memref<65536xf32, #tpu.memory_space<hbm>>
        %dma_start3A_19 = tpu.memref_slice %arg2[%mul3A_13] : memref<4194304xf32, #tpu.memory_space<hbm>> -> memref<65536xf32, #tpu.memory_space<hbm>>
        tpu.enqueue_dma source(%dma_start3A_19 : memref<65536xf32, #tpu.memory_space<hbm>>) target(%arg7 : memref<65536xf32, #tpu.memory_space<vmem>>) target_semaphore(%run_scoped3A : memref<!tpu.dma_semaphore, #tpu.memory_space<semaphore_mem>>)
        %dma_wait3A = tpu.memref_slice %arg2[%mul3A_13] : memref<4194304xf32, #tpu.memory_space<hbm>> -> memref<65536xf32, #tpu.memory_space<hbm>>
        %dma_wait3A_20 = tpu.memref_slice %arg2[%mul3A_13] : memref<4194304xf32, #tpu.memory_space<hbm>> -> memref<65536xf32, #tpu.memory_space<hbm>>
        tpu.wait_dma2 semaphore(%run_scoped3A : memref<!tpu.dma_semaphore, #tpu.memory_space<semaphore_mem>>) src(%dma_wait3A_20 : memref<65536xf32, #tpu.memory_space<hbm>>) dst(%arg7 : memref<65536xf32, #tpu.memory_space<vmem>>)
        tpu.yield
      }) : () -> ()
      %scan3A_14 = arith.constant 0 : i32
      %scan3A_15 = arith.constant 4 : i32
      %scan3A_16 = arith.addi %scan3A_14, %scan3A_15 : i32
      %scan3A_17 = arith.constant 1 : i32
      scf.for %scan3A_19 = %scan3A_14 to %scan3A_16 step %scan3A_17  : i32 {
        %mul3A_20 = arith.constant 512 : i32
        %mul3A_21 = arith.muli %scan3A_19, %mul3A_20 : i32
        "tpu.region"() ({
          %run_scoped3A = tpu.sem_alloc : memref<!tpu.dma_semaphore, #tpu.memory_space<semaphore_mem>>
          %dma_start3A = arith.constant 0 : i32
          %dma_start3A_27 = tpu.memref_slice %arg3[%dma_start3A, %mul3A_21] : memref<16x2048xi32, #tpu.memory_space<hbm>> -> memref<16x512xi32, #tpu.memory_space<hbm>>
          %dma_start3A_28 = arith.constant 0 : i32
          %dma_start3A_29 = tpu.memref_slice %arg3[%dma_start3A_28, %mul3A_21] : memref<16x2048xi32, #tpu.memory_space<hbm>> -> memref<16x512xi32, #tpu.memory_space<hbm>>
          tpu.enqueue_dma source(%dma_start3A_29 : memref<16x512xi32, #tpu.memory_space<hbm>>) target(%arg8 : memref<16x512xi32, #tpu.memory_space<vmem>>) target_semaphore(%run_scoped3A : memref<!tpu.dma_semaphore, #tpu.memory_space<semaphore_mem>>)
          %dma_wait3A = arith.constant 0 : i32
          %dma_wait3A_30 = tpu.memref_slice %arg3[%dma_wait3A, %mul3A_21] : memref<16x2048xi32, #tpu.memory_space<hbm>> -> memref<16x512xi32, #tpu.memory_space<hbm>>
          %dma_wait3A_31 = arith.constant 0 : i32
          %dma_wait3A_32 = tpu.memref_slice %arg3[%dma_wait3A_31, %mul3A_21] : memref<16x2048xi32, #tpu.memory_space<hbm>> -> memref<16x512xi32, #tpu.memory_space<hbm>>
          tpu.wait_dma2 semaphore(%run_scoped3A : memref<!tpu.dma_semaphore, #tpu.memory_space<semaphore_mem>>) src(%dma_wait3A_32 : memref<16x512xi32, #tpu.memory_space<hbm>>) dst(%arg8 : memref<16x512xi32, #tpu.memory_space<vmem>>)
          tpu.yield
        }) : () -> ()
        "tpu.region"() ({
          %run_scoped3A = tpu.sem_alloc : memref<!tpu.dma_semaphore, #tpu.memory_space<semaphore_mem>>
          %dma_start3A = arith.constant 0 : i32
          %dma_start3A_27 = tpu.memref_slice %arg4[%dma_start3A, %mul3A_21] : memref<16x2048xf32, #tpu.memory_space<hbm>> -> memref<16x512xf32, #tpu.memory_space<hbm>>
          %dma_start3A_28 = arith.constant 0 : i32
          %dma_start3A_29 = tpu.memref_slice %arg4[%dma_start3A_28, %mul3A_21] : memref<16x2048xf32, #tpu.memory_space<hbm>> -> memref<16x512xf32, #tpu.memory_space<hbm>>
          tpu.enqueue_dma source(%dma_start3A_29 : memref<16x512xf32, #tpu.memory_space<hbm>>) target(%arg9 : memref<16x512xf32, #tpu.memory_space<vmem>>) target_semaphore(%run_scoped3A : memref<!tpu.dma_semaphore, #tpu.memory_space<semaphore_mem>>)
          %dma_wait3A = arith.constant 0 : i32
          %dma_wait3A_30 = tpu.memref_slice %arg4[%dma_wait3A, %mul3A_21] : memref<16x2048xf32, #tpu.memory_space<hbm>> -> memref<16x512xf32, #tpu.memory_space<hbm>>
          %dma_wait3A_31 = arith.constant 0 : i32
          %dma_wait3A_32 = tpu.memref_slice %arg4[%dma_wait3A_31, %mul3A_21] : memref<16x2048xf32, #tpu.memory_space<hbm>> -> memref<16x512xf32, #tpu.memory_space<hbm>>
          tpu.wait_dma2 semaphore(%run_scoped3A : memref<!tpu.dma_semaphore, #tpu.memory_space<semaphore_mem>>) src(%dma_wait3A_32 : memref<16x512xf32, #tpu.memory_space<hbm>>) dst(%arg9 : memref<16x512xf32, #tpu.memory_space<vmem>>)
          tpu.yield
        }) : () -> ()
        "tpu.region"() ({
          %run_scoped3A = tpu.sem_alloc : memref<!tpu.dma_semaphore, #tpu.memory_space<semaphore_mem>>
          %dma_start3A = tpu.memref_slice %arg5[%mul3A_21] : memref<2048xf32, #tpu.memory_space<hbm>> -> memref<512xf32, #tpu.memory_space<hbm>>
          %dma_start3A_27 = tpu.memref_slice %arg5[%mul3A_21] : memref<2048xf32, #tpu.memory_space<hbm>> -> memref<512xf32, #tpu.memory_space<hbm>>
          tpu.enqueue_dma source(%dma_start3A_27 : memref<512xf32, #tpu.memory_space<hbm>>) target(%arg10 : memref<512xf32, #tpu.memory_space<vmem>>) target_semaphore(%run_scoped3A : memref<!tpu.dma_semaphore, #tpu.memory_space<semaphore_mem>>)
          %dma_wait3A = tpu.memref_slice %arg5[%mul3A_21] : memref<2048xf32, #tpu.memory_space<hbm>> -> memref<512xf32, #tpu.memory_space<hbm>>
          %dma_wait3A_28 = tpu.memref_slice %arg5[%mul3A_21] : memref<2048xf32, #tpu.memory_space<hbm>> -> memref<512xf32, #tpu.memory_space<hbm>>
          tpu.wait_dma2 semaphore(%run_scoped3A : memref<!tpu.dma_semaphore, #tpu.memory_space<semaphore_mem>>) src(%dma_wait3A_28 : memref<512xf32, #tpu.memory_space<hbm>>) dst(%arg10 : memref<512xf32, #tpu.memory_space<vmem>>)
          tpu.yield
        }) : () -> ()
        %scan3A_22 = arith.constant 0 : i32
        %scan3A_23 = arith.constant 32 : i32
        %scan3A_24 = arith.addi %scan3A_22, %scan3A_23 : i32
        %scan3A_25 = arith.constant 1 : i32
        scf.for %scan3A_27 = %scan3A_22 to %scan3A_24 step %scan3A_25  : i32 {
          %mul3A_28 = arith.constant 16 : i32
          %mul3A_29 = arith.muli %scan3A_27, %mul3A_28 : i32
          %get3A = arith.constant 0 : i32
          %get3A_30 = arith.index_cast %get3A : i32 to index
          %get3A_31 = arith.index_cast %mul3A_29 : i32 to index
          %get3A_32 = tpu.vector_load %arg8[%get3A_30, %get3A_31] {strides = array<i32>} : memref<16x512xi32, #tpu.memory_space<vmem>>, vector<16xi32>,
          %get3A_33 = arith.constant 1 : i32
          %get3A_34 = arith.index_cast %get3A_33 : i32 to index
          %get3A_35 = arith.index_cast %mul3A_29 : i32 to index
          %get3A_36 = tpu.vector_load %arg8[%get3A_34, %get3A_35] {strides = array<i32>} : memref<16x512xi32, #tpu.memory_space<vmem>>, vector<16xi32>,
          %get3A_37 = arith.constant 2 : i32
          %get3A_38 = arith.index_cast %get3A_37 : i32 to index
          %get3A_39 = arith.index_cast %mul3A_29 : i32 to index
          %get3A_40 = tpu.vector_load %arg8[%get3A_38, %get3A_39] {strides = array<i32>} : memref<16x512xi32, #tpu.memory_space<vmem>>, vector<16xi32>,
          %get3A_41 = arith.constant 3 : i32
          %get3A_42 = arith.index_cast %get3A_41 : i32 to index
          %get3A_43 = arith.index_cast %mul3A_29 : i32 to index
          %get3A_44 = tpu.vector_load %arg8[%get3A_42, %get3A_43] {strides = array<i32>} : memref<16x512xi32, #tpu.memory_space<vmem>>, vector<16xi32>,
          %get3A_45 = arith.constant 4 : i32
          %get3A_46 = arith.index_cast %get3A_45 : i32 to index
          %get3A_47 = arith.index_cast %mul3A_29 : i32 to index
          %get3A_48 = tpu.vector_load %arg8[%get3A_46, %get3A_47] {strides = array<i32>} : memref<16x512xi32, #tpu.memory_space<vmem>>, vector<16xi32>,
          %get3A_49 = arith.constant 5 : i32
          %get3A_50 = arith.index_cast %get3A_49 : i32 to index
          %get3A_51 = arith.index_cast %mul3A_29 : i32 to index
          %get3A_52 = tpu.vector_load %arg8[%get3A_50, %get3A_51] {strides = array<i32>} : memref<16x512xi32, #tpu.memory_space<vmem>>, vector<16xi32>,
          %get3A_53 = arith.constant 6 : i32
          %get3A_54 = arith.index_cast %get3A_53 : i32 to index
          %get3A_55 = arith.index_cast %mul3A_29 : i32 to index
          %get3A_56 = tpu.vector_load %arg8[%get3A_54, %get3A_55] {strides = array<i32>} : memref<16x512xi32, #tpu.memory_space<vmem>>, vector<16xi32>,
          %get3A_57 = arith.constant 7 : i32
          %get3A_58 = arith.index_cast %get3A_57 : i32 to index
          %get3A_59 = arith.index_cast %mul3A_29 : i32 to index
          %get3A_60 = tpu.vector_load %arg8[%get3A_58, %get3A_59] {strides = array<i32>} : memref<16x512xi32, #tpu.memory_space<vmem>>, vector<16xi32>,
          %get3A_61 = arith.constant 8 : i32
          %get3A_62 = arith.index_cast %get3A_61 : i32 to index
          %get3A_63 = arith.index_cast %mul3A_29 : i32 to index
          %get3A_64 = tpu.vector_load %arg8[%get3A_62, %get3A_63] {strides = array<i32>} : memref<16x512xi32, #tpu.memory_space<vmem>>, vector<16xi32>,
          %get3A_65 = arith.constant 9 : i32
          %get3A_66 = arith.index_cast %get3A_65 : i32 to index
          %get3A_67 = arith.index_cast %mul3A_29 : i32 to index
          %get3A_68 = tpu.vector_load %arg8[%get3A_66, %get3A_67] {strides = array<i32>} : memref<16x512xi32, #tpu.memory_space<vmem>>, vector<16xi32>,
          %get3A_69 = arith.constant 10 : i32
          %get3A_70 = arith.index_cast %get3A_69 : i32 to index
          %get3A_71 = arith.index_cast %mul3A_29 : i32 to index
          %get3A_72 = tpu.vector_load %arg8[%get3A_70, %get3A_71] {strides = array<i32>} : memref<16x512xi32, #tpu.memory_space<vmem>>, vector<16xi32>,
          %get3A_73 = arith.constant 11 : i32
          %get3A_74 = arith.index_cast %get3A_73 : i32 to index
          %get3A_75 = arith.index_cast %mul3A_29 : i32 to index
          %get3A_76 = tpu.vector_load %arg8[%get3A_74, %get3A_75] {strides = array<i32>} : memref<16x512xi32, #tpu.memory_space<vmem>>, vector<16xi32>,
          %get3A_77 = arith.constant 12 : i32
          %get3A_78 = arith.index_cast %get3A_77 : i32 to index
          %get3A_79 = arith.index_cast %mul3A_29 : i32 to index
          %get3A_80 = tpu.vector_load %arg8[%get3A_78, %get3A_79] {strides = array<i32>} : memref<16x512xi32, #tpu.memory_space<vmem>>, vector<16xi32>,
          %get3A_81 = arith.constant 13 : i32
          %get3A_82 = arith.index_cast %get3A_81 : i32 to index
          %get3A_83 = arith.index_cast %mul3A_29 : i32 to index
          %get3A_84 = tpu.vector_load %arg8[%get3A_82, %get3A_83] {strides = array<i32>} : memref<16x512xi32, #tpu.memory_space<vmem>>, vector<16xi32>,
          %get3A_85 = arith.constant 14 : i32
          %get3A_86 = arith.index_cast %get3A_85 : i32 to index
          %get3A_87 = arith.index_cast %mul3A_29 : i32 to index
          %get3A_88 = tpu.vector_load %arg8[%get3A_86, %get3A_87] {strides = array<i32>} : memref<16x512xi32, #tpu.memory_space<vmem>>, vector<16xi32>,
          %get3A_89 = arith.constant 15 : i32
          %get3A_90 = arith.index_cast %get3A_89 : i32 to index
          %get3A_91 = arith.index_cast %mul3A_29 : i32 to index
          %get3A_92 = tpu.vector_load %arg8[%get3A_90, %get3A_91] {strides = array<i32>} : memref<16x512xi32, #tpu.memory_space<vmem>>, vector<16xi32>,
          %get3A_93 = arith.constant 0 : i32
          %get3A_94 = arith.index_cast %get3A_93 : i32 to index
          %get3A_95 = arith.index_cast %mul3A_29 : i32 to index
          %get3A_96 = tpu.vector_load %arg9[%get3A_94, %get3A_95] {strides = array<i32>} : memref<16x512xf32, #tpu.memory_space<vmem>>, vector<16xf32>,
          %get3A_97 = arith.constant 1 : i32
          %get3A_98 = arith.index_cast %get3A_97 : i32 to index
          %get3A_99 = arith.index_cast %mul3A_29 : i32 to index
          %get3A_100 = tpu.vector_load %arg9[%get3A_98, %get3A_99] {strides = array<i32>} : memref<16x512xf32, #tpu.memory_space<vmem>>, vector<16xf32>,
          %get3A_101 = arith.constant 2 : i32
          %get3A_102 = arith.index_cast %get3A_101 : i32 to index
          %get3A_103 = arith.index_cast %mul3A_29 : i32 to index
          %get3A_104 = tpu.vector_load %arg9[%get3A_102, %get3A_103] {strides = array<i32>} : memref<16x512xf32, #tpu.memory_space<vmem>>, vector<16xf32>,
          %get3A_105 = arith.constant 3 : i32
          %get3A_106 = arith.index_cast %get3A_105 : i32 to index
          %get3A_107 = arith.index_cast %mul3A_29 : i32 to index
          %get3A_108 = tpu.vector_load %arg9[%get3A_106, %get3A_107] {strides = array<i32>} : memref<16x512xf32, #tpu.memory_space<vmem>>, vector<16xf32>,
          %get3A_109 = arith.constant 4 : i32
          %get3A_110 = arith.index_cast %get3A_109 : i32 to index
          %get3A_111 = arith.index_cast %mul3A_29 : i32 to index
          %get3A_112 = tpu.vector_load %arg9[%get3A_110, %get3A_111] {strides = array<i32>} : memref<16x512xf32, #tpu.memory_space<vmem>>, vector<16xf32>,
          %get3A_113 = arith.constant 5 : i32
          %get3A_114 = arith.index_cast %get3A_113 : i32 to index
          %get3A_115 = arith.index_cast %mul3A_29 : i32 to index
          %get3A_116 = tpu.vector_load %arg9[%get3A_114, %get3A_115] {strides = array<i32>} : memref<16x512xf32, #tpu.memory_space<vmem>>, vector<16xf32>,
          %get3A_117 = arith.constant 6 : i32
          %get3A_118 = arith.index_cast %get3A_117 : i32 to index
          %get3A_119 = arith.index_cast %mul3A_29 : i32 to index
          %get3A_120 = tpu.vector_load %arg9[%get3A_118, %get3A_119] {strides = array<i32>} : memref<16x512xf32, #tpu.memory_space<vmem>>, vector<16xf32>,
          %get3A_121 = arith.constant 7 : i32
          %get3A_122 = arith.index_cast %get3A_121 : i32 to index
          %get3A_123 = arith.index_cast %mul3A_29 : i32 to index
          %get3A_124 = tpu.vector_load %arg9[%get3A_122, %get3A_123] {strides = array<i32>} : memref<16x512xf32, #tpu.memory_space<vmem>>, vector<16xf32>,
          %get3A_125 = arith.constant 8 : i32
          %get3A_126 = arith.index_cast %get3A_125 : i32 to index
          %get3A_127 = arith.index_cast %mul3A_29 : i32 to index
          %get3A_128 = tpu.vector_load %arg9[%get3A_126, %get3A_127] {strides = array<i32>} : memref<16x512xf32, #tpu.memory_space<vmem>>, vector<16xf32>,
          %get3A_129 = arith.constant 9 : i32
          %get3A_130 = arith.index_cast %get3A_129 : i32 to index
          %get3A_131 = arith.index_cast %mul3A_29 : i32 to index
          %get3A_132 = tpu.vector_load %arg9[%get3A_130, %get3A_131] {strides = array<i32>} : memref<16x512xf32, #tpu.memory_space<vmem>>, vector<16xf32>,
          %get3A_133 = arith.constant 10 : i32
          %get3A_134 = arith.index_cast %get3A_133 : i32 to index
          %get3A_135 = arith.index_cast %mul3A_29 : i32 to index
          %get3A_136 = tpu.vector_load %arg9[%get3A_134, %get3A_135] {strides = array<i32>} : memref<16x512xf32, #tpu.memory_space<vmem>>, vector<16xf32>,
          %get3A_137 = arith.constant 11 : i32
          %get3A_138 = arith.index_cast %get3A_137 : i32 to index
          %get3A_139 = arith.index_cast %mul3A_29 : i32 to index
          %get3A_140 = tpu.vector_load %arg9[%get3A_138, %get3A_139] {strides = array<i32>} : memref<16x512xf32, #tpu.memory_space<vmem>>, vector<16xf32>,
          %get3A_141 = arith.constant 12 : i32
          %get3A_142 = arith.index_cast %get3A_141 : i32 to index
          %get3A_143 = arith.index_cast %mul3A_29 : i32 to index
          %get3A_144 = tpu.vector_load %arg9[%get3A_142, %get3A_143] {strides = array<i32>} : memref<16x512xf32, #tpu.memory_space<vmem>>, vector<16xf32>,
          %get3A_145 = arith.constant 13 : i32
          %get3A_146 = arith.index_cast %get3A_145 : i32 to index
          %get3A_147 = arith.index_cast %mul3A_29 : i32 to index
          %get3A_148 = tpu.vector_load %arg9[%get3A_146, %get3A_147] {strides = array<i32>} : memref<16x512xf32, #tpu.memory_space<vmem>>, vector<16xf32>,
          %get3A_149 = arith.constant 14 : i32
          %get3A_150 = arith.index_cast %get3A_149 : i32 to index
          %get3A_151 = arith.index_cast %mul3A_29 : i32 to index
          %get3A_152 = tpu.vector_load %arg9[%get3A_150, %get3A_151] {strides = array<i32>} : memref<16x512xf32, #tpu.memory_space<vmem>>, vector<16xf32>,
          %get3A_153 = arith.constant 15 : i32
          %get3A_154 = arith.index_cast %get3A_153 : i32 to index
          %get3A_155 = arith.index_cast %mul3A_29 : i32 to index
          %get3A_156 = tpu.vector_load %arg9[%get3A_154, %get3A_155] {strides = array<i32>} : memref<16x512xf32, #tpu.memory_space<vmem>>, vector<16xf32>,
          %get3A_157 = arith.index_cast %mul3A_29 : i32 to index
          %get3A_158 = tpu.vector_load %arg10[%get3A_157] {strides = array<i32>} : memref<512xf32, #tpu.memory_space<vmem>>, vector<16xf32>,
          %neg3A = arith.constant 0.000000e+00 : f32
          %neg3A_159 = vector.broadcast %neg3A : f32 to vector<16xf32>
          %neg3A_160 = arith.subf %neg3A_159, %get3A_158 : vector<16xf32>
          %add3A_161 = arith.constant 0 : i32
          %add3A_162 = vector.broadcast %add3A_161 : i32 to vector<16xi32>
          %add3A_163 = arith.addi %get3A_32, %add3A_162 : vector<16xi32>
          %gather3A = tpu.vector_load_idx %arg7[%add3A_163] : memref<65536xf32, #tpu.memory_space<vmem>>[vector<16xi32>], vector<16xf32>,
          %mul3A_164 = arith.mulf %get3A_96, %gather3A : vector<16xf32>
          %add3A_165 = arith.addf %neg3A_160, %mul3A_164 : vector<16xf32>
          %add3A_166 = arith.constant 0 : i32
          %add3A_167 = vector.broadcast %add3A_166 : i32 to vector<16xi32>
          %add3A_168 = arith.addi %get3A_36, %add3A_167 : vector<16xi32>
          %gather3A_169 = tpu.vector_load_idx %arg7[%add3A_168] : memref<65536xf32, #tpu.memory_space<vmem>>[vector<16xi32>], vector<16xf32>,
          %mul3A_170 = arith.mulf %get3A_100, %gather3A_169 : vector<16xf32>
          %add3A_171 = arith.addf %add3A_165, %mul3A_170 : vector<16xf32>
          %add3A_172 = arith.constant 0 : i32
          %add3A_173 = vector.broadcast %add3A_172 : i32 to vector<16xi32>
          %add3A_174 = arith.addi %get3A_40, %add3A_173 : vector<16xi32>
          %gather3A_175 = tpu.vector_load_idx %arg7[%add3A_174] : memref<65536xf32, #tpu.memory_space<vmem>>[vector<16xi32>], vector<16xf32>,
          %mul3A_176 = arith.mulf %get3A_104, %gather3A_175 : vector<16xf32>
          %add3A_177 = arith.addf %add3A_171, %mul3A_176 : vector<16xf32>
          %add3A_178 = arith.constant 0 : i32
          %add3A_179 = vector.broadcast %add3A_178 : i32 to vector<16xi32>
          %add3A_180 = arith.addi %get3A_44, %add3A_179 : vector<16xi32>
          %gather3A_181 = tpu.vector_load_idx %arg7[%add3A_180] : memref<65536xf32, #tpu.memory_space<vmem>>[vector<16xi32>], vector<16xf32>,
          %mul3A_182 = arith.mulf %get3A_108, %gather3A_181 : vector<16xf32>
          %add3A_183 = arith.addf %add3A_177, %mul3A_182 : vector<16xf32>
          %add3A_184 = arith.constant 0 : i32
          %add3A_185 = vector.broadcast %add3A_184 : i32 to vector<16xi32>
          %add3A_186 = arith.addi %get3A_48, %add3A_185 : vector<16xi32>
          %gather3A_187 = tpu.vector_load_idx %arg7[%add3A_186] : memref<65536xf32, #tpu.memory_space<vmem>>[vector<16xi32>], vector<16xf32>,
          %mul3A_188 = arith.mulf %get3A_112, %gather3A_187 : vector<16xf32>
          %add3A_189 = arith.addf %add3A_183, %mul3A_188 : vector<16xf32>
          %add3A_190 = arith.constant 0 : i32
          %add3A_191 = vector.broadcast %add3A_190 : i32 to vector<16xi32>
          %add3A_192 = arith.addi %get3A_52, %add3A_191 : vector<16xi32>
          %gather3A_193 = tpu.vector_load_idx %arg7[%add3A_192] : memref<65536xf32, #tpu.memory_space<vmem>>[vector<16xi32>], vector<16xf32>,
          %mul3A_194 = arith.mulf %get3A_116, %gather3A_193 : vector<16xf32>
          %add3A_195 = arith.addf %add3A_189, %mul3A_194 : vector<16xf32>
          %add3A_196 = arith.constant 0 : i32
          %add3A_197 = vector.broadcast %add3A_196 : i32 to vector<16xi32>
          %add3A_198 = arith.addi %get3A_56, %add3A_197 : vector<16xi32>
          %gather3A_199 = tpu.vector_load_idx %arg7[%add3A_198] : memref<65536xf32, #tpu.memory_space<vmem>>[vector<16xi32>], vector<16xf32>,
          %mul3A_200 = arith.mulf %get3A_120, %gather3A_199 : vector<16xf32>
          %add3A_201 = arith.addf %add3A_195, %mul3A_200 : vector<16xf32>
          %add3A_202 = arith.constant 0 : i32
          %add3A_203 = vector.broadcast %add3A_202 : i32 to vector<16xi32>
          %add3A_204 = arith.addi %get3A_60, %add3A_203 : vector<16xi32>
          %gather3A_205 = tpu.vector_load_idx %arg7[%add3A_204] : memref<65536xf32, #tpu.memory_space<vmem>>[vector<16xi32>], vector<16xf32>,
          %mul3A_206 = arith.mulf %get3A_124, %gather3A_205 : vector<16xf32>
          %add3A_207 = arith.addf %add3A_201, %mul3A_206 : vector<16xf32>
          %add3A_208 = arith.constant 0 : i32
          %add3A_209 = vector.broadcast %add3A_208 : i32 to vector<16xi32>
          %add3A_210 = arith.addi %get3A_64, %add3A_209 : vector<16xi32>
          %gather3A_211 = tpu.vector_load_idx %arg7[%add3A_210] : memref<65536xf32, #tpu.memory_space<vmem>>[vector<16xi32>], vector<16xf32>,
          %mul3A_212 = arith.mulf %get3A_128, %gather3A_211 : vector<16xf32>
          %add3A_213 = arith.addf %add3A_207, %mul3A_212 : vector<16xf32>
          %add3A_214 = arith.constant 0 : i32
          %add3A_215 = vector.broadcast %add3A_214 : i32 to vector<16xi32>
          %add3A_216 = arith.addi %get3A_68, %add3A_215 : vector<16xi32>
          %gather3A_217 = tpu.vector_load_idx %arg7[%add3A_216] : memref<65536xf32, #tpu.memory_space<vmem>>[vector<16xi32>], vector<16xf32>,
          %mul3A_218 = arith.mulf %get3A_132, %gather3A_217 : vector<16xf32>
          %add3A_219 = arith.addf %add3A_213, %mul3A_218 : vector<16xf32>
          %add3A_220 = arith.constant 0 : i32
          %add3A_221 = vector.broadcast %add3A_220 : i32 to vector<16xi32>
          %add3A_222 = arith.addi %get3A_72, %add3A_221 : vector<16xi32>
          %gather3A_223 = tpu.vector_load_idx %arg7[%add3A_222] : memref<65536xf32, #tpu.memory_space<vmem>>[vector<16xi32>], vector<16xf32>,
          %mul3A_224 = arith.mulf %get3A_136, %gather3A_223 : vector<16xf32>
          %add3A_225 = arith.addf %add3A_219, %mul3A_224 : vector<16xf32>
          %add3A_226 = arith.constant 0 : i32
          %add3A_227 = vector.broadcast %add3A_226 : i32 to vector<16xi32>
          %add3A_228 = arith.addi %get3A_76, %add3A_227 : vector<16xi32>
          %gather3A_229 = tpu.vector_load_idx %arg7[%add3A_228] : memref<65536xf32, #tpu.memory_space<vmem>>[vector<16xi32>], vector<16xf32>,
          %mul3A_230 = arith.mulf %get3A_140, %gather3A_229 : vector<16xf32>
          %add3A_231 = arith.addf %add3A_225, %mul3A_230 : vector<16xf32>
          %add3A_232 = arith.constant 0 : i32
          %add3A_233 = vector.broadcast %add3A_232 : i32 to vector<16xi32>
          %add3A_234 = arith.addi %get3A_80, %add3A_233 : vector<16xi32>
          %gather3A_235 = tpu.vector_load_idx %arg7[%add3A_234] : memref<65536xf32, #tpu.memory_space<vmem>>[vector<16xi32>], vector<16xf32>,
          %mul3A_236 = arith.mulf %get3A_144, %gather3A_235 : vector<16xf32>
          %add3A_237 = arith.addf %add3A_231, %mul3A_236 : vector<16xf32>
          %add3A_238 = arith.constant 0 : i32
          %add3A_239 = vector.broadcast %add3A_238 : i32 to vector<16xi32>
          %add3A_240 = arith.addi %get3A_84, %add3A_239 : vector<16xi32>
          %gather3A_241 = tpu.vector_load_idx %arg7[%add3A_240] : memref<65536xf32, #tpu.memory_space<vmem>>[vector<16xi32>], vector<16xf32>,
          %mul3A_242 = arith.mulf %get3A_148, %gather3A_241 : vector<16xf32>
          %add3A_243 = arith.addf %add3A_237, %mul3A_242 : vector<16xf32>
          %add3A_244 = arith.constant 0 : i32
          %add3A_245 = vector.broadcast %add3A_244 : i32 to vector<16xi32>
          %add3A_246 = arith.addi %get3A_88, %add3A_245 : vector<16xi32>
          %gather3A_247 = tpu.vector_load_idx %arg7[%add3A_246] : memref<65536xf32, #tpu.memory_space<vmem>>[vector<16xi32>], vector<16xf32>,
          %mul3A_248 = arith.mulf %get3A_152, %gather3A_247 : vector<16xf32>
          %add3A_249 = arith.addf %add3A_243, %mul3A_248 : vector<16xf32>
          %add3A_250 = arith.constant 0 : i32
          %add3A_251 = vector.broadcast %add3A_250 : i32 to vector<16xi32>
          %add3A_252 = arith.addi %get3A_92, %add3A_251 : vector<16xi32>
          %gather3A_253 = tpu.vector_load_idx %arg7[%add3A_252] : memref<65536xf32, #tpu.memory_space<vmem>>[vector<16xi32>], vector<16xf32>,
          %mul3A_254 = arith.mulf %get3A_156, %gather3A_253 : vector<16xf32>
          %add3A_255 = arith.addf %add3A_249, %mul3A_254 : vector<16xf32>
          %swap3A = arith.constant 0 : i32
          %swap3A_256 = arith.index_cast %swap3A : i32 to index
          %swap3A_257 = arith.index_cast %mul3A_29 : i32 to index
          %swap3A_258 = tpu.vector_load %arg11[%swap3A_256, %swap3A_257] {strides = array<i32>} : memref<16x512xf32, #tpu.memory_space<vmem>>, vector<16xf32>,
          tpu.vector_store %arg11[%swap3A_256, %swap3A_257], %add3A_255 {strides = array<i32>} : memref<16x512xf32, #tpu.memory_space<vmem>>, vector<16xf32>,
          %add3A_259 = arith.constant 4096 : i32
          %add3A_260 = vector.broadcast %add3A_259 : i32 to vector<16xi32>
          %add3A_261 = arith.addi %get3A_32, %add3A_260 : vector<16xi32>
          %gather3A_262 = tpu.vector_load_idx %arg7[%add3A_261] : memref<65536xf32, #tpu.memory_space<vmem>>[vector<16xi32>], vector<16xf32>,
          %mul3A_263 = arith.mulf %get3A_96, %gather3A_262 : vector<16xf32>
          %add3A_264 = arith.addf %neg3A_160, %mul3A_263 : vector<16xf32>
          %add3A_265 = arith.constant 4096 : i32
          %add3A_266 = vector.broadcast %add3A_265 : i32 to vector<16xi32>
          %add3A_267 = arith.addi %get3A_36, %add3A_266 : vector<16xi32>
          %gather3A_268 = tpu.vector_load_idx %arg7[%add3A_267] : memref<65536xf32, #tpu.memory_space<vmem>>[vector<16xi32>], vector<16xf32>,
          %mul3A_269 = arith.mulf %get3A_100, %gather3A_268 : vector<16xf32>
          %add3A_270 = arith.addf %add3A_264, %mul3A_269 : vector<16xf32>
          %add3A_271 = arith.constant 4096 : i32
          %add3A_272 = vector.broadcast %add3A_271 : i32 to vector<16xi32>
          %add3A_273 = arith.addi %get3A_40, %add3A_272 : vector<16xi32>
          %gather3A_274 = tpu.vector_load_idx %arg7[%add3A_273] : memref<65536xf32, #tpu.memory_space<vmem>>[vector<16xi32>], vector<16xf32>,
          %mul3A_275 = arith.mulf %get3A_104, %gather3A_274 : vector<16xf32>
          %add3A_276 = arith.addf %add3A_270, %mul3A_275 : vector<16xf32>
          %add3A_277 = arith.constant 4096 : i32
          %add3A_278 = vector.broadcast %add3A_277 : i32 to vector<16xi32>
          %add3A_279 = arith.addi %get3A_44, %add3A_278 : vector<16xi32>
          %gather3A_280 = tpu.vector_load_idx %arg7[%add3A_279] : memref<65536xf32, #tpu.memory_space<vmem>>[vector<16xi32>], vector<16xf32>,
          %mul3A_281 = arith.mulf %get3A_108, %gather3A_280 : vector<16xf32>
          %add3A_282 = arith.addf %add3A_276, %mul3A_281 : vector<16xf32>
          %add3A_283 = arith.constant 4096 : i32
          %add3A_284 = vector.broadcast %add3A_283 : i32 to vector<16xi32>
          %add3A_285 = arith.addi %get3A_48, %add3A_284 : vector<16xi32>
          %gather3A_286 = tpu.vector_load_idx %arg7[%add3A_285] : memref<65536xf32, #tpu.memory_space<vmem>>[vector<16xi32>], vector<16xf32>,
          %mul3A_287 = arith.mulf %get3A_112, %gather3A_286 : vector<16xf32>
          %add3A_288 = arith.addf %add3A_282, %mul3A_287 : vector<16xf32>
          %add3A_289 = arith.constant 4096 : i32
          %add3A_290 = vector.broadcast %add3A_289 : i32 to vector<16xi32>
          %add3A_291 = arith.addi %get3A_52, %add3A_290 : vector<16xi32>
          %gather3A_292 = tpu.vector_load_idx %arg7[%add3A_291] : memref<65536xf32, #tpu.memory_space<vmem>>[vector<16xi32>], vector<16xf32>,
          %mul3A_293 = arith.mulf %get3A_116, %gather3A_292 : vector<16xf32>
          %add3A_294 = arith.addf %add3A_288, %mul3A_293 : vector<16xf32>
          %add3A_295 = arith.constant 4096 : i32
          %add3A_296 = vector.broadcast %add3A_295 : i32 to vector<16xi32>
          %add3A_297 = arith.addi %get3A_56, %add3A_296 : vector<16xi32>
          %gather3A_298 = tpu.vector_load_idx %arg7[%add3A_297] : memref<65536xf32, #tpu.memory_space<vmem>>[vector<16xi32>], vector<16xf32>,
          %mul3A_299 = arith.mulf %get3A_120, %gather3A_298 : vector<16xf32>
          %add3A_300 = arith.addf %add3A_294, %mul3A_299 : vector<16xf32>
          %add3A_301 = arith.constant 4096 : i32
          %add3A_302 = vector.broadcast %add3A_301 : i32 to vector<16xi32>
          %add3A_303 = arith.addi %get3A_60, %add3A_302 : vector<16xi32>
          %gather3A_304 = tpu.vector_load_idx %arg7[%add3A_303] : memref<65536xf32, #tpu.memory_space<vmem>>[vector<16xi32>], vector<16xf32>,
          %mul3A_305 = arith.mulf %get3A_124, %gather3A_304 : vector<16xf32>
          %add3A_306 = arith.addf %add3A_300, %mul3A_305 : vector<16xf32>
          %add3A_307 = arith.constant 4096 : i32
          %add3A_308 = vector.broadcast %add3A_307 : i32 to vector<16xi32>
          %add3A_309 = arith.addi %get3A_64, %add3A_308 : vector<16xi32>
          %gather3A_310 = tpu.vector_load_idx %arg7[%add3A_309] : memref<65536xf32, #tpu.memory_space<vmem>>[vector<16xi32>], vector<16xf32>,
          %mul3A_311 = arith.mulf %get3A_128, %gather3A_310 : vector<16xf32>
          %add3A_312 = arith.addf %add3A_306, %mul3A_311 : vector<16xf32>
          %add3A_313 = arith.constant 4096 : i32
          %add3A_314 = vector.broadcast %add3A_313 : i32 to vector<16xi32>
          %add3A_315 = arith.addi %get3A_68, %add3A_314 : vector<16xi32>
          %gather3A_316 = tpu.vector_load_idx %arg7[%add3A_315] : memref<65536xf32, #tpu.memory_space<vmem>>[vector<16xi32>], vector<16xf32>,
          %mul3A_317 = arith.mulf %get3A_132, %gather3A_316 : vector<16xf32>
          %add3A_318 = arith.addf %add3A_312, %mul3A_317 : vector<16xf32>
          %add3A_319 = arith.constant 4096 : i32
          %add3A_320 = vector.broadcast %add3A_319 : i32 to vector<16xi32>
          %add3A_321 = arith.addi %get3A_72, %add3A_320 : vector<16xi32>
          %gather3A_322 = tpu.vector_load_idx %arg7[%add3A_321] : memref<65536xf32, #tpu.memory_space<vmem>>[vector<16xi32>], vector<16xf32>,
          %mul3A_323 = arith.mulf %get3A_136, %gather3A_322 : vector<16xf32>
          %add3A_324 = arith.addf %add3A_318, %mul3A_323 : vector<16xf32>
          %add3A_325 = arith.constant 4096 : i32
          %add3A_326 = vector.broadcast %add3A_325 : i32 to vector<16xi32>
          %add3A_327 = arith.addi %get3A_76, %add3A_326 : vector<16xi32>
          %gather3A_328 = tpu.vector_load_idx %arg7[%add3A_327] : memref<65536xf32, #tpu.memory_space<vmem>>[vector<16xi32>], vector<16xf32>,
          %mul3A_329 = arith.mulf %get3A_140, %gather3A_328 : vector<16xf32>
          %add3A_330 = arith.addf %add3A_324, %mul3A_329 : vector<16xf32>
          %add3A_331 = arith.constant 4096 : i32
          %add3A_332 = vector.broadcast %add3A_331 : i32 to vector<16xi32>
          %add3A_333 = arith.addi %get3A_80, %add3A_332 : vector<16xi32>
          %gather3A_334 = tpu.vector_load_idx %arg7[%add3A_333] : memref<65536xf32, #tpu.memory_space<vmem>>[vector<16xi32>], vector<16xf32>,
          %mul3A_335 = arith.mulf %get3A_144, %gather3A_334 : vector<16xf32>
          %add3A_336 = arith.addf %add3A_330, %mul3A_335 : vector<16xf32>
          %add3A_337 = arith.constant 4096 : i32
          %add3A_338 = vector.broadcast %add3A_337 : i32 to vector<16xi32>
          %add3A_339 = arith.addi %get3A_84, %add3A_338 : vector<16xi32>
          %gather3A_340 = tpu.vector_load_idx %arg7[%add3A_339] : memref<65536xf32, #tpu.memory_space<vmem>>[vector<16xi32>], vector<16xf32>,
          %mul3A_341 = arith.mulf %get3A_148, %gather3A_340 : vector<16xf32>
          %add3A_342 = arith.addf %add3A_336, %mul3A_341 : vector<16xf32>
          %add3A_343 = arith.constant 4096 : i32
          %add3A_344 = vector.broadcast %add3A_343 : i32 to vector<16xi32>
          %add3A_345 = arith.addi %get3A_88, %add3A_344 : vector<16xi32>
          %gather3A_346 = tpu.vector_load_idx %arg7[%add3A_345] : memref<65536xf32, #tpu.memory_space<vmem>>[vector<16xi32>], vector<16xf32>,
          %mul3A_347 = arith.mulf %get3A_152, %gather3A_346 : vector<16xf32>
          %add3A_348 = arith.addf %add3A_342, %mul3A_347 : vector<16xf32>
          %add3A_349 = arith.constant 4096 : i32
          %add3A_350 = vector.broadcast %add3A_349 : i32 to vector<16xi32>
          %add3A_351 = arith.addi %get3A_92, %add3A_350 : vector<16xi32>
          %gather3A_352 = tpu.vector_load_idx %arg7[%add3A_351] : memref<65536xf32, #tpu.memory_space<vmem>>[vector<16xi32>], vector<16xf32>,
          %mul3A_353 = arith.mulf %get3A_156, %gather3A_352 : vector<16xf32>
          %add3A_354 = arith.addf %add3A_348, %mul3A_353 : vector<16xf32>
          %swap3A_355 = arith.constant 1 : i32
          %swap3A_356 = arith.index_cast %swap3A_355 : i32 to index
          %swap3A_357 = arith.index_cast %mul3A_29 : i32 to index
          %swap3A_358 = tpu.vector_load %arg11[%swap3A_356, %swap3A_357] {strides = array<i32>} : memref<16x512xf32, #tpu.memory_space<vmem>>, vector<16xf32>,
          tpu.vector_store %arg11[%swap3A_356, %swap3A_357], %add3A_354 {strides = array<i32>} : memref<16x512xf32, #tpu.memory_space<vmem>>, vector<16xf32>,
          %add3A_359 = arith.constant 8192 : i32
          %add3A_360 = vector.broadcast %add3A_359 : i32 to vector<16xi32>
          %add3A_361 = arith.addi %get3A_32, %add3A_360 : vector<16xi32>
          %gather3A_362 = tpu.vector_load_idx %arg7[%add3A_361] : memref<65536xf32, #tpu.memory_space<vmem>>[vector<16xi32>], vector<16xf32>,
          %mul3A_363 = arith.mulf %get3A_96, %gather3A_362 : vector<16xf32>
          %add3A_364 = arith.addf %neg3A_160, %mul3A_363 : vector<16xf32>
          %add3A_365 = arith.constant 8192 : i32
          %add3A_366 = vector.broadcast %add3A_365 : i32 to vector<16xi32>
          %add3A_367 = arith.addi %get3A_36, %add3A_366 : vector<16xi32>
          %gather3A_368 = tpu.vector_load_idx %arg7[%add3A_367] : memref<65536xf32, #tpu.memory_space<vmem>>[vector<16xi32>], vector<16xf32>,
          %mul3A_369 = arith.mulf %get3A_100, %gather3A_368 : vector<16xf32>
          %add3A_370 = arith.addf %add3A_364, %mul3A_369 : vector<16xf32>
          %add3A_371 = arith.constant 8192 : i32
          %add3A_372 = vector.broadcast %add3A_371 : i32 to vector<16xi32>
          %add3A_373 = arith.addi %get3A_40, %add3A_372 : vector<16xi32>
          %gather3A_374 = tpu.vector_load_idx %arg7[%add3A_373] : memref<65536xf32, #tpu.memory_space<vmem>>[vector<16xi32>], vector<16xf32>,
          %mul3A_375 = arith.mulf %get3A_104, %gather3A_374 : vector<16xf32>
          %add3A_376 = arith.addf %add3A_370, %mul3A_375 : vector<16xf32>
          %add3A_377 = arith.constant 8192 : i32
          %add3A_378 = vector.broadcast %add3A_377 : i32 to vector<16xi32>
          %add3A_379 = arith.addi %get3A_44, %add3A_378 : vector<16xi32>
          %gather3A_380 = tpu.vector_load_idx %arg7[%add3A_379] : memref<65536xf32, #tpu.memory_space<vmem>>[vector<16xi32>], vector<16xf32>,
          %mul3A_381 = arith.mulf %get3A_108, %gather3A_380 : vector<16xf32>
          %add3A_382 = arith.addf %add3A_376, %mul3A_381 : vector<16xf32>
          %add3A_383 = arith.constant 8192 : i32
          %add3A_384 = vector.broadcast %add3A_383 : i32 to vector<16xi32>
          %add3A_385 = arith.addi %get3A_48, %add3A_384 : vector<16xi32>
          %gather3A_386 = tpu.vector_load_idx %arg7[%add3A_385] : memref<65536xf32, #tpu.memory_space<vmem>>[vector<16xi32>], vector<16xf32>,
          %mul3A_387 = arith.mulf %get3A_112, %gather3A_386 : vector<16xf32>
          %add3A_388 = arith.addf %add3A_382, %mul3A_387 : vector<16xf32>
          %add3A_389 = arith.constant 8192 : i32
          %add3A_390 = vector.broadcast %add3A_389 : i32 to vector<16xi32>
          %add3A_391 = arith.addi %get3A_52, %add3A_390 : vector<16xi32>
          %gather3A_392 = tpu.vector_load_idx %arg7[%add3A_391] : memref<65536xf32, #tpu.memory_space<vmem>>[vector<16xi32>], vector<16xf32>,
          %mul3A_393 = arith.mulf %get3A_116, %gather3A_392 : vector<16xf32>
          %add3A_394 = arith.addf %add3A_388, %mul3A_393 : vector<16xf32>
          %add3A_395 = arith.constant 8192 : i32
          %add3A_396 = vector.broadcast %add3A_395 : i32 to vector<16xi32>
          %add3A_397 = arith.addi %get3A_56, %add3A_396 : vector<16xi32>
          %gather3A_398 = tpu.vector_load_idx %arg7[%add3A_397] : memref<65536xf32, #tpu.memory_space<vmem>>[vector<16xi32>], vector<16xf32>,
          %mul3A_399 = arith.mulf %get3A_120, %gather3A_398 : vector<16xf32>
          %add3A_400 = arith.addf %add3A_394, %mul3A_399 : vector<16xf32>
          %add3A_401 = arith.constant 8192 : i32
          %add3A_402 = vector.broadcast %add3A_401 : i32 to vector<16xi32>
          %add3A_403 = arith.addi %get3A_60, %add3A_402 : vector<16xi32>
          %gather3A_404 = tpu.vector_load_idx %arg7[%add3A_403] : memref<65536xf32, #tpu.memory_space<vmem>>[vector<16xi32>], vector<16xf32>,
          %mul3A_405 = arith.mulf %get3A_124, %gather3A_404 : vector<16xf32>
          %add3A_406 = arith.addf %add3A_400, %mul3A_405 : vector<16xf32>
          %add3A_407 = arith.constant 8192 : i32
          %add3A_408 = vector.broadcast %add3A_407 : i32 to vector<16xi32>
          %add3A_409 = arith.addi %get3A_64, %add3A_408 : vector<16xi32>
          %gather3A_410 = tpu.vector_load_idx %arg7[%add3A_409] : memref<65536xf32, #tpu.memory_space<vmem>>[vector<16xi32>], vector<16xf32>,
          %mul3A_411 = arith.mulf %get3A_128, %gather3A_410 : vector<16xf32>
          %add3A_412 = arith.addf %add3A_406, %mul3A_411 : vector<16xf32>
          %add3A_413 = arith.constant 8192 : i32
          %add3A_414 = vector.broadcast %add3A_413 : i32 to vector<16xi32>
          %add3A_415 = arith.addi %get3A_68, %add3A_414 : vector<16xi32>
          %gather3A_416 = tpu.vector_load_idx %arg7[%add3A_415] : memref<65536xf32, #tpu.memory_space<vmem>>[vector<16xi32>], vector<16xf32>,
          %mul3A_417 = arith.mulf %get3A_132, %gather3A_416 : vector<16xf32>
          %add3A_418 = arith.addf %add3A_412, %mul3A_417 : vector<16xf32>
          %add3A_419 = arith.constant 8192 : i32
          %add3A_420 = vector.broadcast %add3A_419 : i32 to vector<16xi32>
          %add3A_421 = arith.addi %get3A_72, %add3A_420 : vector<16xi32>
          %gather3A_422 = tpu.vector_load_idx %arg7[%add3A_421] : memref<65536xf32, #tpu.memory_space<vmem>>[vector<16xi32>], vector<16xf32>,
          %mul3A_423 = arith.mulf %get3A_136, %gather3A_422 : vector<16xf32>
          %add3A_424 = arith.addf %add3A_418, %mul3A_423 : vector<16xf32>
          %add3A_425 = arith.constant 8192 : i32
          %add3A_426 = vector.broadcast %add3A_425 : i32 to vector<16xi32>
          %add3A_427 = arith.addi %get3A_76, %add3A_426 : vector<16xi32>
          %gather3A_428 = tpu.vector_load_idx %arg7[%add3A_427] : memref<65536xf32, #tpu.memory_space<vmem>>[vector<16xi32>], vector<16xf32>,
          %mul3A_429 = arith.mulf %get3A_140, %gather3A_428 : vector<16xf32>
          %add3A_430 = arith.addf %add3A_424, %mul3A_429 : vector<16xf32>
          %add3A_431 = arith.constant 8192 : i32
          %add3A_432 = vector.broadcast %add3A_431 : i32 to vector<16xi32>
          %add3A_433 = arith.addi %get3A_80, %add3A_432 : vector<16xi32>
          %gather3A_434 = tpu.vector_load_idx %arg7[%add3A_433] : memref<65536xf32, #tpu.memory_space<vmem>>[vector<16xi32>], vector<16xf32>,
          %mul3A_435 = arith.mulf %get3A_144, %gather3A_434 : vector<16xf32>
          %add3A_436 = arith.addf %add3A_430, %mul3A_435 : vector<16xf32>
          %add3A_437 = arith.constant 8192 : i32
          %add3A_438 = vector.broadcast %add3A_437 : i32 to vector<16xi32>
          %add3A_439 = arith.addi %get3A_84, %add3A_438 : vector<16xi32>
          %gather3A_440 = tpu.vector_load_idx %arg7[%add3A_439] : memref<65536xf32, #tpu.memory_space<vmem>>[vector<16xi32>], vector<16xf32>,
          %mul3A_441 = arith.mulf %get3A_148, %gather3A_440 : vector<16xf32>
          %add3A_442 = arith.addf %add3A_436, %mul3A_441 : vector<16xf32>
          %add3A_443 = arith.constant 8192 : i32
          %add3A_444 = vector.broadcast %add3A_443 : i32 to vector<16xi32>
          %add3A_445 = arith.addi %get3A_88, %add3A_444 : vector<16xi32>
          %gather3A_446 = tpu.vector_load_idx %arg7[%add3A_445] : memref<65536xf32, #tpu.memory_space<vmem>>[vector<16xi32>], vector<16xf32>,
          %mul3A_447 = arith.mulf %get3A_152, %gather3A_446 : vector<16xf32>
          %add3A_448 = arith.addf %add3A_442, %mul3A_447 : vector<16xf32>
          %add3A_449 = arith.constant 8192 : i32
          %add3A_450 = vector.broadcast %add3A_449 : i32 to vector<16xi32>
          %add3A_451 = arith.addi %get3A_92, %add3A_450 : vector<16xi32>
          %gather3A_452 = tpu.vector_load_idx %arg7[%add3A_451] : memref<65536xf32, #tpu.memory_space<vmem>>[vector<16xi32>], vector<16xf32>,
          %mul3A_453 = arith.mulf %get3A_156, %gather3A_452 : vector<16xf32>
          %add3A_454 = arith.addf %add3A_448, %mul3A_453 : vector<16xf32>
          %swap3A_455 = arith.constant 2 : i32
          %swap3A_456 = arith.index_cast %swap3A_455 : i32 to index
          %swap3A_457 = arith.index_cast %mul3A_29 : i32 to index
          %swap3A_458 = tpu.vector_load %arg11[%swap3A_456, %swap3A_457] {strides = array<i32>} : memref<16x512xf32, #tpu.memory_space<vmem>>, vector<16xf32>,
          tpu.vector_store %arg11[%swap3A_456, %swap3A_457], %add3A_454 {strides = array<i32>} : memref<16x512xf32, #tpu.memory_space<vmem>>, vector<16xf32>,
          %add3A_459 = arith.constant 12288 : i32
          %add3A_460 = vector.broadcast %add3A_459 : i32 to vector<16xi32>
          %add3A_461 = arith.addi %get3A_32, %add3A_460 : vector<16xi32>
          %gather3A_462 = tpu.vector_load_idx %arg7[%add3A_461] : memref<65536xf32, #tpu.memory_space<vmem>>[vector<16xi32>], vector<16xf32>,
          %mul3A_463 = arith.mulf %get3A_96, %gather3A_462 : vector<16xf32>
          %add3A_464 = arith.addf %neg3A_160, %mul3A_463 : vector<16xf32>
          %add3A_465 = arith.constant 12288 : i32
          %add3A_466 = vector.broadcast %add3A_465 : i32 to vector<16xi32>
          %add3A_467 = arith.addi %get3A_36, %add3A_466 : vector<16xi32>
          %gather3A_468 = tpu.vector_load_idx %arg7[%add3A_467] : memref<65536xf32, #tpu.memory_space<vmem>>[vector<16xi32>], vector<16xf32>,
          %mul3A_469 = arith.mulf %get3A_100, %gather3A_468 : vector<16xf32>
          %add3A_470 = arith.addf %add3A_464, %mul3A_469 : vector<16xf32>
          %add3A_471 = arith.constant 12288 : i32
          %add3A_472 = vector.broadcast %add3A_471 : i32 to vector<16xi32>
          %add3A_473 = arith.addi %get3A_40, %add3A_472 : vector<16xi32>
          %gather3A_474 = tpu.vector_load_idx %arg7[%add3A_473] : memref<65536xf32, #tpu.memory_space<vmem>>[vector<16xi32>], vector<16xf32>,
          %mul3A_475 = arith.mulf %get3A_104, %gather3A_474 : vector<16xf32>
          %add3A_476 = arith.addf %add3A_470, %mul3A_475 : vector<16xf32>
          %add3A_477 = arith.constant 12288 : i32
          %add3A_478 = vector.broadcast %add3A_477 : i32 to vector<16xi32>
          %add3A_479 = arith.addi %get3A_44, %add3A_478 : vector<16xi32>
          %gather3A_480 = tpu.vector_load_idx %arg7[%add3A_479] : memref<65536xf32, #tpu.memory_space<vmem>>[vector<16xi32>], vector<16xf32>,
          %mul3A_481 = arith.mulf %get3A_108, %gather3A_480 : vector<16xf32>
          %add3A_482 = arith.addf %add3A_476, %mul3A_481 : vector<16xf32>
          %add3A_483 = arith.constant 12288 : i32
          %add3A_484 = vector.broadcast %add3A_483 : i32 to vector<16xi32>
          %add3A_485 = arith.addi %get3A_48, %add3A_484 : vector<16xi32>
          %gather3A_486 = tpu.vector_load_idx %arg7[%add3A_485] : memref<65536xf32, #tpu.memory_space<vmem>>[vector<16xi32>], vector<16xf32>,
          %mul3A_487 = arith.mulf %get3A_112, %gather3A_486 : vector<16xf32>
          %add3A_488 = arith.addf %add3A_482, %mul3A_487 : vector<16xf32>
          %add3A_489 = arith.constant 12288 : i32
          %add3A_490 = vector.broadcast %add3A_489 : i32 to vector<16xi32>
          %add3A_491 = arith.addi %get3A_52, %add3A_490 : vector<16xi32>
          %gather3A_492 = tpu.vector_load_idx %arg7[%add3A_491] : memref<65536xf32, #tpu.memory_space<vmem>>[vector<16xi32>], vector<16xf32>,
          %mul3A_493 = arith.mulf %get3A_116, %gather3A_492 : vector<16xf32>
          %add3A_494 = arith.addf %add3A_488, %mul3A_493 : vector<16xf32>
          %add3A_495 = arith.constant 12288 : i32
          %add3A_496 = vector.broadcast %add3A_495 : i32 to vector<16xi32>
          %add3A_497 = arith.addi %get3A_56, %add3A_496 : vector<16xi32>
          %gather3A_498 = tpu.vector_load_idx %arg7[%add3A_497] : memref<65536xf32, #tpu.memory_space<vmem>>[vector<16xi32>], vector<16xf32>,
          %mul3A_499 = arith.mulf %get3A_120, %gather3A_498 : vector<16xf32>
          %add3A_500 = arith.addf %add3A_494, %mul3A_499 : vector<16xf32>
          %add3A_501 = arith.constant 12288 : i32
          %add3A_502 = vector.broadcast %add3A_501 : i32 to vector<16xi32>
          %add3A_503 = arith.addi %get3A_60, %add3A_502 : vector<16xi32>
          %gather3A_504 = tpu.vector_load_idx %arg7[%add3A_503] : memref<65536xf32, #tpu.memory_space<vmem>>[vector<16xi32>], vector<16xf32>,
          %mul3A_505 = arith.mulf %get3A_124, %gather3A_504 : vector<16xf32>
          %add3A_506 = arith.addf %add3A_500, %mul3A_505 : vector<16xf32>
          %add3A_507 = arith.constant 12288 : i32
          %add3A_508 = vector.broadcast %add3A_507 : i32 to vector<16xi32>
          %add3A_509 = arith.addi %get3A_64, %add3A_508 : vector<16xi32>
          %gather3A_510 = tpu.vector_load_idx %arg7[%add3A_509] : memref<65536xf32, #tpu.memory_space<vmem>>[vector<16xi32>], vector<16xf32>,
          %mul3A_511 = arith.mulf %get3A_128, %gather3A_510 : vector<16xf32>
          %add3A_512 = arith.addf %add3A_506, %mul3A_511 : vector<16xf32>
          %add3A_513 = arith.constant 12288 : i32
          %add3A_514 = vector.broadcast %add3A_513 : i32 to vector<16xi32>
          %add3A_515 = arith.addi %get3A_68, %add3A_514 : vector<16xi32>
          %gather3A_516 = tpu.vector_load_idx %arg7[%add3A_515] : memref<65536xf32, #tpu.memory_space<vmem>>[vector<16xi32>], vector<16xf32>,
          %mul3A_517 = arith.mulf %get3A_132, %gather3A_516 : vector<16xf32>
          %add3A_518 = arith.addf %add3A_512, %mul3A_517 : vector<16xf32>
          %add3A_519 = arith.constant 12288 : i32
          %add3A_520 = vector.broadcast %add3A_519 : i32 to vector<16xi32>
          %add3A_521 = arith.addi %get3A_72, %add3A_520 : vector<16xi32>
          %gather3A_522 = tpu.vector_load_idx %arg7[%add3A_521] : memref<65536xf32, #tpu.memory_space<vmem>>[vector<16xi32>], vector<16xf32>,
          %mul3A_523 = arith.mulf %get3A_136, %gather3A_522 : vector<16xf32>
          %add3A_524 = arith.addf %add3A_518, %mul3A_523 : vector<16xf32>
          %add3A_525 = arith.constant 12288 : i32
          %add3A_526 = vector.broadcast %add3A_525 : i32 to vector<16xi32>
          %add3A_527 = arith.addi %get3A_76, %add3A_526 : vector<16xi32>
          %gather3A_528 = tpu.vector_load_idx %arg7[%add3A_527] : memref<65536xf32, #tpu.memory_space<vmem>>[vector<16xi32>], vector<16xf32>,
          %mul3A_529 = arith.mulf %get3A_140, %gather3A_528 : vector<16xf32>
          %add3A_530 = arith.addf %add3A_524, %mul3A_529 : vector<16xf32>
          %add3A_531 = arith.constant 12288 : i32
          %add3A_532 = vector.broadcast %add3A_531 : i32 to vector<16xi32>
          %add3A_533 = arith.addi %get3A_80, %add3A_532 : vector<16xi32>
          %gather3A_534 = tpu.vector_load_idx %arg7[%add3A_533] : memref<65536xf32, #tpu.memory_space<vmem>>[vector<16xi32>], vector<16xf32>,
          %mul3A_535 = arith.mulf %get3A_144, %gather3A_534 : vector<16xf32>
          %add3A_536 = arith.addf %add3A_530, %mul3A_535 : vector<16xf32>
          %add3A_537 = arith.constant 12288 : i32
          %add3A_538 = vector.broadcast %add3A_537 : i32 to vector<16xi32>
          %add3A_539 = arith.addi %get3A_84, %add3A_538 : vector<16xi32>
          %gather3A_540 = tpu.vector_load_idx %arg7[%add3A_539] : memref<65536xf32, #tpu.memory_space<vmem>>[vector<16xi32>], vector<16xf32>,
          %mul3A_541 = arith.mulf %get3A_148, %gather3A_540 : vector<16xf32>
          %add3A_542 = arith.addf %add3A_536, %mul3A_541 : vector<16xf32>
          %add3A_543 = arith.constant 12288 : i32
          %add3A_544 = vector.broadcast %add3A_543 : i32 to vector<16xi32>
          %add3A_545 = arith.addi %get3A_88, %add3A_544 : vector<16xi32>
          %gather3A_546 = tpu.vector_load_idx %arg7[%add3A_545] : memref<65536xf32, #tpu.memory_space<vmem>>[vector<16xi32>], vector<16xf32>,
          %mul3A_547 = arith.mulf %get3A_152, %gather3A_546 : vector<16xf32>
          %add3A_548 = arith.addf %add3A_542, %mul3A_547 : vector<16xf32>
          %add3A_549 = arith.constant 12288 : i32
          %add3A_550 = vector.broadcast %add3A_549 : i32 to vector<16xi32>
          %add3A_551 = arith.addi %get3A_92, %add3A_550 : vector<16xi32>
          %gather3A_552 = tpu.vector_load_idx %arg7[%add3A_551] : memref<65536xf32, #tpu.memory_space<vmem>>[vector<16xi32>], vector<16xf32>,
          %mul3A_553 = arith.mulf %get3A_156, %gather3A_552 : vector<16xf32>
          %add3A_554 = arith.addf %add3A_548, %mul3A_553 : vector<16xf32>
          %swap3A_555 = arith.constant 3 : i32
          %swap3A_556 = arith.index_cast %swap3A_555 : i32 to index
          %swap3A_557 = arith.index_cast %mul3A_29 : i32 to index
          %swap3A_558 = tpu.vector_load %arg11[%swap3A_556, %swap3A_557] {strides = array<i32>} : memref<16x512xf32, #tpu.memory_space<vmem>>, vector<16xf32>,
          tpu.vector_store %arg11[%swap3A_556, %swap3A_557], %add3A_554 {strides = array<i32>} : memref<16x512xf32, #tpu.memory_space<vmem>>, vector<16xf32>,
          %add3A_559 = arith.constant 16384 : i32
          %add3A_560 = vector.broadcast %add3A_559 : i32 to vector<16xi32>
          %add3A_561 = arith.addi %get3A_32, %add3A_560 : vector<16xi32>
          %gather3A_562 = tpu.vector_load_idx %arg7[%add3A_561] : memref<65536xf32, #tpu.memory_space<vmem>>[vector<16xi32>], vector<16xf32>,
          %mul3A_563 = arith.mulf %get3A_96, %gather3A_562 : vector<16xf32>
          %add3A_564 = arith.addf %neg3A_160, %mul3A_563 : vector<16xf32>
          %add3A_565 = arith.constant 16384 : i32
          %add3A_566 = vector.broadcast %add3A_565 : i32 to vector<16xi32>
          %add3A_567 = arith.addi %get3A_36, %add3A_566 : vector<16xi32>
          %gather3A_568 = tpu.vector_load_idx %arg7[%add3A_567] : memref<65536xf32, #tpu.memory_space<vmem>>[vector<16xi32>], vector<16xf32>,
          %mul3A_569 = arith.mulf %get3A_100, %gather3A_568 : vector<16xf32>
          %add3A_570 = arith.addf %add3A_564, %mul3A_569 : vector<16xf32>
          %add3A_571 = arith.constant 16384 : i32
          %add3A_572 = vector.broadcast %add3A_571 : i32 to vector<16xi32>
          %add3A_573 = arith.addi %get3A_40, %add3A_572 : vector<16xi32>
          %gather3A_574 = tpu.vector_load_idx %arg7[%add3A_573] : memref<65536xf32, #tpu.memory_space<vmem>>[vector<16xi32>], vector<16xf32>,
          %mul3A_575 = arith.mulf %get3A_104, %gather3A_574 : vector<16xf32>
          %add3A_576 = arith.addf %add3A_570, %mul3A_575 : vector<16xf32>
          %add3A_577 = arith.constant 16384 : i32
          %add3A_578 = vector.broadcast %add3A_577 : i32 to vector<16xi32>
          %add3A_579 = arith.addi %get3A_44, %add3A_578 : vector<16xi32>
          %gather3A_580 = tpu.vector_load_idx %arg7[%add3A_579] : memref<65536xf32, #tpu.memory_space<vmem>>[vector<16xi32>], vector<16xf32>,
          %mul3A_581 = arith.mulf %get3A_108, %gather3A_580 : vector<16xf32>
          %add3A_582 = arith.addf %add3A_576, %mul3A_581 : vector<16xf32>
          %add3A_583 = arith.constant 16384 : i32
          %add3A_584 = vector.broadcast %add3A_583 : i32 to vector<16xi32>
          %add3A_585 = arith.addi %get3A_48, %add3A_584 : vector<16xi32>
          %gather3A_586 = tpu.vector_load_idx %arg7[%add3A_585] : memref<65536xf32, #tpu.memory_space<vmem>>[vector<16xi32>], vector<16xf32>,
          %mul3A_587 = arith.mulf %get3A_112, %gather3A_586 : vector<16xf32>
          %add3A_588 = arith.addf %add3A_582, %mul3A_587 : vector<16xf32>
          %add3A_589 = arith.constant 16384 : i32
          %add3A_590 = vector.broadcast %add3A_589 : i32 to vector<16xi32>
          %add3A_591 = arith.addi %get3A_52, %add3A_590 : vector<16xi32>
          %gather3A_592 = tpu.vector_load_idx %arg7[%add3A_591] : memref<65536xf32, #tpu.memory_space<vmem>>[vector<16xi32>], vector<16xf32>,
          %mul3A_593 = arith.mulf %get3A_116, %gather3A_592 : vector<16xf32>
          %add3A_594 = arith.addf %add3A_588, %mul3A_593 : vector<16xf32>
          %add3A_595 = arith.constant 16384 : i32
          %add3A_596 = vector.broadcast %add3A_595 : i32 to vector<16xi32>
          %add3A_597 = arith.addi %get3A_56, %add3A_596 : vector<16xi32>
          %gather3A_598 = tpu.vector_load_idx %arg7[%add3A_597] : memref<65536xf32, #tpu.memory_space<vmem>>[vector<16xi32>], vector<16xf32>,
          %mul3A_599 = arith.mulf %get3A_120, %gather3A_598 : vector<16xf32>
          %add3A_600 = arith.addf %add3A_594, %mul3A_599 : vector<16xf32>
          %add3A_601 = arith.constant 16384 : i32
          %add3A_602 = vector.broadcast %add3A_601 : i32 to vector<16xi32>
          %add3A_603 = arith.addi %get3A_60, %add3A_602 : vector<16xi32>
          %gather3A_604 = tpu.vector_load_idx %arg7[%add3A_603] : memref<65536xf32, #tpu.memory_space<vmem>>[vector<16xi32>], vector<16xf32>,
          %mul3A_605 = arith.mulf %get3A_124, %gather3A_604 : vector<16xf32>
          %add3A_606 = arith.addf %add3A_600, %mul3A_605 : vector<16xf32>
          %add3A_607 = arith.constant 16384 : i32
          %add3A_608 = vector.broadcast %add3A_607 : i32 to vector<16xi32>
          %add3A_609 = arith.addi %get3A_64, %add3A_608 : vector<16xi32>
          %gather3A_610 = tpu.vector_load_idx %arg7[%add3A_609] : memref<65536xf32, #tpu.memory_space<vmem>>[vector<16xi32>], vector<16xf32>,
          %mul3A_611 = arith.mulf %get3A_128, %gather3A_610 : vector<16xf32>
          %add3A_612 = arith.addf %add3A_606, %mul3A_611 : vector<16xf32>
          %add3A_613 = arith.constant 16384 : i32
          %add3A_614 = vector.broadcast %add3A_613 : i32 to vector<16xi32>
          %add3A_615 = arith.addi %get3A_68, %add3A_614 : vector<16xi32>
          %gather3A_616 = tpu.vector_load_idx %arg7[%add3A_615] : memref<65536xf32, #tpu.memory_space<vmem>>[vector<16xi32>], vector<16xf32>,
          %mul3A_617 = arith.mulf %get3A_132, %gather3A_616 : vector<16xf32>
          %add3A_618 = arith.addf %add3A_612, %mul3A_617 : vector<16xf32>
          %add3A_619 = arith.constant 16384 : i32
          %add3A_620 = vector.broadcast %add3A_619 : i32 to vector<16xi32>
          %add3A_621 = arith.addi %get3A_72, %add3A_620 : vector<16xi32>
          %gather3A_622 = tpu.vector_load_idx %arg7[%add3A_621] : memref<65536xf32, #tpu.memory_space<vmem>>[vector<16xi32>], vector<16xf32>,
          %mul3A_623 = arith.mulf %get3A_136, %gather3A_622 : vector<16xf32>
          %add3A_624 = arith.addf %add3A_618, %mul3A_623 : vector<16xf32>
          %add3A_625 = arith.constant 16384 : i32
          %add3A_626 = vector.broadcast %add3A_625 : i32 to vector<16xi32>
          %add3A_627 = arith.addi %get3A_76, %add3A_626 : vector<16xi32>
          %gather3A_628 = tpu.vector_load_idx %arg7[%add3A_627] : memref<65536xf32, #tpu.memory_space<vmem>>[vector<16xi32>], vector<16xf32>,
          %mul3A_629 = arith.mulf %get3A_140, %gather3A_628 : vector<16xf32>
          %add3A_630 = arith.addf %add3A_624, %mul3A_629 : vector<16xf32>
          %add3A_631 = arith.constant 16384 : i32
          %add3A_632 = vector.broadcast %add3A_631 : i32 to vector<16xi32>
          %add3A_633 = arith.addi %get3A_80, %add3A_632 : vector<16xi32>
          %gather3A_634 = tpu.vector_load_idx %arg7[%add3A_633] : memref<65536xf32, #tpu.memory_space<vmem>>[vector<16xi32>], vector<16xf32>,
          %mul3A_635 = arith.mulf %get3A_144, %gather3A_634 : vector<16xf32>
          %add3A_636 = arith.addf %add3A_630, %mul3A_635 : vector<16xf32>
          %add3A_637 = arith.constant 16384 : i32
          %add3A_638 = vector.broadcast %add3A_637 : i32 to vector<16xi32>
          %add3A_639 = arith.addi %get3A_84, %add3A_638 : vector<16xi32>
          %gather3A_640 = tpu.vector_load_idx %arg7[%add3A_639] : memref<65536xf32, #tpu.memory_space<vmem>>[vector<16xi32>], vector<16xf32>,
          %mul3A_641 = arith.mulf %get3A_148, %gather3A_640 : vector<16xf32>
          %add3A_642 = arith.addf %add3A_636, %mul3A_641 : vector<16xf32>
          %add3A_643 = arith.constant 16384 : i32
          %add3A_644 = vector.broadcast %add3A_643 : i32 to vector<16xi32>
          %add3A_645 = arith.addi %get3A_88, %add3A_644 : vector<16xi32>
          %gather3A_646 = tpu.vector_load_idx %arg7[%add3A_645] : memref<65536xf32, #tpu.memory_space<vmem>>[vector<16xi32>], vector<16xf32>,
          %mul3A_647 = arith.mulf %get3A_152, %gather3A_646 : vector<16xf32>
          %add3A_648 = arith.addf %add3A_642, %mul3A_647 : vector<16xf32>
          %add3A_649 = arith.constant 16384 : i32
          %add3A_650 = vector.broadcast %add3A_649 : i32 to vector<16xi32>
          %add3A_651 = arith.addi %get3A_92, %add3A_650 : vector<16xi32>
          %gather3A_652 = tpu.vector_load_idx %arg7[%add3A_651] : memref<65536xf32, #tpu.memory_space<vmem>>[vector<16xi32>], vector<16xf32>,
          %mul3A_653 = arith.mulf %get3A_156, %gather3A_652 : vector<16xf32>
          %add3A_654 = arith.addf %add3A_648, %mul3A_653 : vector<16xf32>
          %swap3A_655 = arith.constant 4 : i32
          %swap3A_656 = arith.index_cast %swap3A_655 : i32 to index
          %swap3A_657 = arith.index_cast %mul3A_29 : i32 to index
          %swap3A_658 = tpu.vector_load %arg11[%swap3A_656, %swap3A_657] {strides = array<i32>} : memref<16x512xf32, #tpu.memory_space<vmem>>, vector<16xf32>,
          tpu.vector_store %arg11[%swap3A_656, %swap3A_657], %add3A_654 {strides = array<i32>} : memref<16x512xf32, #tpu.memory_space<vmem>>, vector<16xf32>,
          %add3A_659 = arith.constant 20480 : i32
          %add3A_660 = vector.broadcast %add3A_659 : i32 to vector<16xi32>
          %add3A_661 = arith.addi %get3A_32, %add3A_660 : vector<16xi32>
          %gather3A_662 = tpu.vector_load_idx %arg7[%add3A_661] : memref<65536xf32, #tpu.memory_space<vmem>>[vector<16xi32>], vector<16xf32>,
          %mul3A_663 = arith.mulf %get3A_96, %gather3A_662 : vector<16xf32>
          %add3A_664 = arith.addf %neg3A_160, %mul3A_663 : vector<16xf32>
          %add3A_665 = arith.constant 20480 : i32
          %add3A_666 = vector.broadcast %add3A_665 : i32 to vector<16xi32>
          %add3A_667 = arith.addi %get3A_36, %add3A_666 : vector<16xi32>
          %gather3A_668 = tpu.vector_load_idx %arg7[%add3A_667] : memref<65536xf32, #tpu.memory_space<vmem>>[vector<16xi32>], vector<16xf32>,
          %mul3A_669 = arith.mulf %get3A_100, %gather3A_668 : vector<16xf32>
          %add3A_670 = arith.addf %add3A_664, %mul3A_669 : vector<16xf32>
          %add3A_671 = arith.constant 20480 : i32
          %add3A_672 = vector.broadcast %add3A_671 : i32 to vector<16xi32>
          %add3A_673 = arith.addi %get3A_40, %add3A_672 : vector<16xi32>
          %gather3A_674 = tpu.vector_load_idx %arg7[%add3A_673] : memref<65536xf32, #tpu.memory_space<vmem>>[vector<16xi32>], vector<16xf32>,
          %mul3A_675 = arith.mulf %get3A_104, %gather3A_674 : vector<16xf32>
          %add3A_676 = arith.addf %add3A_670, %mul3A_675 : vector<16xf32>
          %add3A_677 = arith.constant 20480 : i32
          %add3A_678 = vector.broadcast %add3A_677 : i32 to vector<16xi32>
          %add3A_679 = arith.addi %get3A_44, %add3A_678 : vector<16xi32>
          %gather3A_680 = tpu.vector_load_idx %arg7[%add3A_679] : memref<65536xf32, #tpu.memory_space<vmem>>[vector<16xi32>], vector<16xf32>,
          %mul3A_681 = arith.mulf %get3A_108, %gather3A_680 : vector<16xf32>
          %add3A_682 = arith.addf %add3A_676, %mul3A_681 : vector<16xf32>
          %add3A_683 = arith.constant 20480 : i32
          %add3A_684 = vector.broadcast %add3A_683 : i32 to vector<16xi32>
          %add3A_685 = arith.addi %get3A_48, %add3A_684 : vector<16xi32>
          %gather3A_686 = tpu.vector_load_idx %arg7[%add3A_685] : memref<65536xf32, #tpu.memory_space<vmem>>[vector<16xi32>], vector<16xf32>,
          %mul3A_687 = arith.mulf %get3A_112, %gather3A_686 : vector<16xf32>
          %add3A_688 = arith.addf %add3A_682, %mul3A_687 : vector<16xf32>
          %add3A_689 = arith.constant 20480 : i32
          %add3A_690 = vector.broadcast %add3A_689 : i32 to vector<16xi32>
          %add3A_691 = arith.addi %get3A_52, %add3A_690 : vector<16xi32>
          %gather3A_692 = tpu.vector_load_idx %arg7[%add3A_691] : memref<65536xf32, #tpu.memory_space<vmem>>[vector<16xi32>], vector<16xf32>,
          %mul3A_693 = arith.mulf %get3A_116, %gather3A_692 : vector<16xf32>
          %add3A_694 = arith.addf %add3A_688, %mul3A_693 : vector<16xf32>
          %add3A_695 = arith.constant 20480 : i32
          %add3A_696 = vector.broadcast %add3A_695 : i32 to vector<16xi32>
          %add3A_697 = arith.addi %get3A_56, %add3A_696 : vector<16xi32>
          %gather3A_698 = tpu.vector_load_idx %arg7[%add3A_697] : memref<65536xf32, #tpu.memory_space<vmem>>[vector<16xi32>], vector<16xf32>,
          %mul3A_699 = arith.mulf %get3A_120, %gather3A_698 : vector<16xf32>
          %add3A_700 = arith.addf %add3A_694, %mul3A_699 : vector<16xf32>
          %add3A_701 = arith.constant 20480 : i32
          %add3A_702 = vector.broadcast %add3A_701 : i32 to vector<16xi32>
          %add3A_703 = arith.addi %get3A_60, %add3A_702 : vector<16xi32>
          %gather3A_704 = tpu.vector_load_idx %arg7[%add3A_703] : memref<65536xf32, #tpu.memory_space<vmem>>[vector<16xi32>], vector<16xf32>,
          %mul3A_705 = arith.mulf %get3A_124, %gather3A_704 : vector<16xf32>
          %add3A_706 = arith.addf %add3A_700, %mul3A_705 : vector<16xf32>
          %add3A_707 = arith.constant 20480 : i32
          %add3A_708 = vector.broadcast %add3A_707 : i32 to vector<16xi32>
          %add3A_709 = arith.addi %get3A_64, %add3A_708 : vector<16xi32>
          %gather3A_710 = tpu.vector_load_idx %arg7[%add3A_709] : memref<65536xf32, #tpu.memory_space<vmem>>[vector<16xi32>], vector<16xf32>,
          %mul3A_711 = arith.mulf %get3A_128, %gather3A_710 : vector<16xf32>
          %add3A_712 = arith.addf %add3A_706, %mul3A_711 : vector<16xf32>
          %add3A_713 = arith.constant 20480 : i32
          %add3A_714 = vector.broadcast %add3A_713 : i32 to vector<16xi32>
          %add3A_715 = arith.addi %get3A_68, %add3A_714 : vector<16xi32>
          %gather3A_716 = tpu.vector_load_idx %arg7[%add3A_715] : memref<65536xf32, #tpu.memory_space<vmem>>[vector<16xi32>], vector<16xf32>,
          %mul3A_717 = arith.mulf %get3A_132, %gather3A_716 : vector<16xf32>
          %add3A_718 = arith.addf %add3A_712, %mul3A_717 : vector<16xf32>
          %add3A_719 = arith.constant 20480 : i32
          %add3A_720 = vector.broadcast %add3A_719 : i32 to vector<16xi32>
          %add3A_721 = arith.addi %get3A_72, %add3A_720 : vector<16xi32>
          %gather3A_722 = tpu.vector_load_idx %arg7[%add3A_721] : memref<65536xf32, #tpu.memory_space<vmem>>[vector<16xi32>], vector<16xf32>,
          %mul3A_723 = arith.mulf %get3A_136, %gather3A_722 : vector<16xf32>
          %add3A_724 = arith.addf %add3A_718, %mul3A_723 : vector<16xf32>
          %add3A_725 = arith.constant 20480 : i32
          %add3A_726 = vector.broadcast %add3A_725 : i32 to vector<16xi32>
          %add3A_727 = arith.addi %get3A_76, %add3A_726 : vector<16xi32>
          %gather3A_728 = tpu.vector_load_idx %arg7[%add3A_727] : memref<65536xf32, #tpu.memory_space<vmem>>[vector<16xi32>], vector<16xf32>,
          %mul3A_729 = arith.mulf %get3A_140, %gather3A_728 : vector<16xf32>
          %add3A_730 = arith.addf %add3A_724, %mul3A_729 : vector<16xf32>
          %add3A_731 = arith.constant 20480 : i32
          %add3A_732 = vector.broadcast %add3A_731 : i32 to vector<16xi32>
          %add3A_733 = arith.addi %get3A_80, %add3A_732 : vector<16xi32>
          %gather3A_734 = tpu.vector_load_idx %arg7[%add3A_733] : memref<65536xf32, #tpu.memory_space<vmem>>[vector<16xi32>], vector<16xf32>,
          %mul3A_735 = arith.mulf %get3A_144, %gather3A_734 : vector<16xf32>
          %add3A_736 = arith.addf %add3A_730, %mul3A_735 : vector<16xf32>
          %add3A_737 = arith.constant 20480 : i32
          %add3A_738 = vector.broadcast %add3A_737 : i32 to vector<16xi32>
          %add3A_739 = arith.addi %get3A_84, %add3A_738 : vector<16xi32>
          %gather3A_740 = tpu.vector_load_idx %arg7[%add3A_739] : memref<65536xf32, #tpu.memory_space<vmem>>[vector<16xi32>], vector<16xf32>,
          %mul3A_741 = arith.mulf %get3A_148, %gather3A_740 : vector<16xf32>
          %add3A_742 = arith.addf %add3A_736, %mul3A_741 : vector<16xf32>
          %add3A_743 = arith.constant 20480 : i32
          %add3A_744 = vector.broadcast %add3A_743 : i32 to vector<16xi32>
          %add3A_745 = arith.addi %get3A_88, %add3A_744 : vector<16xi32>
          %gather3A_746 = tpu.vector_load_idx %arg7[%add3A_745] : memref<65536xf32, #tpu.memory_space<vmem>>[vector<16xi32>], vector<16xf32>,
          %mul3A_747 = arith.mulf %get3A_152, %gather3A_746 : vector<16xf32>
          %add3A_748 = arith.addf %add3A_742, %mul3A_747 : vector<16xf32>
          %add3A_749 = arith.constant 20480 : i32
          %add3A_750 = vector.broadcast %add3A_749 : i32 to vector<16xi32>
          %add3A_751 = arith.addi %get3A_92, %add3A_750 : vector<16xi32>
          %gather3A_752 = tpu.vector_load_idx %arg7[%add3A_751] : memref<65536xf32, #tpu.memory_space<vmem>>[vector<16xi32>], vector<16xf32>,
          %mul3A_753 = arith.mulf %get3A_156, %gather3A_752 : vector<16xf32>
          %add3A_754 = arith.addf %add3A_748, %mul3A_753 : vector<16xf32>
          %swap3A_755 = arith.constant 5 : i32
          %swap3A_756 = arith.index_cast %swap3A_755 : i32 to index
          %swap3A_757 = arith.index_cast %mul3A_29 : i32 to index
          %swap3A_758 = tpu.vector_load %arg11[%swap3A_756, %swap3A_757] {strides = array<i32>} : memref<16x512xf32, #tpu.memory_space<vmem>>, vector<16xf32>,
          tpu.vector_store %arg11[%swap3A_756, %swap3A_757], %add3A_754 {strides = array<i32>} : memref<16x512xf32, #tpu.memory_space<vmem>>, vector<16xf32>,
          %add3A_759 = arith.constant 24576 : i32
          %add3A_760 = vector.broadcast %add3A_759 : i32 to vector<16xi32>
          %add3A_761 = arith.addi %get3A_32, %add3A_760 : vector<16xi32>
          %gather3A_762 = tpu.vector_load_idx %arg7[%add3A_761] : memref<65536xf32, #tpu.memory_space<vmem>>[vector<16xi32>], vector<16xf32>,
          %mul3A_763 = arith.mulf %get3A_96, %gather3A_762 : vector<16xf32>
          %add3A_764 = arith.addf %neg3A_160, %mul3A_763 : vector<16xf32>
          %add3A_765 = arith.constant 24576 : i32
          %add3A_766 = vector.broadcast %add3A_765 : i32 to vector<16xi32>
          %add3A_767 = arith.addi %get3A_36, %add3A_766 : vector<16xi32>
          %gather3A_768 = tpu.vector_load_idx %arg7[%add3A_767] : memref<65536xf32, #tpu.memory_space<vmem>>[vector<16xi32>], vector<16xf32>,
          %mul3A_769 = arith.mulf %get3A_100, %gather3A_768 : vector<16xf32>
          %add3A_770 = arith.addf %add3A_764, %mul3A_769 : vector<16xf32>
          %add3A_771 = arith.constant 24576 : i32
          %add3A_772 = vector.broadcast %add3A_771 : i32 to vector<16xi32>
          %add3A_773 = arith.addi %get3A_40, %add3A_772 : vector<16xi32>
          %gather3A_774 = tpu.vector_load_idx %arg7[%add3A_773] : memref<65536xf32, #tpu.memory_space<vmem>>[vector<16xi32>], vector<16xf32>,
          %mul3A_775 = arith.mulf %get3A_104, %gather3A_774 : vector<16xf32>
          %add3A_776 = arith.addf %add3A_770, %mul3A_775 : vector<16xf32>
          %add3A_777 = arith.constant 24576 : i32
          %add3A_778 = vector.broadcast %add3A_777 : i32 to vector<16xi32>
          %add3A_779 = arith.addi %get3A_44, %add3A_778 : vector<16xi32>
          %gather3A_780 = tpu.vector_load_idx %arg7[%add3A_779] : memref<65536xf32, #tpu.memory_space<vmem>>[vector<16xi32>], vector<16xf32>,
          %mul3A_781 = arith.mulf %get3A_108, %gather3A_780 : vector<16xf32>
          %add3A_782 = arith.addf %add3A_776, %mul3A_781 : vector<16xf32>
          %add3A_783 = arith.constant 24576 : i32
          %add3A_784 = vector.broadcast %add3A_783 : i32 to vector<16xi32>
          %add3A_785 = arith.addi %get3A_48, %add3A_784 : vector<16xi32>
          %gather3A_786 = tpu.vector_load_idx %arg7[%add3A_785] : memref<65536xf32, #tpu.memory_space<vmem>>[vector<16xi32>], vector<16xf32>,
          %mul3A_787 = arith.mulf %get3A_112, %gather3A_786 : vector<16xf32>
          %add3A_788 = arith.addf %add3A_782, %mul3A_787 : vector<16xf32>
          %add3A_789 = arith.constant 24576 : i32
          %add3A_790 = vector.broadcast %add3A_789 : i32 to vector<16xi32>
          %add3A_791 = arith.addi %get3A_52, %add3A_790 : vector<16xi32>
          %gather3A_792 = tpu.vector_load_idx %arg7[%add3A_791] : memref<65536xf32, #tpu.memory_space<vmem>>[vector<16xi32>], vector<16xf32>,
          %mul3A_793 = arith.mulf %get3A_116, %gather3A_792 : vector<16xf32>
          %add3A_794 = arith.addf %add3A_788, %mul3A_793 : vector<16xf32>
          %add3A_795 = arith.constant 24576 : i32
          %add3A_796 = vector.broadcast %add3A_795 : i32 to vector<16xi32>
          %add3A_797 = arith.addi %get3A_56, %add3A_796 : vector<16xi32>
          %gather3A_798 = tpu.vector_load_idx %arg7[%add3A_797] : memref<65536xf32, #tpu.memory_space<vmem>>[vector<16xi32>], vector<16xf32>,
          %mul3A_799 = arith.mulf %get3A_120, %gather3A_798 : vector<16xf32>
          %add3A_800 = arith.addf %add3A_794, %mul3A_799 : vector<16xf32>
          %add3A_801 = arith.constant 24576 : i32
          %add3A_802 = vector.broadcast %add3A_801 : i32 to vector<16xi32>
          %add3A_803 = arith.addi %get3A_60, %add3A_802 : vector<16xi32>
          %gather3A_804 = tpu.vector_load_idx %arg7[%add3A_803] : memref<65536xf32, #tpu.memory_space<vmem>>[vector<16xi32>], vector<16xf32>,
          %mul3A_805 = arith.mulf %get3A_124, %gather3A_804 : vector<16xf32>
          %add3A_806 = arith.addf %add3A_800, %mul3A_805 : vector<16xf32>
          %add3A_807 = arith.constant 24576 : i32
          %add3A_808 = vector.broadcast %add3A_807 : i32 to vector<16xi32>
          %add3A_809 = arith.addi %get3A_64, %add3A_808 : vector<16xi32>
          %gather3A_810 = tpu.vector_load_idx %arg7[%add3A_809] : memref<65536xf32, #tpu.memory_space<vmem>>[vector<16xi32>], vector<16xf32>,
          %mul3A_811 = arith.mulf %get3A_128, %gather3A_810 : vector<16xf32>
          %add3A_812 = arith.addf %add3A_806, %mul3A_811 : vector<16xf32>
          %add3A_813 = arith.constant 24576 : i32
          %add3A_814 = vector.broadcast %add3A_813 : i32 to vector<16xi32>
          %add3A_815 = arith.addi %get3A_68, %add3A_814 : vector<16xi32>
          %gather3A_816 = tpu.vector_load_idx %arg7[%add3A_815] : memref<65536xf32, #tpu.memory_space<vmem>>[vector<16xi32>], vector<16xf32>,
          %mul3A_817 = arith.mulf %get3A_132, %gather3A_816 : vector<16xf32>
          %add3A_818 = arith.addf %add3A_812, %mul3A_817 : vector<16xf32>
          %add3A_819 = arith.constant 24576 : i32
          %add3A_820 = vector.broadcast %add3A_819 : i32 to vector<16xi32>
          %add3A_821 = arith.addi %get3A_72, %add3A_820 : vector<16xi32>
          %gather3A_822 = tpu.vector_load_idx %arg7[%add3A_821] : memref<65536xf32, #tpu.memory_space<vmem>>[vector<16xi32>], vector<16xf32>,
          %mul3A_823 = arith.mulf %get3A_136, %gather3A_822 : vector<16xf32>
          %add3A_824 = arith.addf %add3A_818, %mul3A_823 : vector<16xf32>
          %add3A_825 = arith.constant 24576 : i32
          %add3A_826 = vector.broadcast %add3A_825 : i32 to vector<16xi32>
          %add3A_827 = arith.addi %get3A_76, %add3A_826 : vector<16xi32>
          %gather3A_828 = tpu.vector_load_idx %arg7[%add3A_827] : memref<65536xf32, #tpu.memory_space<vmem>>[vector<16xi32>], vector<16xf32>,
          %mul3A_829 = arith.mulf %get3A_140, %gather3A_828 : vector<16xf32>
          %add3A_830 = arith.addf %add3A_824, %mul3A_829 : vector<16xf32>
          %add3A_831 = arith.constant 24576 : i32
          %add3A_832 = vector.broadcast %add3A_831 : i32 to vector<16xi32>
          %add3A_833 = arith.addi %get3A_80, %add3A_832 : vector<16xi32>
          %gather3A_834 = tpu.vector_load_idx %arg7[%add3A_833] : memref<65536xf32, #tpu.memory_space<vmem>>[vector<16xi32>], vector<16xf32>,
          %mul3A_835 = arith.mulf %get3A_144, %gather3A_834 : vector<16xf32>
          %add3A_836 = arith.addf %add3A_830, %mul3A_835 : vector<16xf32>
          %add3A_837 = arith.constant 24576 : i32
          %add3A_838 = vector.broadcast %add3A_837 : i32 to vector<16xi32>
          %add3A_839 = arith.addi %get3A_84, %add3A_838 : vector<16xi32>
          %gather3A_840 = tpu.vector_load_idx %arg7[%add3A_839] : memref<65536xf32, #tpu.memory_space<vmem>>[vector<16xi32>], vector<16xf32>,
          %mul3A_841 = arith.mulf %get3A_148, %gather3A_840 : vector<16xf32>
          %add3A_842 = arith.addf %add3A_836, %mul3A_841 : vector<16xf32>
          %add3A_843 = arith.constant 24576 : i32
          %add3A_844 = vector.broadcast %add3A_843 : i32 to vector<16xi32>
          %add3A_845 = arith.addi %get3A_88, %add3A_844 : vector<16xi32>
          %gather3A_846 = tpu.vector_load_idx %arg7[%add3A_845] : memref<65536xf32, #tpu.memory_space<vmem>>[vector<16xi32>], vector<16xf32>,
          %mul3A_847 = arith.mulf %get3A_152, %gather3A_846 : vector<16xf32>
          %add3A_848 = arith.addf %add3A_842, %mul3A_847 : vector<16xf32>
          %add3A_849 = arith.constant 24576 : i32
          %add3A_850 = vector.broadcast %add3A_849 : i32 to vector<16xi32>
          %add3A_851 = arith.addi %get3A_92, %add3A_850 : vector<16xi32>
          %gather3A_852 = tpu.vector_load_idx %arg7[%add3A_851] : memref<65536xf32, #tpu.memory_space<vmem>>[vector<16xi32>], vector<16xf32>,
          %mul3A_853 = arith.mulf %get3A_156, %gather3A_852 : vector<16xf32>
          %add3A_854 = arith.addf %add3A_848, %mul3A_853 : vector<16xf32>
          %swap3A_855 = arith.constant 6 : i32
          %swap3A_856 = arith.index_cast %swap3A_855 : i32 to index
          %swap3A_857 = arith.index_cast %mul3A_29 : i32 to index
          %swap3A_858 = tpu.vector_load %arg11[%swap3A_856, %swap3A_857] {strides = array<i32>} : memref<16x512xf32, #tpu.memory_space<vmem>>, vector<16xf32>,
          tpu.vector_store %arg11[%swap3A_856, %swap3A_857], %add3A_854 {strides = array<i32>} : memref<16x512xf32, #tpu.memory_space<vmem>>, vector<16xf32>,
          %add3A_859 = arith.constant 28672 : i32
          %add3A_860 = vector.broadcast %add3A_859 : i32 to vector<16xi32>
          %add3A_861 = arith.addi %get3A_32, %add3A_860 : vector<16xi32>
          %gather3A_862 = tpu.vector_load_idx %arg7[%add3A_861] : memref<65536xf32, #tpu.memory_space<vmem>>[vector<16xi32>], vector<16xf32>,
          %mul3A_863 = arith.mulf %get3A_96, %gather3A_862 : vector<16xf32>
          %add3A_864 = arith.addf %neg3A_160, %mul3A_863 : vector<16xf32>
          %add3A_865 = arith.constant 28672 : i32
          %add3A_866 = vector.broadcast %add3A_865 : i32 to vector<16xi32>
          %add3A_867 = arith.addi %get3A_36, %add3A_866 : vector<16xi32>
          %gather3A_868 = tpu.vector_load_idx %arg7[%add3A_867] : memref<65536xf32, #tpu.memory_space<vmem>>[vector<16xi32>], vector<16xf32>,
          %mul3A_869 = arith.mulf %get3A_100, %gather3A_868 : vector<16xf32>
          %add3A_870 = arith.addf %add3A_864, %mul3A_869 : vector<16xf32>
          %add3A_871 = arith.constant 28672 : i32
          %add3A_872 = vector.broadcast %add3A_871 : i32 to vector<16xi32>
          %add3A_873 = arith.addi %get3A_40, %add3A_872 : vector<16xi32>
          %gather3A_874 = tpu.vector_load_idx %arg7[%add3A_873] : memref<65536xf32, #tpu.memory_space<vmem>>[vector<16xi32>], vector<16xf32>,
          %mul3A_875 = arith.mulf %get3A_104, %gather3A_874 : vector<16xf32>
          %add3A_876 = arith.addf %add3A_870, %mul3A_875 : vector<16xf32>
          %add3A_877 = arith.constant 28672 : i32
          %add3A_878 = vector.broadcast %add3A_877 : i32 to vector<16xi32>
          %add3A_879 = arith.addi %get3A_44, %add3A_878 : vector<16xi32>
          %gather3A_880 = tpu.vector_load_idx %arg7[%add3A_879] : memref<65536xf32, #tpu.memory_space<vmem>>[vector<16xi32>], vector<16xf32>,
          %mul3A_881 = arith.mulf %get3A_108, %gather3A_880 : vector<16xf32>
          %add3A_882 = arith.addf %add3A_876, %mul3A_881 : vector<16xf32>
          %add3A_883 = arith.constant 28672 : i32
          %add3A_884 = vector.broadcast %add3A_883 : i32 to vector<16xi32>
          %add3A_885 = arith.addi %get3A_48, %add3A_884 : vector<16xi32>
          %gather3A_886 = tpu.vector_load_idx %arg7[%add3A_885] : memref<65536xf32, #tpu.memory_space<vmem>>[vector<16xi32>], vector<16xf32>,
          %mul3A_887 = arith.mulf %get3A_112, %gather3A_886 : vector<16xf32>
          %add3A_888 = arith.addf %add3A_882, %mul3A_887 : vector<16xf32>
          %add3A_889 = arith.constant 28672 : i32
          %add3A_890 = vector.broadcast %add3A_889 : i32 to vector<16xi32>
          %add3A_891 = arith.addi %get3A_52, %add3A_890 : vector<16xi32>
          %gather3A_892 = tpu.vector_load_idx %arg7[%add3A_891] : memref<65536xf32, #tpu.memory_space<vmem>>[vector<16xi32>], vector<16xf32>,
          %mul3A_893 = arith.mulf %get3A_116, %gather3A_892 : vector<16xf32>
          %add3A_894 = arith.addf %add3A_888, %mul3A_893 : vector<16xf32>
          %add3A_895 = arith.constant 28672 : i32
          %add3A_896 = vector.broadcast %add3A_895 : i32 to vector<16xi32>
          %add3A_897 = arith.addi %get3A_56, %add3A_896 : vector<16xi32>
          %gather3A_898 = tpu.vector_load_idx %arg7[%add3A_897] : memref<65536xf32, #tpu.memory_space<vmem>>[vector<16xi32>], vector<16xf32>,
          %mul3A_899 = arith.mulf %get3A_120, %gather3A_898 : vector<16xf32>
          %add3A_900 = arith.addf %add3A_894, %mul3A_899 : vector<16xf32>
          %add3A_901 = arith.constant 28672 : i32
          %add3A_902 = vector.broadcast %add3A_901 : i32 to vector<16xi32>
          %add3A_903 = arith.addi %get3A_60, %add3A_902 : vector<16xi32>
          %gather3A_904 = tpu.vector_load_idx %arg7[%add3A_903] : memref<65536xf32, #tpu.memory_space<vmem>>[vector<16xi32>], vector<16xf32>,
          %mul3A_905 = arith.mulf %get3A_124, %gather3A_904 : vector<16xf32>
          %add3A_906 = arith.addf %add3A_900, %mul3A_905 : vector<16xf32>
          %add3A_907 = arith.constant 28672 : i32
          %add3A_908 = vector.broadcast %add3A_907 : i32 to vector<16xi32>
          %add3A_909 = arith.addi %get3A_64, %add3A_908 : vector<16xi32>
          %gather3A_910 = tpu.vector_load_idx %arg7[%add3A_909] : memref<65536xf32, #tpu.memory_space<vmem>>[vector<16xi32>], vector<16xf32>,
          %mul3A_911 = arith.mulf %get3A_128, %gather3A_910 : vector<16xf32>
          %add3A_912 = arith.addf %add3A_906, %mul3A_911 : vector<16xf32>
          %add3A_913 = arith.constant 28672 : i32
          %add3A_914 = vector.broadcast %add3A_913 : i32 to vector<16xi32>
          %add3A_915 = arith.addi %get3A_68, %add3A_914 : vector<16xi32>
          %gather3A_916 = tpu.vector_load_idx %arg7[%add3A_915] : memref<65536xf32, #tpu.memory_space<vmem>>[vector<16xi32>], vector<16xf32>,
          %mul3A_917 = arith.mulf %get3A_132, %gather3A_916 : vector<16xf32>
          %add3A_918 = arith.addf %add3A_912, %mul3A_917 : vector<16xf32>
          %add3A_919 = arith.constant 28672 : i32
          %add3A_920 = vector.broadcast %add3A_919 : i32 to vector<16xi32>
          %add3A_921 = arith.addi %get3A_72, %add3A_920 : vector<16xi32>
          %gather3A_922 = tpu.vector_load_idx %arg7[%add3A_921] : memref<65536xf32, #tpu.memory_space<vmem>>[vector<16xi32>], vector<16xf32>,
          %mul3A_923 = arith.mulf %get3A_136, %gather3A_922 : vector<16xf32>
          %add3A_924 = arith.addf %add3A_918, %mul3A_923 : vector<16xf32>
          %add3A_925 = arith.constant 28672 : i32
          %add3A_926 = vector.broadcast %add3A_925 : i32 to vector<16xi32>
          %add3A_927 = arith.addi %get3A_76, %add3A_926 : vector<16xi32>
          %gather3A_928 = tpu.vector_load_idx %arg7[%add3A_927] : memref<65536xf32, #tpu.memory_space<vmem>>[vector<16xi32>], vector<16xf32>,
          %mul3A_929 = arith.mulf %get3A_140, %gather3A_928 : vector<16xf32>
          %add3A_930 = arith.addf %add3A_924, %mul3A_929 : vector<16xf32>
          %add3A_931 = arith.constant 28672 : i32
          %add3A_932 = vector.broadcast %add3A_931 : i32 to vector<16xi32>
          %add3A_933 = arith.addi %get3A_80, %add3A_932 : vector<16xi32>
          %gather3A_934 = tpu.vector_load_idx %arg7[%add3A_933] : memref<65536xf32, #tpu.memory_space<vmem>>[vector<16xi32>], vector<16xf32>,
          %mul3A_935 = arith.mulf %get3A_144, %gather3A_934 : vector<16xf32>
          %add3A_936 = arith.addf %add3A_930, %mul3A_935 : vector<16xf32>
          %add3A_937 = arith.constant 28672 : i32
          %add3A_938 = vector.broadcast %add3A_937 : i32 to vector<16xi32>
          %add3A_939 = arith.addi %get3A_84, %add3A_938 : vector<16xi32>
          %gather3A_940 = tpu.vector_load_idx %arg7[%add3A_939] : memref<65536xf32, #tpu.memory_space<vmem>>[vector<16xi32>], vector<16xf32>,
          %mul3A_941 = arith.mulf %get3A_148, %gather3A_940 : vector<16xf32>
          %add3A_942 = arith.addf %add3A_936, %mul3A_941 : vector<16xf32>
          %add3A_943 = arith.constant 28672 : i32
          %add3A_944 = vector.broadcast %add3A_943 : i32 to vector<16xi32>
          %add3A_945 = arith.addi %get3A_88, %add3A_944 : vector<16xi32>
          %gather3A_946 = tpu.vector_load_idx %arg7[%add3A_945] : memref<65536xf32, #tpu.memory_space<vmem>>[vector<16xi32>], vector<16xf32>,
          %mul3A_947 = arith.mulf %get3A_152, %gather3A_946 : vector<16xf32>
          %add3A_948 = arith.addf %add3A_942, %mul3A_947 : vector<16xf32>
          %add3A_949 = arith.constant 28672 : i32
          %add3A_950 = vector.broadcast %add3A_949 : i32 to vector<16xi32>
          %add3A_951 = arith.addi %get3A_92, %add3A_950 : vector<16xi32>
          %gather3A_952 = tpu.vector_load_idx %arg7[%add3A_951] : memref<65536xf32, #tpu.memory_space<vmem>>[vector<16xi32>], vector<16xf32>,
          %mul3A_953 = arith.mulf %get3A_156, %gather3A_952 : vector<16xf32>
          %add3A_954 = arith.addf %add3A_948, %mul3A_953 : vector<16xf32>
          %swap3A_955 = arith.constant 7 : i32
          %swap3A_956 = arith.index_cast %swap3A_955 : i32 to index
          %swap3A_957 = arith.index_cast %mul3A_29 : i32 to index
          %swap3A_958 = tpu.vector_load %arg11[%swap3A_956, %swap3A_957] {strides = array<i32>} : memref<16x512xf32, #tpu.memory_space<vmem>>, vector<16xf32>,
          tpu.vector_store %arg11[%swap3A_956, %swap3A_957], %add3A_954 {strides = array<i32>} : memref<16x512xf32, #tpu.memory_space<vmem>>, vector<16xf32>,
          %add3A_959 = arith.constant 32768 : i32
          %add3A_960 = vector.broadcast %add3A_959 : i32 to vector<16xi32>
          %add3A_961 = arith.addi %get3A_32, %add3A_960 : vector<16xi32>
          %gather3A_962 = tpu.vector_load_idx %arg7[%add3A_961] : memref<65536xf32, #tpu.memory_space<vmem>>[vector<16xi32>], vector<16xf32>,
          %mul3A_963 = arith.mulf %get3A_96, %gather3A_962 : vector<16xf32>
          %add3A_964 = arith.addf %neg3A_160, %mul3A_963 : vector<16xf32>
          %add3A_965 = arith.constant 32768 : i32
          %add3A_966 = vector.broadcast %add3A_965 : i32 to vector<16xi32>
          %add3A_967 = arith.addi %get3A_36, %add3A_966 : vector<16xi32>
          %gather3A_968 = tpu.vector_load_idx %arg7[%add3A_967] : memref<65536xf32, #tpu.memory_space<vmem>>[vector<16xi32>], vector<16xf32>,
          %mul3A_969 = arith.mulf %get3A_100, %gather3A_968 : vector<16xf32>
          %add3A_970 = arith.addf %add3A_964, %mul3A_969 : vector<16xf32>
          %add3A_971 = arith.constant 32768 : i32
          %add3A_972 = vector.broadcast %add3A_971 : i32 to vector<16xi32>
          %add3A_973 = arith.addi %get3A_40, %add3A_972 : vector<16xi32>
          %gather3A_974 = tpu.vector_load_idx %arg7[%add3A_973] : memref<65536xf32, #tpu.memory_space<vmem>>[vector<16xi32>], vector<16xf32>,
          %mul3A_975 = arith.mulf %get3A_104, %gather3A_974 : vector<16xf32>
          %add3A_976 = arith.addf %add3A_970, %mul3A_975 : vector<16xf32>
          %add3A_977 = arith.constant 32768 : i32
          %add3A_978 = vector.broadcast %add3A_977 : i32 to vector<16xi32>
          %add3A_979 = arith.addi %get3A_44, %add3A_978 : vector<16xi32>
          %gather3A_980 = tpu.vector_load_idx %arg7[%add3A_979] : memref<65536xf32, #tpu.memory_space<vmem>>[vector<16xi32>], vector<16xf32>,
          %mul3A_981 = arith.mulf %get3A_108, %gather3A_980 : vector<16xf32>
          %add3A_982 = arith.addf %add3A_976, %mul3A_981 : vector<16xf32>
          %add3A_983 = arith.constant 32768 : i32
          %add3A_984 = vector.broadcast %add3A_983 : i32 to vector<16xi32>
          %add3A_985 = arith.addi %get3A_48, %add3A_984 : vector<16xi32>
          %gather3A_986 = tpu.vector_load_idx %arg7[%add3A_985] : memref<65536xf32, #tpu.memory_space<vmem>>[vector<16xi32>], vector<16xf32>,
          %mul3A_987 = arith.mulf %get3A_112, %gather3A_986 : vector<16xf32>
          %add3A_988 = arith.addf %add3A_982, %mul3A_987 : vector<16xf32>
          %add3A_989 = arith.constant 32768 : i32
          %add3A_990 = vector.broadcast %add3A_989 : i32 to vector<16xi32>
          %add3A_991 = arith.addi %get3A_52, %add3A_990 : vector<16xi32>
          %gather3A_992 = tpu.vector_load_idx %arg7[%add3A_991] : memref<65536xf32, #tpu.memory_space<vmem>>[vector<16xi32>], vector<16xf32>,
          %mul3A_993 = arith.mulf %get3A_116, %gather3A_992 : vector<16xf32>
          %add3A_994 = arith.addf %add3A_988, %mul3A_993 : vector<16xf32>
          %add3A_995 = arith.constant 32768 : i32
          %add3A_996 = vector.broadcast %add3A_995 : i32 to vector<16xi32>
          %add3A_997 = arith.addi %get3A_56, %add3A_996 : vector<16xi32>
          %gather3A_998 = tpu.vector_load_idx %arg7[%add3A_997] : memref<65536xf32, #tpu.memory_space<vmem>>[vector<16xi32>], vector<16xf32>,
          %mul3A_999 = arith.mulf %get3A_120, %gather3A_998 : vector<16xf32>
          %add3A_1000 = arith.addf %add3A_994, %mul3A_999 : vector<16xf32>
          %add3A_1001 = arith.constant 32768 : i32
          %add3A_1002 = vector.broadcast %add3A_1001 : i32 to vector<16xi32>
          %add3A_1003 = arith.addi %get3A_60, %add3A_1002 : vector<16xi32>
          %gather3A_1004 = tpu.vector_load_idx %arg7[%add3A_1003] : memref<65536xf32, #tpu.memory_space<vmem>>[vector<16xi32>], vector<16xf32>,
          %mul3A_1005 = arith.mulf %get3A_124, %gather3A_1004 : vector<16xf32>
          %add3A_1006 = arith.addf %add3A_1000, %mul3A_1005 : vector<16xf32>
          %add3A_1007 = arith.constant 32768 : i32
          %add3A_1008 = vector.broadcast %add3A_1007 : i32 to vector<16xi32>
          %add3A_1009 = arith.addi %get3A_64, %add3A_1008 : vector<16xi32>
          %gather3A_1010 = tpu.vector_load_idx %arg7[%add3A_1009] : memref<65536xf32, #tpu.memory_space<vmem>>[vector<16xi32>], vector<16xf32>,
          %mul3A_1011 = arith.mulf %get3A_128, %gather3A_1010 : vector<16xf32>
          %add3A_1012 = arith.addf %add3A_1006, %mul3A_1011 : vector<16xf32>
          %add3A_1013 = arith.constant 32768 : i32
          %add3A_1014 = vector.broadcast %add3A_1013 : i32 to vector<16xi32>
          %add3A_1015 = arith.addi %get3A_68, %add3A_1014 : vector<16xi32>
          %gather3A_1016 = tpu.vector_load_idx %arg7[%add3A_1015] : memref<65536xf32, #tpu.memory_space<vmem>>[vector<16xi32>], vector<16xf32>,
          %mul3A_1017 = arith.mulf %get3A_132, %gather3A_1016 : vector<16xf32>
          %add3A_1018 = arith.addf %add3A_1012, %mul3A_1017 : vector<16xf32>
          %add3A_1019 = arith.constant 32768 : i32
          %add3A_1020 = vector.broadcast %add3A_1019 : i32 to vector<16xi32>
          %add3A_1021 = arith.addi %get3A_72, %add3A_1020 : vector<16xi32>
          %gather3A_1022 = tpu.vector_load_idx %arg7[%add3A_1021] : memref<65536xf32, #tpu.memory_space<vmem>>[vector<16xi32>], vector<16xf32>,
          %mul3A_1023 = arith.mulf %get3A_136, %gather3A_1022 : vector<16xf32>
          %add3A_1024 = arith.addf %add3A_1018, %mul3A_1023 : vector<16xf32>
          %add3A_1025 = arith.constant 32768 : i32
          %add3A_1026 = vector.broadcast %add3A_1025 : i32 to vector<16xi32>
          %add3A_1027 = arith.addi %get3A_76, %add3A_1026 : vector<16xi32>
          %gather3A_1028 = tpu.vector_load_idx %arg7[%add3A_1027] : memref<65536xf32, #tpu.memory_space<vmem>>[vector<16xi32>], vector<16xf32>,
          %mul3A_1029 = arith.mulf %get3A_140, %gather3A_1028 : vector<16xf32>
          %add3A_1030 = arith.addf %add3A_1024, %mul3A_1029 : vector<16xf32>
          %add3A_1031 = arith.constant 32768 : i32
          %add3A_1032 = vector.broadcast %add3A_1031 : i32 to vector<16xi32>
          %add3A_1033 = arith.addi %get3A_80, %add3A_1032 : vector<16xi32>
          %gather3A_1034 = tpu.vector_load_idx %arg7[%add3A_1033] : memref<65536xf32, #tpu.memory_space<vmem>>[vector<16xi32>], vector<16xf32>,
          %mul3A_1035 = arith.mulf %get3A_144, %gather3A_1034 : vector<16xf32>
          %add3A_1036 = arith.addf %add3A_1030, %mul3A_1035 : vector<16xf32>
          %add3A_1037 = arith.constant 32768 : i32
          %add3A_1038 = vector.broadcast %add3A_1037 : i32 to vector<16xi32>
          %add3A_1039 = arith.addi %get3A_84, %add3A_1038 : vector<16xi32>
          %gather3A_1040 = tpu.vector_load_idx %arg7[%add3A_1039] : memref<65536xf32, #tpu.memory_space<vmem>>[vector<16xi32>], vector<16xf32>,
          %mul3A_1041 = arith.mulf %get3A_148, %gather3A_1040 : vector<16xf32>
          %add3A_1042 = arith.addf %add3A_1036, %mul3A_1041 : vector<16xf32>
          %add3A_1043 = arith.constant 32768 : i32
          %add3A_1044 = vector.broadcast %add3A_1043 : i32 to vector<16xi32>
          %add3A_1045 = arith.addi %get3A_88, %add3A_1044 : vector<16xi32>
          %gather3A_1046 = tpu.vector_load_idx %arg7[%add3A_1045] : memref<65536xf32, #tpu.memory_space<vmem>>[vector<16xi32>], vector<16xf32>,
          %mul3A_1047 = arith.mulf %get3A_152, %gather3A_1046 : vector<16xf32>
          %add3A_1048 = arith.addf %add3A_1042, %mul3A_1047 : vector<16xf32>
          %add3A_1049 = arith.constant 32768 : i32
          %add3A_1050 = vector.broadcast %add3A_1049 : i32 to vector<16xi32>
          %add3A_1051 = arith.addi %get3A_92, %add3A_1050 : vector<16xi32>
          %gather3A_1052 = tpu.vector_load_idx %arg7[%add3A_1051] : memref<65536xf32, #tpu.memory_space<vmem>>[vector<16xi32>], vector<16xf32>,
          %mul3A_1053 = arith.mulf %get3A_156, %gather3A_1052 : vector<16xf32>
          %add3A_1054 = arith.addf %add3A_1048, %mul3A_1053 : vector<16xf32>
          %swap3A_1055 = arith.constant 8 : i32
          %swap3A_1056 = arith.index_cast %swap3A_1055 : i32 to index
          %swap3A_1057 = arith.index_cast %mul3A_29 : i32 to index
          %swap3A_1058 = tpu.vector_load %arg11[%swap3A_1056, %swap3A_1057] {strides = array<i32>} : memref<16x512xf32, #tpu.memory_space<vmem>>, vector<16xf32>,
          tpu.vector_store %arg11[%swap3A_1056, %swap3A_1057], %add3A_1054 {strides = array<i32>} : memref<16x512xf32, #tpu.memory_space<vmem>>, vector<16xf32>,
          %add3A_1059 = arith.constant 36864 : i32
          %add3A_1060 = vector.broadcast %add3A_1059 : i32 to vector<16xi32>
          %add3A_1061 = arith.addi %get3A_32, %add3A_1060 : vector<16xi32>
          %gather3A_1062 = tpu.vector_load_idx %arg7[%add3A_1061] : memref<65536xf32, #tpu.memory_space<vmem>>[vector<16xi32>], vector<16xf32>,
          %mul3A_1063 = arith.mulf %get3A_96, %gather3A_1062 : vector<16xf32>
          %add3A_1064 = arith.addf %neg3A_160, %mul3A_1063 : vector<16xf32>
          %add3A_1065 = arith.constant 36864 : i32
          %add3A_1066 = vector.broadcast %add3A_1065 : i32 to vector<16xi32>
          %add3A_1067 = arith.addi %get3A_36, %add3A_1066 : vector<16xi32>
          %gather3A_1068 = tpu.vector_load_idx %arg7[%add3A_1067] : memref<65536xf32, #tpu.memory_space<vmem>>[vector<16xi32>], vector<16xf32>,
          %mul3A_1069 = arith.mulf %get3A_100, %gather3A_1068 : vector<16xf32>
          %add3A_1070 = arith.addf %add3A_1064, %mul3A_1069 : vector<16xf32>
          %add3A_1071 = arith.constant 36864 : i32
          %add3A_1072 = vector.broadcast %add3A_1071 : i32 to vector<16xi32>
          %add3A_1073 = arith.addi %get3A_40, %add3A_1072 : vector<16xi32>
          %gather3A_1074 = tpu.vector_load_idx %arg7[%add3A_1073] : memref<65536xf32, #tpu.memory_space<vmem>>[vector<16xi32>], vector<16xf32>,
          %mul3A_1075 = arith.mulf %get3A_104, %gather3A_1074 : vector<16xf32>
          %add3A_1076 = arith.addf %add3A_1070, %mul3A_1075 : vector<16xf32>
          %add3A_1077 = arith.constant 36864 : i32
          %add3A_1078 = vector.broadcast %add3A_1077 : i32 to vector<16xi32>
          %add3A_1079 = arith.addi %get3A_44, %add3A_1078 : vector<16xi32>
          %gather3A_1080 = tpu.vector_load_idx %arg7[%add3A_1079] : memref<65536xf32, #tpu.memory_space<vmem>>[vector<16xi32>], vector<16xf32>,
          %mul3A_1081 = arith.mulf %get3A_108, %gather3A_1080 : vector<16xf32>
          %add3A_1082 = arith.addf %add3A_1076, %mul3A_1081 : vector<16xf32>
          %add3A_1083 = arith.constant 36864 : i32
          %add3A_1084 = vector.broadcast %add3A_1083 : i32 to vector<16xi32>
          %add3A_1085 = arith.addi %get3A_48, %add3A_1084 : vector<16xi32>
          %gather3A_1086 = tpu.vector_load_idx %arg7[%add3A_1085] : memref<65536xf32, #tpu.memory_space<vmem>>[vector<16xi32>], vector<16xf32>,
          %mul3A_1087 = arith.mulf %get3A_112, %gather3A_1086 : vector<16xf32>
          %add3A_1088 = arith.addf %add3A_1082, %mul3A_1087 : vector<16xf32>
          %add3A_1089 = arith.constant 36864 : i32
          %add3A_1090 = vector.broadcast %add3A_1089 : i32 to vector<16xi32>
          %add3A_1091 = arith.addi %get3A_52, %add3A_1090 : vector<16xi32>
          %gather3A_1092 = tpu.vector_load_idx %arg7[%add3A_1091] : memref<65536xf32, #tpu.memory_space<vmem>>[vector<16xi32>], vector<16xf32>,
          %mul3A_1093 = arith.mulf %get3A_116, %gather3A_1092 : vector<16xf32>
          %add3A_1094 = arith.addf %add3A_1088, %mul3A_1093 : vector<16xf32>
          %add3A_1095 = arith.constant 36864 : i32
          %add3A_1096 = vector.broadcast %add3A_1095 : i32 to vector<16xi32>
          %add3A_1097 = arith.addi %get3A_56, %add3A_1096 : vector<16xi32>
          %gather3A_1098 = tpu.vector_load_idx %arg7[%add3A_1097] : memref<65536xf32, #tpu.memory_space<vmem>>[vector<16xi32>], vector<16xf32>,
          %mul3A_1099 = arith.mulf %get3A_120, %gather3A_1098 : vector<16xf32>
          %add3A_1100 = arith.addf %add3A_1094, %mul3A_1099 : vector<16xf32>
          %add3A_1101 = arith.constant 36864 : i32
          %add3A_1102 = vector.broadcast %add3A_1101 : i32 to vector<16xi32>
          %add3A_1103 = arith.addi %get3A_60, %add3A_1102 : vector<16xi32>
          %gather3A_1104 = tpu.vector_load_idx %arg7[%add3A_1103] : memref<65536xf32, #tpu.memory_space<vmem>>[vector<16xi32>], vector<16xf32>,
          %mul3A_1105 = arith.mulf %get3A_124, %gather3A_1104 : vector<16xf32>
          %add3A_1106 = arith.addf %add3A_1100, %mul3A_1105 : vector<16xf32>
          %add3A_1107 = arith.constant 36864 : i32
          %add3A_1108 = vector.broadcast %add3A_1107 : i32 to vector<16xi32>
          %add3A_1109 = arith.addi %get3A_64, %add3A_1108 : vector<16xi32>
          %gather3A_1110 = tpu.vector_load_idx %arg7[%add3A_1109] : memref<65536xf32, #tpu.memory_space<vmem>>[vector<16xi32>], vector<16xf32>,
          %mul3A_1111 = arith.mulf %get3A_128, %gather3A_1110 : vector<16xf32>
          %add3A_1112 = arith.addf %add3A_1106, %mul3A_1111 : vector<16xf32>
          %add3A_1113 = arith.constant 36864 : i32
          %add3A_1114 = vector.broadcast %add3A_1113 : i32 to vector<16xi32>
          %add3A_1115 = arith.addi %get3A_68, %add3A_1114 : vector<16xi32>
          %gather3A_1116 = tpu.vector_load_idx %arg7[%add3A_1115] : memref<65536xf32, #tpu.memory_space<vmem>>[vector<16xi32>], vector<16xf32>,
          %mul3A_1117 = arith.mulf %get3A_132, %gather3A_1116 : vector<16xf32>
          %add3A_1118 = arith.addf %add3A_1112, %mul3A_1117 : vector<16xf32>
          %add3A_1119 = arith.constant 36864 : i32
          %add3A_1120 = vector.broadcast %add3A_1119 : i32 to vector<16xi32>
          %add3A_1121 = arith.addi %get3A_72, %add3A_1120 : vector<16xi32>
          %gather3A_1122 = tpu.vector_load_idx %arg7[%add3A_1121] : memref<65536xf32, #tpu.memory_space<vmem>>[vector<16xi32>], vector<16xf32>,
          %mul3A_1123 = arith.mulf %get3A_136, %gather3A_1122 : vector<16xf32>
          %add3A_1124 = arith.addf %add3A_1118, %mul3A_1123 : vector<16xf32>
          %add3A_1125 = arith.constant 36864 : i32
          %add3A_1126 = vector.broadcast %add3A_1125 : i32 to vector<16xi32>
          %add3A_1127 = arith.addi %get3A_76, %add3A_1126 : vector<16xi32>
          %gather3A_1128 = tpu.vector_load_idx %arg7[%add3A_1127] : memref<65536xf32, #tpu.memory_space<vmem>>[vector<16xi32>], vector<16xf32>,
          %mul3A_1129 = arith.mulf %get3A_140, %gather3A_1128 : vector<16xf32>
          %add3A_1130 = arith.addf %add3A_1124, %mul3A_1129 : vector<16xf32>
          %add3A_1131 = arith.constant 36864 : i32
          %add3A_1132 = vector.broadcast %add3A_1131 : i32 to vector<16xi32>
          %add3A_1133 = arith.addi %get3A_80, %add3A_1132 : vector<16xi32>
          %gather3A_1134 = tpu.vector_load_idx %arg7[%add3A_1133] : memref<65536xf32, #tpu.memory_space<vmem>>[vector<16xi32>], vector<16xf32>,
          %mul3A_1135 = arith.mulf %get3A_144, %gather3A_1134 : vector<16xf32>
          %add3A_1136 = arith.addf %add3A_1130, %mul3A_1135 : vector<16xf32>
          %add3A_1137 = arith.constant 36864 : i32
          %add3A_1138 = vector.broadcast %add3A_1137 : i32 to vector<16xi32>
          %add3A_1139 = arith.addi %get3A_84, %add3A_1138 : vector<16xi32>
          %gather3A_1140 = tpu.vector_load_idx %arg7[%add3A_1139] : memref<65536xf32, #tpu.memory_space<vmem>>[vector<16xi32>], vector<16xf32>,
          %mul3A_1141 = arith.mulf %get3A_148, %gather3A_1140 : vector<16xf32>
          %add3A_1142 = arith.addf %add3A_1136, %mul3A_1141 : vector<16xf32>
          %add3A_1143 = arith.constant 36864 : i32
          %add3A_1144 = vector.broadcast %add3A_1143 : i32 to vector<16xi32>
          %add3A_1145 = arith.addi %get3A_88, %add3A_1144 : vector<16xi32>
          %gather3A_1146 = tpu.vector_load_idx %arg7[%add3A_1145] : memref<65536xf32, #tpu.memory_space<vmem>>[vector<16xi32>], vector<16xf32>,
          %mul3A_1147 = arith.mulf %get3A_152, %gather3A_1146 : vector<16xf32>
          %add3A_1148 = arith.addf %add3A_1142, %mul3A_1147 : vector<16xf32>
          %add3A_1149 = arith.constant 36864 : i32
          %add3A_1150 = vector.broadcast %add3A_1149 : i32 to vector<16xi32>
          %add3A_1151 = arith.addi %get3A_92, %add3A_1150 : vector<16xi32>
          %gather3A_1152 = tpu.vector_load_idx %arg7[%add3A_1151] : memref<65536xf32, #tpu.memory_space<vmem>>[vector<16xi32>], vector<16xf32>,
          %mul3A_1153 = arith.mulf %get3A_156, %gather3A_1152 : vector<16xf32>
          %add3A_1154 = arith.addf %add3A_1148, %mul3A_1153 : vector<16xf32>
          %swap3A_1155 = arith.constant 9 : i32
          %swap3A_1156 = arith.index_cast %swap3A_1155 : i32 to index
          %swap3A_1157 = arith.index_cast %mul3A_29 : i32 to index
          %swap3A_1158 = tpu.vector_load %arg11[%swap3A_1156, %swap3A_1157] {strides = array<i32>} : memref<16x512xf32, #tpu.memory_space<vmem>>, vector<16xf32>,
          tpu.vector_store %arg11[%swap3A_1156, %swap3A_1157], %add3A_1154 {strides = array<i32>} : memref<16x512xf32, #tpu.memory_space<vmem>>, vector<16xf32>,
          %add3A_1159 = arith.constant 40960 : i32
          %add3A_1160 = vector.broadcast %add3A_1159 : i32 to vector<16xi32>
          %add3A_1161 = arith.addi %get3A_32, %add3A_1160 : vector<16xi32>
          %gather3A_1162 = tpu.vector_load_idx %arg7[%add3A_1161] : memref<65536xf32, #tpu.memory_space<vmem>>[vector<16xi32>], vector<16xf32>,
          %mul3A_1163 = arith.mulf %get3A_96, %gather3A_1162 : vector<16xf32>
          %add3A_1164 = arith.addf %neg3A_160, %mul3A_1163 : vector<16xf32>
          %add3A_1165 = arith.constant 40960 : i32
          %add3A_1166 = vector.broadcast %add3A_1165 : i32 to vector<16xi32>
          %add3A_1167 = arith.addi %get3A_36, %add3A_1166 : vector<16xi32>
          %gather3A_1168 = tpu.vector_load_idx %arg7[%add3A_1167] : memref<65536xf32, #tpu.memory_space<vmem>>[vector<16xi32>], vector<16xf32>,
          %mul3A_1169 = arith.mulf %get3A_100, %gather3A_1168 : vector<16xf32>
          %add3A_1170 = arith.addf %add3A_1164, %mul3A_1169 : vector<16xf32>
          %add3A_1171 = arith.constant 40960 : i32
          %add3A_1172 = vector.broadcast %add3A_1171 : i32 to vector<16xi32>
          %add3A_1173 = arith.addi %get3A_40, %add3A_1172 : vector<16xi32>
          %gather3A_1174 = tpu.vector_load_idx %arg7[%add3A_1173] : memref<65536xf32, #tpu.memory_space<vmem>>[vector<16xi32>], vector<16xf32>,
          %mul3A_1175 = arith.mulf %get3A_104, %gather3A_1174 : vector<16xf32>
          %add3A_1176 = arith.addf %add3A_1170, %mul3A_1175 : vector<16xf32>
          %add3A_1177 = arith.constant 40960 : i32
          %add3A_1178 = vector.broadcast %add3A_1177 : i32 to vector<16xi32>
          %add3A_1179 = arith.addi %get3A_44, %add3A_1178 : vector<16xi32>
          %gather3A_1180 = tpu.vector_load_idx %arg7[%add3A_1179] : memref<65536xf32, #tpu.memory_space<vmem>>[vector<16xi32>], vector<16xf32>,
          %mul3A_1181 = arith.mulf %get3A_108, %gather3A_1180 : vector<16xf32>
          %add3A_1182 = arith.addf %add3A_1176, %mul3A_1181 : vector<16xf32>
          %add3A_1183 = arith.constant 40960 : i32
          %add3A_1184 = vector.broadcast %add3A_1183 : i32 to vector<16xi32>
          %add3A_1185 = arith.addi %get3A_48, %add3A_1184 : vector<16xi32>
          %gather3A_1186 = tpu.vector_load_idx %arg7[%add3A_1185] : memref<65536xf32, #tpu.memory_space<vmem>>[vector<16xi32>], vector<16xf32>,
          %mul3A_1187 = arith.mulf %get3A_112, %gather3A_1186 : vector<16xf32>
          %add3A_1188 = arith.addf %add3A_1182, %mul3A_1187 : vector<16xf32>
          %add3A_1189 = arith.constant 40960 : i32
          %add3A_1190 = vector.broadcast %add3A_1189 : i32 to vector<16xi32>
          %add3A_1191 = arith.addi %get3A_52, %add3A_1190 : vector<16xi32>
          %gather3A_1192 = tpu.vector_load_idx %arg7[%add3A_1191] : memref<65536xf32, #tpu.memory_space<vmem>>[vector<16xi32>], vector<16xf32>,
          %mul3A_1193 = arith.mulf %get3A_116, %gather3A_1192 : vector<16xf32>
          %add3A_1194 = arith.addf %add3A_1188, %mul3A_1193 : vector<16xf32>
          %add3A_1195 = arith.constant 40960 : i32
          %add3A_1196 = vector.broadcast %add3A_1195 : i32 to vector<16xi32>
          %add3A_1197 = arith.addi %get3A_56, %add3A_1196 : vector<16xi32>
          %gather3A_1198 = tpu.vector_load_idx %arg7[%add3A_1197] : memref<65536xf32, #tpu.memory_space<vmem>>[vector<16xi32>], vector<16xf32>,
          %mul3A_1199 = arith.mulf %get3A_120, %gather3A_1198 : vector<16xf32>
          %add3A_1200 = arith.addf %add3A_1194, %mul3A_1199 : vector<16xf32>
          %add3A_1201 = arith.constant 40960 : i32
          %add3A_1202 = vector.broadcast %add3A_1201 : i32 to vector<16xi32>
          %add3A_1203 = arith.addi %get3A_60, %add3A_1202 : vector<16xi32>
          %gather3A_1204 = tpu.vector_load_idx %arg7[%add3A_1203] : memref<65536xf32, #tpu.memory_space<vmem>>[vector<16xi32>], vector<16xf32>,
          %mul3A_1205 = arith.mulf %get3A_124, %gather3A_1204 : vector<16xf32>
          %add3A_1206 = arith.addf %add3A_1200, %mul3A_1205 : vector<16xf32>
          %add3A_1207 = arith.constant 40960 : i32
          %add3A_1208 = vector.broadcast %add3A_1207 : i32 to vector<16xi32>
          %add3A_1209 = arith.addi %get3A_64, %add3A_1208 : vector<16xi32>
          %gather3A_1210 = tpu.vector_load_idx %arg7[%add3A_1209] : memref<65536xf32, #tpu.memory_space<vmem>>[vector<16xi32>], vector<16xf32>,
          %mul3A_1211 = arith.mulf %get3A_128, %gather3A_1210 : vector<16xf32>
          %add3A_1212 = arith.addf %add3A_1206, %mul3A_1211 : vector<16xf32>
          %add3A_1213 = arith.constant 40960 : i32
          %add3A_1214 = vector.broadcast %add3A_1213 : i32 to vector<16xi32>
          %add3A_1215 = arith.addi %get3A_68, %add3A_1214 : vector<16xi32>
          %gather3A_1216 = tpu.vector_load_idx %arg7[%add3A_1215] : memref<65536xf32, #tpu.memory_space<vmem>>[vector<16xi32>], vector<16xf32>,
          %mul3A_1217 = arith.mulf %get3A_132, %gather3A_1216 : vector<16xf32>
          %add3A_1218 = arith.addf %add3A_1212, %mul3A_1217 : vector<16xf32>
          %add3A_1219 = arith.constant 40960 : i32
          %add3A_1220 = vector.broadcast %add3A_1219 : i32 to vector<16xi32>
          %add3A_1221 = arith.addi %get3A_72, %add3A_1220 : vector<16xi32>
          %gather3A_1222 = tpu.vector_load_idx %arg7[%add3A_1221] : memref<65536xf32, #tpu.memory_space<vmem>>[vector<16xi32>], vector<16xf32>,
          %mul3A_1223 = arith.mulf %get3A_136, %gather3A_1222 : vector<16xf32>
          %add3A_1224 = arith.addf %add3A_1218, %mul3A_1223 : vector<16xf32>
          %add3A_1225 = arith.constant 40960 : i32
          %add3A_1226 = vector.broadcast %add3A_1225 : i32 to vector<16xi32>
          %add3A_1227 = arith.addi %get3A_76, %add3A_1226 : vector<16xi32>
          %gather3A_1228 = tpu.vector_load_idx %arg7[%add3A_1227] : memref<65536xf32, #tpu.memory_space<vmem>>[vector<16xi32>], vector<16xf32>,
          %mul3A_1229 = arith.mulf %get3A_140, %gather3A_1228 : vector<16xf32>
          %add3A_1230 = arith.addf %add3A_1224, %mul3A_1229 : vector<16xf32>
          %add3A_1231 = arith.constant 40960 : i32
          %add3A_1232 = vector.broadcast %add3A_1231 : i32 to vector<16xi32>
          %add3A_1233 = arith.addi %get3A_80, %add3A_1232 : vector<16xi32>
          %gather3A_1234 = tpu.vector_load_idx %arg7[%add3A_1233] : memref<65536xf32, #tpu.memory_space<vmem>>[vector<16xi32>], vector<16xf32>,
          %mul3A_1235 = arith.mulf %get3A_144, %gather3A_1234 : vector<16xf32>
          %add3A_1236 = arith.addf %add3A_1230, %mul3A_1235 : vector<16xf32>
          %add3A_1237 = arith.constant 40960 : i32
          %add3A_1238 = vector.broadcast %add3A_1237 : i32 to vector<16xi32>
          %add3A_1239 = arith.addi %get3A_84, %add3A_1238 : vector<16xi32>
          %gather3A_1240 = tpu.vector_load_idx %arg7[%add3A_1239] : memref<65536xf32, #tpu.memory_space<vmem>>[vector<16xi32>], vector<16xf32>,
          %mul3A_1241 = arith.mulf %get3A_148, %gather3A_1240 : vector<16xf32>
          %add3A_1242 = arith.addf %add3A_1236, %mul3A_1241 : vector<16xf32>
          %add3A_1243 = arith.constant 40960 : i32
          %add3A_1244 = vector.broadcast %add3A_1243 : i32 to vector<16xi32>
          %add3A_1245 = arith.addi %get3A_88, %add3A_1244 : vector<16xi32>
          %gather3A_1246 = tpu.vector_load_idx %arg7[%add3A_1245] : memref<65536xf32, #tpu.memory_space<vmem>>[vector<16xi32>], vector<16xf32>,
          %mul3A_1247 = arith.mulf %get3A_152, %gather3A_1246 : vector<16xf32>
          %add3A_1248 = arith.addf %add3A_1242, %mul3A_1247 : vector<16xf32>
          %add3A_1249 = arith.constant 40960 : i32
          %add3A_1250 = vector.broadcast %add3A_1249 : i32 to vector<16xi32>
          %add3A_1251 = arith.addi %get3A_92, %add3A_1250 : vector<16xi32>
          %gather3A_1252 = tpu.vector_load_idx %arg7[%add3A_1251] : memref<65536xf32, #tpu.memory_space<vmem>>[vector<16xi32>], vector<16xf32>,
          %mul3A_1253 = arith.mulf %get3A_156, %gather3A_1252 : vector<16xf32>
          %add3A_1254 = arith.addf %add3A_1248, %mul3A_1253 : vector<16xf32>
          %swap3A_1255 = arith.constant 10 : i32
          %swap3A_1256 = arith.index_cast %swap3A_1255 : i32 to index
          %swap3A_1257 = arith.index_cast %mul3A_29 : i32 to index
          %swap3A_1258 = tpu.vector_load %arg11[%swap3A_1256, %swap3A_1257] {strides = array<i32>} : memref<16x512xf32, #tpu.memory_space<vmem>>, vector<16xf32>,
          tpu.vector_store %arg11[%swap3A_1256, %swap3A_1257], %add3A_1254 {strides = array<i32>} : memref<16x512xf32, #tpu.memory_space<vmem>>, vector<16xf32>,
          %add3A_1259 = arith.constant 45056 : i32
          %add3A_1260 = vector.broadcast %add3A_1259 : i32 to vector<16xi32>
          %add3A_1261 = arith.addi %get3A_32, %add3A_1260 : vector<16xi32>
          %gather3A_1262 = tpu.vector_load_idx %arg7[%add3A_1261] : memref<65536xf32, #tpu.memory_space<vmem>>[vector<16xi32>], vector<16xf32>,
          %mul3A_1263 = arith.mulf %get3A_96, %gather3A_1262 : vector<16xf32>
          %add3A_1264 = arith.addf %neg3A_160, %mul3A_1263 : vector<16xf32>
          %add3A_1265 = arith.constant 45056 : i32
          %add3A_1266 = vector.broadcast %add3A_1265 : i32 to vector<16xi32>
          %add3A_1267 = arith.addi %get3A_36, %add3A_1266 : vector<16xi32>
          %gather3A_1268 = tpu.vector_load_idx %arg7[%add3A_1267] : memref<65536xf32, #tpu.memory_space<vmem>>[vector<16xi32>], vector<16xf32>,
          %mul3A_1269 = arith.mulf %get3A_100, %gather3A_1268 : vector<16xf32>
          %add3A_1270 = arith.addf %add3A_1264, %mul3A_1269 : vector<16xf32>
          %add3A_1271 = arith.constant 45056 : i32
          %add3A_1272 = vector.broadcast %add3A_1271 : i32 to vector<16xi32>
          %add3A_1273 = arith.addi %get3A_40, %add3A_1272 : vector<16xi32>
          %gather3A_1274 = tpu.vector_load_idx %arg7[%add3A_1273] : memref<65536xf32, #tpu.memory_space<vmem>>[vector<16xi32>], vector<16xf32>,
          %mul3A_1275 = arith.mulf %get3A_104, %gather3A_1274 : vector<16xf32>
          %add3A_1276 = arith.addf %add3A_1270, %mul3A_1275 : vector<16xf32>
          %add3A_1277 = arith.constant 45056 : i32
          %add3A_1278 = vector.broadcast %add3A_1277 : i32 to vector<16xi32>
          %add3A_1279 = arith.addi %get3A_44, %add3A_1278 : vector<16xi32>
          %gather3A_1280 = tpu.vector_load_idx %arg7[%add3A_1279] : memref<65536xf32, #tpu.memory_space<vmem>>[vector<16xi32>], vector<16xf32>,
          %mul3A_1281 = arith.mulf %get3A_108, %gather3A_1280 : vector<16xf32>
          %add3A_1282 = arith.addf %add3A_1276, %mul3A_1281 : vector<16xf32>
          %add3A_1283 = arith.constant 45056 : i32
          %add3A_1284 = vector.broadcast %add3A_1283 : i32 to vector<16xi32>
          %add3A_1285 = arith.addi %get3A_48, %add3A_1284 : vector<16xi32>
          %gather3A_1286 = tpu.vector_load_idx %arg7[%add3A_1285] : memref<65536xf32, #tpu.memory_space<vmem>>[vector<16xi32>], vector<16xf32>,
          %mul3A_1287 = arith.mulf %get3A_112, %gather3A_1286 : vector<16xf32>
          %add3A_1288 = arith.addf %add3A_1282, %mul3A_1287 : vector<16xf32>
          %add3A_1289 = arith.constant 45056 : i32
          %add3A_1290 = vector.broadcast %add3A_1289 : i32 to vector<16xi32>
          %add3A_1291 = arith.addi %get3A_52, %add3A_1290 : vector<16xi32>
          %gather3A_1292 = tpu.vector_load_idx %arg7[%add3A_1291] : memref<65536xf32, #tpu.memory_space<vmem>>[vector<16xi32>], vector<16xf32>,
          %mul3A_1293 = arith.mulf %get3A_116, %gather3A_1292 : vector<16xf32>
          %add3A_1294 = arith.addf %add3A_1288, %mul3A_1293 : vector<16xf32>
          %add3A_1295 = arith.constant 45056 : i32
          %add3A_1296 = vector.broadcast %add3A_1295 : i32 to vector<16xi32>
          %add3A_1297 = arith.addi %get3A_56, %add3A_1296 : vector<16xi32>
          %gather3A_1298 = tpu.vector_load_idx %arg7[%add3A_1297] : memref<65536xf32, #tpu.memory_space<vmem>>[vector<16xi32>], vector<16xf32>,
          %mul3A_1299 = arith.mulf %get3A_120, %gather3A_1298 : vector<16xf32>
          %add3A_1300 = arith.addf %add3A_1294, %mul3A_1299 : vector<16xf32>
          %add3A_1301 = arith.constant 45056 : i32
          %add3A_1302 = vector.broadcast %add3A_1301 : i32 to vector<16xi32>
          %add3A_1303 = arith.addi %get3A_60, %add3A_1302 : vector<16xi32>
          %gather3A_1304 = tpu.vector_load_idx %arg7[%add3A_1303] : memref<65536xf32, #tpu.memory_space<vmem>>[vector<16xi32>], vector<16xf32>,
          %mul3A_1305 = arith.mulf %get3A_124, %gather3A_1304 : vector<16xf32>
          %add3A_1306 = arith.addf %add3A_1300, %mul3A_1305 : vector<16xf32>
          %add3A_1307 = arith.constant 45056 : i32
          %add3A_1308 = vector.broadcast %add3A_1307 : i32 to vector<16xi32>
          %add3A_1309 = arith.addi %get3A_64, %add3A_1308 : vector<16xi32>
          %gather3A_1310 = tpu.vector_load_idx %arg7[%add3A_1309] : memref<65536xf32, #tpu.memory_space<vmem>>[vector<16xi32>], vector<16xf32>,
          %mul3A_1311 = arith.mulf %get3A_128, %gather3A_1310 : vector<16xf32>
          %add3A_1312 = arith.addf %add3A_1306, %mul3A_1311 : vector<16xf32>
          %add3A_1313 = arith.constant 45056 : i32
          %add3A_1314 = vector.broadcast %add3A_1313 : i32 to vector<16xi32>
          %add3A_1315 = arith.addi %get3A_68, %add3A_1314 : vector<16xi32>
          %gather3A_1316 = tpu.vector_load_idx %arg7[%add3A_1315] : memref<65536xf32, #tpu.memory_space<vmem>>[vector<16xi32>], vector<16xf32>,
          %mul3A_1317 = arith.mulf %get3A_132, %gather3A_1316 : vector<16xf32>
          %add3A_1318 = arith.addf %add3A_1312, %mul3A_1317 : vector<16xf32>
          %add3A_1319 = arith.constant 45056 : i32
          %add3A_1320 = vector.broadcast %add3A_1319 : i32 to vector<16xi32>
          %add3A_1321 = arith.addi %get3A_72, %add3A_1320 : vector<16xi32>
          %gather3A_1322 = tpu.vector_load_idx %arg7[%add3A_1321] : memref<65536xf32, #tpu.memory_space<vmem>>[vector<16xi32>], vector<16xf32>,
          %mul3A_1323 = arith.mulf %get3A_136, %gather3A_1322 : vector<16xf32>
          %add3A_1324 = arith.addf %add3A_1318, %mul3A_1323 : vector<16xf32>
          %add3A_1325 = arith.constant 45056 : i32
          %add3A_1326 = vector.broadcast %add3A_1325 : i32 to vector<16xi32>
          %add3A_1327 = arith.addi %get3A_76, %add3A_1326 : vector<16xi32>
          %gather3A_1328 = tpu.vector_load_idx %arg7[%add3A_1327] : memref<65536xf32, #tpu.memory_space<vmem>>[vector<16xi32>], vector<16xf32>,
          %mul3A_1329 = arith.mulf %get3A_140, %gather3A_1328 : vector<16xf32>
          %add3A_1330 = arith.addf %add3A_1324, %mul3A_1329 : vector<16xf32>
          %add3A_1331 = arith.constant 45056 : i32
          %add3A_1332 = vector.broadcast %add3A_1331 : i32 to vector<16xi32>
          %add3A_1333 = arith.addi %get3A_80, %add3A_1332 : vector<16xi32>
          %gather3A_1334 = tpu.vector_load_idx %arg7[%add3A_1333] : memref<65536xf32, #tpu.memory_space<vmem>>[vector<16xi32>], vector<16xf32>,
          %mul3A_1335 = arith.mulf %get3A_144, %gather3A_1334 : vector<16xf32>
          %add3A_1336 = arith.addf %add3A_1330, %mul3A_1335 : vector<16xf32>
          %add3A_1337 = arith.constant 45056 : i32
          %add3A_1338 = vector.broadcast %add3A_1337 : i32 to vector<16xi32>
          %add3A_1339 = arith.addi %get3A_84, %add3A_1338 : vector<16xi32>
          %gather3A_1340 = tpu.vector_load_idx %arg7[%add3A_1339] : memref<65536xf32, #tpu.memory_space<vmem>>[vector<16xi32>], vector<16xf32>,
          %mul3A_1341 = arith.mulf %get3A_148, %gather3A_1340 : vector<16xf32>
          %add3A_1342 = arith.addf %add3A_1336, %mul3A_1341 : vector<16xf32>
          %add3A_1343 = arith.constant 45056 : i32
          %add3A_1344 = vector.broadcast %add3A_1343 : i32 to vector<16xi32>
          %add3A_1345 = arith.addi %get3A_88, %add3A_1344 : vector<16xi32>
          %gather3A_1346 = tpu.vector_load_idx %arg7[%add3A_1345] : memref<65536xf32, #tpu.memory_space<vmem>>[vector<16xi32>], vector<16xf32>,
          %mul3A_1347 = arith.mulf %get3A_152, %gather3A_1346 : vector<16xf32>
          %add3A_1348 = arith.addf %add3A_1342, %mul3A_1347 : vector<16xf32>
          %add3A_1349 = arith.constant 45056 : i32
          %add3A_1350 = vector.broadcast %add3A_1349 : i32 to vector<16xi32>
          %add3A_1351 = arith.addi %get3A_92, %add3A_1350 : vector<16xi32>
          %gather3A_1352 = tpu.vector_load_idx %arg7[%add3A_1351] : memref<65536xf32, #tpu.memory_space<vmem>>[vector<16xi32>], vector<16xf32>,
          %mul3A_1353 = arith.mulf %get3A_156, %gather3A_1352 : vector<16xf32>
          %add3A_1354 = arith.addf %add3A_1348, %mul3A_1353 : vector<16xf32>
          %swap3A_1355 = arith.constant 11 : i32
          %swap3A_1356 = arith.index_cast %swap3A_1355 : i32 to index
          %swap3A_1357 = arith.index_cast %mul3A_29 : i32 to index
          %swap3A_1358 = tpu.vector_load %arg11[%swap3A_1356, %swap3A_1357] {strides = array<i32>} : memref<16x512xf32, #tpu.memory_space<vmem>>, vector<16xf32>,
          tpu.vector_store %arg11[%swap3A_1356, %swap3A_1357], %add3A_1354 {strides = array<i32>} : memref<16x512xf32, #tpu.memory_space<vmem>>, vector<16xf32>,
          %add3A_1359 = arith.constant 49152 : i32
          %add3A_1360 = vector.broadcast %add3A_1359 : i32 to vector<16xi32>
          %add3A_1361 = arith.addi %get3A_32, %add3A_1360 : vector<16xi32>
          %gather3A_1362 = tpu.vector_load_idx %arg7[%add3A_1361] : memref<65536xf32, #tpu.memory_space<vmem>>[vector<16xi32>], vector<16xf32>,
          %mul3A_1363 = arith.mulf %get3A_96, %gather3A_1362 : vector<16xf32>
          %add3A_1364 = arith.addf %neg3A_160, %mul3A_1363 : vector<16xf32>
          %add3A_1365 = arith.constant 49152 : i32
          %add3A_1366 = vector.broadcast %add3A_1365 : i32 to vector<16xi32>
          %add3A_1367 = arith.addi %get3A_36, %add3A_1366 : vector<16xi32>
          %gather3A_1368 = tpu.vector_load_idx %arg7[%add3A_1367] : memref<65536xf32, #tpu.memory_space<vmem>>[vector<16xi32>], vector<16xf32>,
          %mul3A_1369 = arith.mulf %get3A_100, %gather3A_1368 : vector<16xf32>
          %add3A_1370 = arith.addf %add3A_1364, %mul3A_1369 : vector<16xf32>
          %add3A_1371 = arith.constant 49152 : i32
          %add3A_1372 = vector.broadcast %add3A_1371 : i32 to vector<16xi32>
          %add3A_1373 = arith.addi %get3A_40, %add3A_1372 : vector<16xi32>
          %gather3A_1374 = tpu.vector_load_idx %arg7[%add3A_1373] : memref<65536xf32, #tpu.memory_space<vmem>>[vector<16xi32>], vector<16xf32>,
          %mul3A_1375 = arith.mulf %get3A_104, %gather3A_1374 : vector<16xf32>
          %add3A_1376 = arith.addf %add3A_1370, %mul3A_1375 : vector<16xf32>
          %add3A_1377 = arith.constant 49152 : i32
          %add3A_1378 = vector.broadcast %add3A_1377 : i32 to vector<16xi32>
          %add3A_1379 = arith.addi %get3A_44, %add3A_1378 : vector<16xi32>
          %gather3A_1380 = tpu.vector_load_idx %arg7[%add3A_1379] : memref<65536xf32, #tpu.memory_space<vmem>>[vector<16xi32>], vector<16xf32>,
          %mul3A_1381 = arith.mulf %get3A_108, %gather3A_1380 : vector<16xf32>
          %add3A_1382 = arith.addf %add3A_1376, %mul3A_1381 : vector<16xf32>
          %add3A_1383 = arith.constant 49152 : i32
          %add3A_1384 = vector.broadcast %add3A_1383 : i32 to vector<16xi32>
          %add3A_1385 = arith.addi %get3A_48, %add3A_1384 : vector<16xi32>
          %gather3A_1386 = tpu.vector_load_idx %arg7[%add3A_1385] : memref<65536xf32, #tpu.memory_space<vmem>>[vector<16xi32>], vector<16xf32>,
          %mul3A_1387 = arith.mulf %get3A_112, %gather3A_1386 : vector<16xf32>
          %add3A_1388 = arith.addf %add3A_1382, %mul3A_1387 : vector<16xf32>
          %add3A_1389 = arith.constant 49152 : i32
          %add3A_1390 = vector.broadcast %add3A_1389 : i32 to vector<16xi32>
          %add3A_1391 = arith.addi %get3A_52, %add3A_1390 : vector<16xi32>
          %gather3A_1392 = tpu.vector_load_idx %arg7[%add3A_1391] : memref<65536xf32, #tpu.memory_space<vmem>>[vector<16xi32>], vector<16xf32>,
          %mul3A_1393 = arith.mulf %get3A_116, %gather3A_1392 : vector<16xf32>
          %add3A_1394 = arith.addf %add3A_1388, %mul3A_1393 : vector<16xf32>
          %add3A_1395 = arith.constant 49152 : i32
          %add3A_1396 = vector.broadcast %add3A_1395 : i32 to vector<16xi32>
          %add3A_1397 = arith.addi %get3A_56, %add3A_1396 : vector<16xi32>
          %gather3A_1398 = tpu.vector_load_idx %arg7[%add3A_1397] : memref<65536xf32, #tpu.memory_space<vmem>>[vector<16xi32>], vector<16xf32>,
          %mul3A_1399 = arith.mulf %get3A_120, %gather3A_1398 : vector<16xf32>
          %add3A_1400 = arith.addf %add3A_1394, %mul3A_1399 : vector<16xf32>
          %add3A_1401 = arith.constant 49152 : i32
          %add3A_1402 = vector.broadcast %add3A_1401 : i32 to vector<16xi32>
          %add3A_1403 = arith.addi %get3A_60, %add3A_1402 : vector<16xi32>
          %gather3A_1404 = tpu.vector_load_idx %arg7[%add3A_1403] : memref<65536xf32, #tpu.memory_space<vmem>>[vector<16xi32>], vector<16xf32>,
          %mul3A_1405 = arith.mulf %get3A_124, %gather3A_1404 : vector<16xf32>
          %add3A_1406 = arith.addf %add3A_1400, %mul3A_1405 : vector<16xf32>
          %add3A_1407 = arith.constant 49152 : i32
          %add3A_1408 = vector.broadcast %add3A_1407 : i32 to vector<16xi32>
          %add3A_1409 = arith.addi %get3A_64, %add3A_1408 : vector<16xi32>
          %gather3A_1410 = tpu.vector_load_idx %arg7[%add3A_1409] : memref<65536xf32, #tpu.memory_space<vmem>>[vector<16xi32>], vector<16xf32>,
          %mul3A_1411 = arith.mulf %get3A_128, %gather3A_1410 : vector<16xf32>
          %add3A_1412 = arith.addf %add3A_1406, %mul3A_1411 : vector<16xf32>
          %add3A_1413 = arith.constant 49152 : i32
          %add3A_1414 = vector.broadcast %add3A_1413 : i32 to vector<16xi32>
          %add3A_1415 = arith.addi %get3A_68, %add3A_1414 : vector<16xi32>
          %gather3A_1416 = tpu.vector_load_idx %arg7[%add3A_1415] : memref<65536xf32, #tpu.memory_space<vmem>>[vector<16xi32>], vector<16xf32>,
          %mul3A_1417 = arith.mulf %get3A_132, %gather3A_1416 : vector<16xf32>
          %add3A_1418 = arith.addf %add3A_1412, %mul3A_1417 : vector<16xf32>
          %add3A_1419 = arith.constant 49152 : i32
          %add3A_1420 = vector.broadcast %add3A_1419 : i32 to vector<16xi32>
          %add3A_1421 = arith.addi %get3A_72, %add3A_1420 : vector<16xi32>
          %gather3A_1422 = tpu.vector_load_idx %arg7[%add3A_1421] : memref<65536xf32, #tpu.memory_space<vmem>>[vector<16xi32>], vector<16xf32>,
          %mul3A_1423 = arith.mulf %get3A_136, %gather3A_1422 : vector<16xf32>
          %add3A_1424 = arith.addf %add3A_1418, %mul3A_1423 : vector<16xf32>
          %add3A_1425 = arith.constant 49152 : i32
          %add3A_1426 = vector.broadcast %add3A_1425 : i32 to vector<16xi32>
          %add3A_1427 = arith.addi %get3A_76, %add3A_1426 : vector<16xi32>
          %gather3A_1428 = tpu.vector_load_idx %arg7[%add3A_1427] : memref<65536xf32, #tpu.memory_space<vmem>>[vector<16xi32>], vector<16xf32>,
          %mul3A_1429 = arith.mulf %get3A_140, %gather3A_1428 : vector<16xf32>
          %add3A_1430 = arith.addf %add3A_1424, %mul3A_1429 : vector<16xf32>
          %add3A_1431 = arith.constant 49152 : i32
          %add3A_1432 = vector.broadcast %add3A_1431 : i32 to vector<16xi32>
          %add3A_1433 = arith.addi %get3A_80, %add3A_1432 : vector<16xi32>
          %gather3A_1434 = tpu.vector_load_idx %arg7[%add3A_1433] : memref<65536xf32, #tpu.memory_space<vmem>>[vector<16xi32>], vector<16xf32>,
          %mul3A_1435 = arith.mulf %get3A_144, %gather3A_1434 : vector<16xf32>
          %add3A_1436 = arith.addf %add3A_1430, %mul3A_1435 : vector<16xf32>
          %add3A_1437 = arith.constant 49152 : i32
          %add3A_1438 = vector.broadcast %add3A_1437 : i32 to vector<16xi32>
          %add3A_1439 = arith.addi %get3A_84, %add3A_1438 : vector<16xi32>
          %gather3A_1440 = tpu.vector_load_idx %arg7[%add3A_1439] : memref<65536xf32, #tpu.memory_space<vmem>>[vector<16xi32>], vector<16xf32>,
          %mul3A_1441 = arith.mulf %get3A_148, %gather3A_1440 : vector<16xf32>
          %add3A_1442 = arith.addf %add3A_1436, %mul3A_1441 : vector<16xf32>
          %add3A_1443 = arith.constant 49152 : i32
          %add3A_1444 = vector.broadcast %add3A_1443 : i32 to vector<16xi32>
          %add3A_1445 = arith.addi %get3A_88, %add3A_1444 : vector<16xi32>
          %gather3A_1446 = tpu.vector_load_idx %arg7[%add3A_1445] : memref<65536xf32, #tpu.memory_space<vmem>>[vector<16xi32>], vector<16xf32>,
          %mul3A_1447 = arith.mulf %get3A_152, %gather3A_1446 : vector<16xf32>
          %add3A_1448 = arith.addf %add3A_1442, %mul3A_1447 : vector<16xf32>
          %add3A_1449 = arith.constant 49152 : i32
          %add3A_1450 = vector.broadcast %add3A_1449 : i32 to vector<16xi32>
          %add3A_1451 = arith.addi %get3A_92, %add3A_1450 : vector<16xi32>
          %gather3A_1452 = tpu.vector_load_idx %arg7[%add3A_1451] : memref<65536xf32, #tpu.memory_space<vmem>>[vector<16xi32>], vector<16xf32>,
          %mul3A_1453 = arith.mulf %get3A_156, %gather3A_1452 : vector<16xf32>
          %add3A_1454 = arith.addf %add3A_1448, %mul3A_1453 : vector<16xf32>
          %swap3A_1455 = arith.constant 12 : i32
          %swap3A_1456 = arith.index_cast %swap3A_1455 : i32 to index
          %swap3A_1457 = arith.index_cast %mul3A_29 : i32 to index
          %swap3A_1458 = tpu.vector_load %arg11[%swap3A_1456, %swap3A_1457] {strides = array<i32>} : memref<16x512xf32, #tpu.memory_space<vmem>>, vector<16xf32>,
          tpu.vector_store %arg11[%swap3A_1456, %swap3A_1457], %add3A_1454 {strides = array<i32>} : memref<16x512xf32, #tpu.memory_space<vmem>>, vector<16xf32>,
          %add3A_1459 = arith.constant 53248 : i32
          %add3A_1460 = vector.broadcast %add3A_1459 : i32 to vector<16xi32>
          %add3A_1461 = arith.addi %get3A_32, %add3A_1460 : vector<16xi32>
          %gather3A_1462 = tpu.vector_load_idx %arg7[%add3A_1461] : memref<65536xf32, #tpu.memory_space<vmem>>[vector<16xi32>], vector<16xf32>,
          %mul3A_1463 = arith.mulf %get3A_96, %gather3A_1462 : vector<16xf32>
          %add3A_1464 = arith.addf %neg3A_160, %mul3A_1463 : vector<16xf32>
          %add3A_1465 = arith.constant 53248 : i32
          %add3A_1466 = vector.broadcast %add3A_1465 : i32 to vector<16xi32>
          %add3A_1467 = arith.addi %get3A_36, %add3A_1466 : vector<16xi32>
          %gather3A_1468 = tpu.vector_load_idx %arg7[%add3A_1467] : memref<65536xf32, #tpu.memory_space<vmem>>[vector<16xi32>], vector<16xf32>,
          %mul3A_1469 = arith.mulf %get3A_100, %gather3A_1468 : vector<16xf32>
          %add3A_1470 = arith.addf %add3A_1464, %mul3A_1469 : vector<16xf32>
          %add3A_1471 = arith.constant 53248 : i32
          %add3A_1472 = vector.broadcast %add3A_1471 : i32 to vector<16xi32>
          %add3A_1473 = arith.addi %get3A_40, %add3A_1472 : vector<16xi32>
          %gather3A_1474 = tpu.vector_load_idx %arg7[%add3A_1473] : memref<65536xf32, #tpu.memory_space<vmem>>[vector<16xi32>], vector<16xf32>,
          %mul3A_1475 = arith.mulf %get3A_104, %gather3A_1474 : vector<16xf32>
          %add3A_1476 = arith.addf %add3A_1470, %mul3A_1475 : vector<16xf32>
          %add3A_1477 = arith.constant 53248 : i32
          %add3A_1478 = vector.broadcast %add3A_1477 : i32 to vector<16xi32>
          %add3A_1479 = arith.addi %get3A_44, %add3A_1478 : vector<16xi32>
          %gather3A_1480 = tpu.vector_load_idx %arg7[%add3A_1479] : memref<65536xf32, #tpu.memory_space<vmem>>[vector<16xi32>], vector<16xf32>,
          %mul3A_1481 = arith.mulf %get3A_108, %gather3A_1480 : vector<16xf32>
          %add3A_1482 = arith.addf %add3A_1476, %mul3A_1481 : vector<16xf32>
          %add3A_1483 = arith.constant 53248 : i32
          %add3A_1484 = vector.broadcast %add3A_1483 : i32 to vector<16xi32>
          %add3A_1485 = arith.addi %get3A_48, %add3A_1484 : vector<16xi32>
          %gather3A_1486 = tpu.vector_load_idx %arg7[%add3A_1485] : memref<65536xf32, #tpu.memory_space<vmem>>[vector<16xi32>], vector<16xf32>,
          %mul3A_1487 = arith.mulf %get3A_112, %gather3A_1486 : vector<16xf32>
          %add3A_1488 = arith.addf %add3A_1482, %mul3A_1487 : vector<16xf32>
          %add3A_1489 = arith.constant 53248 : i32
          %add3A_1490 = vector.broadcast %add3A_1489 : i32 to vector<16xi32>
          %add3A_1491 = arith.addi %get3A_52, %add3A_1490 : vector<16xi32>
          %gather3A_1492 = tpu.vector_load_idx %arg7[%add3A_1491] : memref<65536xf32, #tpu.memory_space<vmem>>[vector<16xi32>], vector<16xf32>,
          %mul3A_1493 = arith.mulf %get3A_116, %gather3A_1492 : vector<16xf32>
          %add3A_1494 = arith.addf %add3A_1488, %mul3A_1493 : vector<16xf32>
          %add3A_1495 = arith.constant 53248 : i32
          %add3A_1496 = vector.broadcast %add3A_1495 : i32 to vector<16xi32>
          %add3A_1497 = arith.addi %get3A_56, %add3A_1496 : vector<16xi32>
          %gather3A_1498 = tpu.vector_load_idx %arg7[%add3A_1497] : memref<65536xf32, #tpu.memory_space<vmem>>[vector<16xi32>], vector<16xf32>,
          %mul3A_1499 = arith.mulf %get3A_120, %gather3A_1498 : vector<16xf32>
          %add3A_1500 = arith.addf %add3A_1494, %mul3A_1499 : vector<16xf32>
          %add3A_1501 = arith.constant 53248 : i32
          %add3A_1502 = vector.broadcast %add3A_1501 : i32 to vector<16xi32>
          %add3A_1503 = arith.addi %get3A_60, %add3A_1502 : vector<16xi32>
          %gather3A_1504 = tpu.vector_load_idx %arg7[%add3A_1503] : memref<65536xf32, #tpu.memory_space<vmem>>[vector<16xi32>], vector<16xf32>,
          %mul3A_1505 = arith.mulf %get3A_124, %gather3A_1504 : vector<16xf32>
          %add3A_1506 = arith.addf %add3A_1500, %mul3A_1505 : vector<16xf32>
          %add3A_1507 = arith.constant 53248 : i32
          %add3A_1508 = vector.broadcast %add3A_1507 : i32 to vector<16xi32>
          %add3A_1509 = arith.addi %get3A_64, %add3A_1508 : vector<16xi32>
          %gather3A_1510 = tpu.vector_load_idx %arg7[%add3A_1509] : memref<65536xf32, #tpu.memory_space<vmem>>[vector<16xi32>], vector<16xf32>,
          %mul3A_1511 = arith.mulf %get3A_128, %gather3A_1510 : vector<16xf32>
          %add3A_1512 = arith.addf %add3A_1506, %mul3A_1511 : vector<16xf32>
          %add3A_1513 = arith.constant 53248 : i32
          %add3A_1514 = vector.broadcast %add3A_1513 : i32 to vector<16xi32>
          %add3A_1515 = arith.addi %get3A_68, %add3A_1514 : vector<16xi32>
          %gather3A_1516 = tpu.vector_load_idx %arg7[%add3A_1515] : memref<65536xf32, #tpu.memory_space<vmem>>[vector<16xi32>], vector<16xf32>,
          %mul3A_1517 = arith.mulf %get3A_132, %gather3A_1516 : vector<16xf32>
          %add3A_1518 = arith.addf %add3A_1512, %mul3A_1517 : vector<16xf32>
          %add3A_1519 = arith.constant 53248 : i32
          %add3A_1520 = vector.broadcast %add3A_1519 : i32 to vector<16xi32>
          %add3A_1521 = arith.addi %get3A_72, %add3A_1520 : vector<16xi32>
          %gather3A_1522 = tpu.vector_load_idx %arg7[%add3A_1521] : memref<65536xf32, #tpu.memory_space<vmem>>[vector<16xi32>], vector<16xf32>,
          %mul3A_1523 = arith.mulf %get3A_136, %gather3A_1522 : vector<16xf32>
          %add3A_1524 = arith.addf %add3A_1518, %mul3A_1523 : vector<16xf32>
          %add3A_1525 = arith.constant 53248 : i32
          %add3A_1526 = vector.broadcast %add3A_1525 : i32 to vector<16xi32>
          %add3A_1527 = arith.addi %get3A_76, %add3A_1526 : vector<16xi32>
          %gather3A_1528 = tpu.vector_load_idx %arg7[%add3A_1527] : memref<65536xf32, #tpu.memory_space<vmem>>[vector<16xi32>], vector<16xf32>,
          %mul3A_1529 = arith.mulf %get3A_140, %gather3A_1528 : vector<16xf32>
          %add3A_1530 = arith.addf %add3A_1524, %mul3A_1529 : vector<16xf32>
          %add3A_1531 = arith.constant 53248 : i32
          %add3A_1532 = vector.broadcast %add3A_1531 : i32 to vector<16xi32>
          %add3A_1533 = arith.addi %get3A_80, %add3A_1532 : vector<16xi32>
          %gather3A_1534 = tpu.vector_load_idx %arg7[%add3A_1533] : memref<65536xf32, #tpu.memory_space<vmem>>[vector<16xi32>], vector<16xf32>,
          %mul3A_1535 = arith.mulf %get3A_144, %gather3A_1534 : vector<16xf32>
          %add3A_1536 = arith.addf %add3A_1530, %mul3A_1535 : vector<16xf32>
          %add3A_1537 = arith.constant 53248 : i32
          %add3A_1538 = vector.broadcast %add3A_1537 : i32 to vector<16xi32>
          %add3A_1539 = arith.addi %get3A_84, %add3A_1538 : vector<16xi32>
          %gather3A_1540 = tpu.vector_load_idx %arg7[%add3A_1539] : memref<65536xf32, #tpu.memory_space<vmem>>[vector<16xi32>], vector<16xf32>,
          %mul3A_1541 = arith.mulf %get3A_148, %gather3A_1540 : vector<16xf32>
          %add3A_1542 = arith.addf %add3A_1536, %mul3A_1541 : vector<16xf32>
          %add3A_1543 = arith.constant 53248 : i32
          %add3A_1544 = vector.broadcast %add3A_1543 : i32 to vector<16xi32>
          %add3A_1545 = arith.addi %get3A_88, %add3A_1544 : vector<16xi32>
          %gather3A_1546 = tpu.vector_load_idx %arg7[%add3A_1545] : memref<65536xf32, #tpu.memory_space<vmem>>[vector<16xi32>], vector<16xf32>,
          %mul3A_1547 = arith.mulf %get3A_152, %gather3A_1546 : vector<16xf32>
          %add3A_1548 = arith.addf %add3A_1542, %mul3A_1547 : vector<16xf32>
          %add3A_1549 = arith.constant 53248 : i32
          %add3A_1550 = vector.broadcast %add3A_1549 : i32 to vector<16xi32>
          %add3A_1551 = arith.addi %get3A_92, %add3A_1550 : vector<16xi32>
          %gather3A_1552 = tpu.vector_load_idx %arg7[%add3A_1551] : memref<65536xf32, #tpu.memory_space<vmem>>[vector<16xi32>], vector<16xf32>,
          %mul3A_1553 = arith.mulf %get3A_156, %gather3A_1552 : vector<16xf32>
          %add3A_1554 = arith.addf %add3A_1548, %mul3A_1553 : vector<16xf32>
          %swap3A_1555 = arith.constant 13 : i32
          %swap3A_1556 = arith.index_cast %swap3A_1555 : i32 to index
          %swap3A_1557 = arith.index_cast %mul3A_29 : i32 to index
          %swap3A_1558 = tpu.vector_load %arg11[%swap3A_1556, %swap3A_1557] {strides = array<i32>} : memref<16x512xf32, #tpu.memory_space<vmem>>, vector<16xf32>,
          tpu.vector_store %arg11[%swap3A_1556, %swap3A_1557], %add3A_1554 {strides = array<i32>} : memref<16x512xf32, #tpu.memory_space<vmem>>, vector<16xf32>,
          %add3A_1559 = arith.constant 57344 : i32
          %add3A_1560 = vector.broadcast %add3A_1559 : i32 to vector<16xi32>
          %add3A_1561 = arith.addi %get3A_32, %add3A_1560 : vector<16xi32>
          %gather3A_1562 = tpu.vector_load_idx %arg7[%add3A_1561] : memref<65536xf32, #tpu.memory_space<vmem>>[vector<16xi32>], vector<16xf32>,
          %mul3A_1563 = arith.mulf %get3A_96, %gather3A_1562 : vector<16xf32>
          %add3A_1564 = arith.addf %neg3A_160, %mul3A_1563 : vector<16xf32>
          %add3A_1565 = arith.constant 57344 : i32
          %add3A_1566 = vector.broadcast %add3A_1565 : i32 to vector<16xi32>
          %add3A_1567 = arith.addi %get3A_36, %add3A_1566 : vector<16xi32>
          %gather3A_1568 = tpu.vector_load_idx %arg7[%add3A_1567] : memref<65536xf32, #tpu.memory_space<vmem>>[vector<16xi32>], vector<16xf32>,
          %mul3A_1569 = arith.mulf %get3A_100, %gather3A_1568 : vector<16xf32>
          %add3A_1570 = arith.addf %add3A_1564, %mul3A_1569 : vector<16xf32>
          %add3A_1571 = arith.constant 57344 : i32
          %add3A_1572 = vector.broadcast %add3A_1571 : i32 to vector<16xi32>
          %add3A_1573 = arith.addi %get3A_40, %add3A_1572 : vector<16xi32>
          %gather3A_1574 = tpu.vector_load_idx %arg7[%add3A_1573] : memref<65536xf32, #tpu.memory_space<vmem>>[vector<16xi32>], vector<16xf32>,
          %mul3A_1575 = arith.mulf %get3A_104, %gather3A_1574 : vector<16xf32>
          %add3A_1576 = arith.addf %add3A_1570, %mul3A_1575 : vector<16xf32>
          %add3A_1577 = arith.constant 57344 : i32
          %add3A_1578 = vector.broadcast %add3A_1577 : i32 to vector<16xi32>
          %add3A_1579 = arith.addi %get3A_44, %add3A_1578 : vector<16xi32>
          %gather3A_1580 = tpu.vector_load_idx %arg7[%add3A_1579] : memref<65536xf32, #tpu.memory_space<vmem>>[vector<16xi32>], vector<16xf32>,
          %mul3A_1581 = arith.mulf %get3A_108, %gather3A_1580 : vector<16xf32>
          %add3A_1582 = arith.addf %add3A_1576, %mul3A_1581 : vector<16xf32>
          %add3A_1583 = arith.constant 57344 : i32
          %add3A_1584 = vector.broadcast %add3A_1583 : i32 to vector<16xi32>
          %add3A_1585 = arith.addi %get3A_48, %add3A_1584 : vector<16xi32>
          %gather3A_1586 = tpu.vector_load_idx %arg7[%add3A_1585] : memref<65536xf32, #tpu.memory_space<vmem>>[vector<16xi32>], vector<16xf32>,
          %mul3A_1587 = arith.mulf %get3A_112, %gather3A_1586 : vector<16xf32>
          %add3A_1588 = arith.addf %add3A_1582, %mul3A_1587 : vector<16xf32>
          %add3A_1589 = arith.constant 57344 : i32
          %add3A_1590 = vector.broadcast %add3A_1589 : i32 to vector<16xi32>
          %add3A_1591 = arith.addi %get3A_52, %add3A_1590 : vector<16xi32>
          %gather3A_1592 = tpu.vector_load_idx %arg7[%add3A_1591] : memref<65536xf32, #tpu.memory_space<vmem>>[vector<16xi32>], vector<16xf32>,
          %mul3A_1593 = arith.mulf %get3A_116, %gather3A_1592 : vector<16xf32>
          %add3A_1594 = arith.addf %add3A_1588, %mul3A_1593 : vector<16xf32>
          %add3A_1595 = arith.constant 57344 : i32
          %add3A_1596 = vector.broadcast %add3A_1595 : i32 to vector<16xi32>
          %add3A_1597 = arith.addi %get3A_56, %add3A_1596 : vector<16xi32>
          %gather3A_1598 = tpu.vector_load_idx %arg7[%add3A_1597] : memref<65536xf32, #tpu.memory_space<vmem>>[vector<16xi32>], vector<16xf32>,
          %mul3A_1599 = arith.mulf %get3A_120, %gather3A_1598 : vector<16xf32>
          %add3A_1600 = arith.addf %add3A_1594, %mul3A_1599 : vector<16xf32>
          %add3A_1601 = arith.constant 57344 : i32
          %add3A_1602 = vector.broadcast %add3A_1601 : i32 to vector<16xi32>
          %add3A_1603 = arith.addi %get3A_60, %add3A_1602 : vector<16xi32>
          %gather3A_1604 = tpu.vector_load_idx %arg7[%add3A_1603] : memref<65536xf32, #tpu.memory_space<vmem>>[vector<16xi32>], vector<16xf32>,
          %mul3A_1605 = arith.mulf %get3A_124, %gather3A_1604 : vector<16xf32>
          %add3A_1606 = arith.addf %add3A_1600, %mul3A_1605 : vector<16xf32>
          %add3A_1607 = arith.constant 57344 : i32
          %add3A_1608 = vector.broadcast %add3A_1607 : i32 to vector<16xi32>
          %add3A_1609 = arith.addi %get3A_64, %add3A_1608 : vector<16xi32>
          %gather3A_1610 = tpu.vector_load_idx %arg7[%add3A_1609] : memref<65536xf32, #tpu.memory_space<vmem>>[vector<16xi32>], vector<16xf32>,
          %mul3A_1611 = arith.mulf %get3A_128, %gather3A_1610 : vector<16xf32>
          %add3A_1612 = arith.addf %add3A_1606, %mul3A_1611 : vector<16xf32>
          %add3A_1613 = arith.constant 57344 : i32
          %add3A_1614 = vector.broadcast %add3A_1613 : i32 to vector<16xi32>
          %add3A_1615 = arith.addi %get3A_68, %add3A_1614 : vector<16xi32>
          %gather3A_1616 = tpu.vector_load_idx %arg7[%add3A_1615] : memref<65536xf32, #tpu.memory_space<vmem>>[vector<16xi32>], vector<16xf32>,
          %mul3A_1617 = arith.mulf %get3A_132, %gather3A_1616 : vector<16xf32>
          %add3A_1618 = arith.addf %add3A_1612, %mul3A_1617 : vector<16xf32>
          %add3A_1619 = arith.constant 57344 : i32
          %add3A_1620 = vector.broadcast %add3A_1619 : i32 to vector<16xi32>
          %add3A_1621 = arith.addi %get3A_72, %add3A_1620 : vector<16xi32>
          %gather3A_1622 = tpu.vector_load_idx %arg7[%add3A_1621] : memref<65536xf32, #tpu.memory_space<vmem>>[vector<16xi32>], vector<16xf32>,
          %mul3A_1623 = arith.mulf %get3A_136, %gather3A_1622 : vector<16xf32>
          %add3A_1624 = arith.addf %add3A_1618, %mul3A_1623 : vector<16xf32>
          %add3A_1625 = arith.constant 57344 : i32
          %add3A_1626 = vector.broadcast %add3A_1625 : i32 to vector<16xi32>
          %add3A_1627 = arith.addi %get3A_76, %add3A_1626 : vector<16xi32>
          %gather3A_1628 = tpu.vector_load_idx %arg7[%add3A_1627] : memref<65536xf32, #tpu.memory_space<vmem>>[vector<16xi32>], vector<16xf32>,
          %mul3A_1629 = arith.mulf %get3A_140, %gather3A_1628 : vector<16xf32>
          %add3A_1630 = arith.addf %add3A_1624, %mul3A_1629 : vector<16xf32>
          %add3A_1631 = arith.constant 57344 : i32
          %add3A_1632 = vector.broadcast %add3A_1631 : i32 to vector<16xi32>
          %add3A_1633 = arith.addi %get3A_80, %add3A_1632 : vector<16xi32>
          %gather3A_1634 = tpu.vector_load_idx %arg7[%add3A_1633] : memref<65536xf32, #tpu.memory_space<vmem>>[vector<16xi32>], vector<16xf32>,
          %mul3A_1635 = arith.mulf %get3A_144, %gather3A_1634 : vector<16xf32>
          %add3A_1636 = arith.addf %add3A_1630, %mul3A_1635 : vector<16xf32>
          %add3A_1637 = arith.constant 57344 : i32
          %add3A_1638 = vector.broadcast %add3A_1637 : i32 to vector<16xi32>
          %add3A_1639 = arith.addi %get3A_84, %add3A_1638 : vector<16xi32>
          %gather3A_1640 = tpu.vector_load_idx %arg7[%add3A_1639] : memref<65536xf32, #tpu.memory_space<vmem>>[vector<16xi32>], vector<16xf32>,
          %mul3A_1641 = arith.mulf %get3A_148, %gather3A_1640 : vector<16xf32>
          %add3A_1642 = arith.addf %add3A_1636, %mul3A_1641 : vector<16xf32>
          %add3A_1643 = arith.constant 57344 : i32
          %add3A_1644 = vector.broadcast %add3A_1643 : i32 to vector<16xi32>
          %add3A_1645 = arith.addi %get3A_88, %add3A_1644 : vector<16xi32>
          %gather3A_1646 = tpu.vector_load_idx %arg7[%add3A_1645] : memref<65536xf32, #tpu.memory_space<vmem>>[vector<16xi32>], vector<16xf32>,
          %mul3A_1647 = arith.mulf %get3A_152, %gather3A_1646 : vector<16xf32>
          %add3A_1648 = arith.addf %add3A_1642, %mul3A_1647 : vector<16xf32>
          %add3A_1649 = arith.constant 57344 : i32
          %add3A_1650 = vector.broadcast %add3A_1649 : i32 to vector<16xi32>
          %add3A_1651 = arith.addi %get3A_92, %add3A_1650 : vector<16xi32>
          %gather3A_1652 = tpu.vector_load_idx %arg7[%add3A_1651] : memref<65536xf32, #tpu.memory_space<vmem>>[vector<16xi32>], vector<16xf32>,
          %mul3A_1653 = arith.mulf %get3A_156, %gather3A_1652 : vector<16xf32>
          %add3A_1654 = arith.addf %add3A_1648, %mul3A_1653 : vector<16xf32>
          %swap3A_1655 = arith.constant 14 : i32
          %swap3A_1656 = arith.index_cast %swap3A_1655 : i32 to index
          %swap3A_1657 = arith.index_cast %mul3A_29 : i32 to index
          %swap3A_1658 = tpu.vector_load %arg11[%swap3A_1656, %swap3A_1657] {strides = array<i32>} : memref<16x512xf32, #tpu.memory_space<vmem>>, vector<16xf32>,
          tpu.vector_store %arg11[%swap3A_1656, %swap3A_1657], %add3A_1654 {strides = array<i32>} : memref<16x512xf32, #tpu.memory_space<vmem>>, vector<16xf32>,
          %add3A_1659 = arith.constant 61440 : i32
          %add3A_1660 = vector.broadcast %add3A_1659 : i32 to vector<16xi32>
          %add3A_1661 = arith.addi %get3A_32, %add3A_1660 : vector<16xi32>
          %gather3A_1662 = tpu.vector_load_idx %arg7[%add3A_1661] : memref<65536xf32, #tpu.memory_space<vmem>>[vector<16xi32>], vector<16xf32>,
          %mul3A_1663 = arith.mulf %get3A_96, %gather3A_1662 : vector<16xf32>
          %add3A_1664 = arith.addf %neg3A_160, %mul3A_1663 : vector<16xf32>
          %add3A_1665 = arith.constant 61440 : i32
          %add3A_1666 = vector.broadcast %add3A_1665 : i32 to vector<16xi32>
          %add3A_1667 = arith.addi %get3A_36, %add3A_1666 : vector<16xi32>
          %gather3A_1668 = tpu.vector_load_idx %arg7[%add3A_1667] : memref<65536xf32, #tpu.memory_space<vmem>>[vector<16xi32>], vector<16xf32>,
          %mul3A_1669 = arith.mulf %get3A_100, %gather3A_1668 : vector<16xf32>
          %add3A_1670 = arith.addf %add3A_1664, %mul3A_1669 : vector<16xf32>
          %add3A_1671 = arith.constant 61440 : i32
          %add3A_1672 = vector.broadcast %add3A_1671 : i32 to vector<16xi32>
          %add3A_1673 = arith.addi %get3A_40, %add3A_1672 : vector<16xi32>
          %gather3A_1674 = tpu.vector_load_idx %arg7[%add3A_1673] : memref<65536xf32, #tpu.memory_space<vmem>>[vector<16xi32>], vector<16xf32>,
          %mul3A_1675 = arith.mulf %get3A_104, %gather3A_1674 : vector<16xf32>
          %add3A_1676 = arith.addf %add3A_1670, %mul3A_1675 : vector<16xf32>
          %add3A_1677 = arith.constant 61440 : i32
          %add3A_1678 = vector.broadcast %add3A_1677 : i32 to vector<16xi32>
          %add3A_1679 = arith.addi %get3A_44, %add3A_1678 : vector<16xi32>
          %gather3A_1680 = tpu.vector_load_idx %arg7[%add3A_1679] : memref<65536xf32, #tpu.memory_space<vmem>>[vector<16xi32>], vector<16xf32>,
          %mul3A_1681 = arith.mulf %get3A_108, %gather3A_1680 : vector<16xf32>
          %add3A_1682 = arith.addf %add3A_1676, %mul3A_1681 : vector<16xf32>
          %add3A_1683 = arith.constant 61440 : i32
          %add3A_1684 = vector.broadcast %add3A_1683 : i32 to vector<16xi32>
          %add3A_1685 = arith.addi %get3A_48, %add3A_1684 : vector<16xi32>
          %gather3A_1686 = tpu.vector_load_idx %arg7[%add3A_1685] : memref<65536xf32, #tpu.memory_space<vmem>>[vector<16xi32>], vector<16xf32>,
          %mul3A_1687 = arith.mulf %get3A_112, %gather3A_1686 : vector<16xf32>
          %add3A_1688 = arith.addf %add3A_1682, %mul3A_1687 : vector<16xf32>
          %add3A_1689 = arith.constant 61440 : i32
          %add3A_1690 = vector.broadcast %add3A_1689 : i32 to vector<16xi32>
          %add3A_1691 = arith.addi %get3A_52, %add3A_1690 : vector<16xi32>
          %gather3A_1692 = tpu.vector_load_idx %arg7[%add3A_1691] : memref<65536xf32, #tpu.memory_space<vmem>>[vector<16xi32>], vector<16xf32>,
          %mul3A_1693 = arith.mulf %get3A_116, %gather3A_1692 : vector<16xf32>
          %add3A_1694 = arith.addf %add3A_1688, %mul3A_1693 : vector<16xf32>
          %add3A_1695 = arith.constant 61440 : i32
          %add3A_1696 = vector.broadcast %add3A_1695 : i32 to vector<16xi32>
          %add3A_1697 = arith.addi %get3A_56, %add3A_1696 : vector<16xi32>
          %gather3A_1698 = tpu.vector_load_idx %arg7[%add3A_1697] : memref<65536xf32, #tpu.memory_space<vmem>>[vector<16xi32>], vector<16xf32>,
          %mul3A_1699 = arith.mulf %get3A_120, %gather3A_1698 : vector<16xf32>
          %add3A_1700 = arith.addf %add3A_1694, %mul3A_1699 : vector<16xf32>
          %add3A_1701 = arith.constant 61440 : i32
          %add3A_1702 = vector.broadcast %add3A_1701 : i32 to vector<16xi32>
          %add3A_1703 = arith.addi %get3A_60, %add3A_1702 : vector<16xi32>
          %gather3A_1704 = tpu.vector_load_idx %arg7[%add3A_1703] : memref<65536xf32, #tpu.memory_space<vmem>>[vector<16xi32>], vector<16xf32>,
          %mul3A_1705 = arith.mulf %get3A_124, %gather3A_1704 : vector<16xf32>
          %add3A_1706 = arith.addf %add3A_1700, %mul3A_1705 : vector<16xf32>
          %add3A_1707 = arith.constant 61440 : i32
          %add3A_1708 = vector.broadcast %add3A_1707 : i32 to vector<16xi32>
          %add3A_1709 = arith.addi %get3A_64, %add3A_1708 : vector<16xi32>
          %gather3A_1710 = tpu.vector_load_idx %arg7[%add3A_1709] : memref<65536xf32, #tpu.memory_space<vmem>>[vector<16xi32>], vector<16xf32>,
          %mul3A_1711 = arith.mulf %get3A_128, %gather3A_1710 : vector<16xf32>
          %add3A_1712 = arith.addf %add3A_1706, %mul3A_1711 : vector<16xf32>
          %add3A_1713 = arith.constant 61440 : i32
          %add3A_1714 = vector.broadcast %add3A_1713 : i32 to vector<16xi32>
          %add3A_1715 = arith.addi %get3A_68, %add3A_1714 : vector<16xi32>
          %gather3A_1716 = tpu.vector_load_idx %arg7[%add3A_1715] : memref<65536xf32, #tpu.memory_space<vmem>>[vector<16xi32>], vector<16xf32>,
          %mul3A_1717 = arith.mulf %get3A_132, %gather3A_1716 : vector<16xf32>
          %add3A_1718 = arith.addf %add3A_1712, %mul3A_1717 : vector<16xf32>
          %add3A_1719 = arith.constant 61440 : i32
          %add3A_1720 = vector.broadcast %add3A_1719 : i32 to vector<16xi32>
          %add3A_1721 = arith.addi %get3A_72, %add3A_1720 : vector<16xi32>
          %gather3A_1722 = tpu.vector_load_idx %arg7[%add3A_1721] : memref<65536xf32, #tpu.memory_space<vmem>>[vector<16xi32>], vector<16xf32>,
          %mul3A_1723 = arith.mulf %get3A_136, %gather3A_1722 : vector<16xf32>
          %add3A_1724 = arith.addf %add3A_1718, %mul3A_1723 : vector<16xf32>
          %add3A_1725 = arith.constant 61440 : i32
          %add3A_1726 = vector.broadcast %add3A_1725 : i32 to vector<16xi32>
          %add3A_1727 = arith.addi %get3A_76, %add3A_1726 : vector<16xi32>
          %gather3A_1728 = tpu.vector_load_idx %arg7[%add3A_1727] : memref<65536xf32, #tpu.memory_space<vmem>>[vector<16xi32>], vector<16xf32>,
          %mul3A_1729 = arith.mulf %get3A_140, %gather3A_1728 : vector<16xf32>
          %add3A_1730 = arith.addf %add3A_1724, %mul3A_1729 : vector<16xf32>
          %add3A_1731 = arith.constant 61440 : i32
          %add3A_1732 = vector.broadcast %add3A_1731 : i32 to vector<16xi32>
          %add3A_1733 = arith.addi %get3A_80, %add3A_1732 : vector<16xi32>
          %gather3A_1734 = tpu.vector_load_idx %arg7[%add3A_1733] : memref<65536xf32, #tpu.memory_space<vmem>>[vector<16xi32>], vector<16xf32>,
          %mul3A_1735 = arith.mulf %get3A_144, %gather3A_1734 : vector<16xf32>
          %add3A_1736 = arith.addf %add3A_1730, %mul3A_1735 : vector<16xf32>
          %add3A_1737 = arith.constant 61440 : i32
          %add3A_1738 = vector.broadcast %add3A_1737 : i32 to vector<16xi32>
          %add3A_1739 = arith.addi %get3A_84, %add3A_1738 : vector<16xi32>
          %gather3A_1740 = tpu.vector_load_idx %arg7[%add3A_1739] : memref<65536xf32, #tpu.memory_space<vmem>>[vector<16xi32>], vector<16xf32>,
          %mul3A_1741 = arith.mulf %get3A_148, %gather3A_1740 : vector<16xf32>
          %add3A_1742 = arith.addf %add3A_1736, %mul3A_1741 : vector<16xf32>
          %add3A_1743 = arith.constant 61440 : i32
          %add3A_1744 = vector.broadcast %add3A_1743 : i32 to vector<16xi32>
          %add3A_1745 = arith.addi %get3A_88, %add3A_1744 : vector<16xi32>
          %gather3A_1746 = tpu.vector_load_idx %arg7[%add3A_1745] : memref<65536xf32, #tpu.memory_space<vmem>>[vector<16xi32>], vector<16xf32>,
          %mul3A_1747 = arith.mulf %get3A_152, %gather3A_1746 : vector<16xf32>
          %add3A_1748 = arith.addf %add3A_1742, %mul3A_1747 : vector<16xf32>
          %add3A_1749 = arith.constant 61440 : i32
          %add3A_1750 = vector.broadcast %add3A_1749 : i32 to vector<16xi32>
          %add3A_1751 = arith.addi %get3A_92, %add3A_1750 : vector<16xi32>
          %gather3A_1752 = tpu.vector_load_idx %arg7[%add3A_1751] : memref<65536xf32, #tpu.memory_space<vmem>>[vector<16xi32>], vector<16xf32>,
          %mul3A_1753 = arith.mulf %get3A_156, %gather3A_1752 : vector<16xf32>
          %add3A_1754 = arith.addf %add3A_1748, %mul3A_1753 : vector<16xf32>
          %swap3A_1755 = arith.constant 15 : i32
          %swap3A_1756 = arith.index_cast %swap3A_1755 : i32 to index
          %swap3A_1757 = arith.index_cast %mul3A_29 : i32 to index
          %swap3A_1758 = tpu.vector_load %arg11[%swap3A_1756, %swap3A_1757] {strides = array<i32>} : memref<16x512xf32, #tpu.memory_space<vmem>>, vector<16xf32>,
          tpu.vector_store %arg11[%swap3A_1756, %swap3A_1757], %add3A_1754 {strides = array<i32>} : memref<16x512xf32, #tpu.memory_space<vmem>>, vector<16xf32>,
        }
        %scan3A_26 = arith.constant 32 : i32
        "tpu.region"() ({
          %run_scoped3A = tpu.sem_alloc : memref<!tpu.dma_semaphore, #tpu.memory_space<semaphore_mem>>
          %dma_start3A = tpu.memref_slice %arg6[%mul3A_11, %mul3A_21] : memref<1024x2048xf32, #tpu.memory_space<hbm>> -> memref<16x512xf32, #tpu.memory_space<hbm>>
          %dma_start3A_27 = tpu.memref_slice %arg6[%mul3A_11, %mul3A_21] : memref<1024x2048xf32, #tpu.memory_space<hbm>> -> memref<16x512xf32, #tpu.memory_space<hbm>>
          tpu.enqueue_dma source(%arg11 : memref<16x512xf32, #tpu.memory_space<vmem>>) target(%dma_start3A_27 : memref<16x512xf32, #tpu.memory_space<hbm>>) target_semaphore(%run_scoped3A : memref<!tpu.dma_semaphore, #tpu.memory_space<semaphore_mem>>)
          %dma_wait3A = tpu.memref_slice %arg6[%mul3A_11, %mul3A_21] : memref<1024x2048xf32, #tpu.memory_space<hbm>> -> memref<16x512xf32, #tpu.memory_space<hbm>>
          %dma_wait3A_28 = tpu.memref_slice %arg6[%mul3A_11, %mul3A_21] : memref<1024x2048xf32, #tpu.memory_space<hbm>> -> memref<16x512xf32, #tpu.memory_space<hbm>>
          tpu.wait_dma2 semaphore(%run_scoped3A : memref<!tpu.dma_semaphore, #tpu.memory_space<semaphore_mem>>) src(%arg11 : memref<16x512xf32, #tpu.memory_space<vmem>>) dst(%dma_wait3A_28 : memref<16x512xf32, #tpu.memory_space<hbm>>)
          tpu.yield
        }) : () -> ()
      }
      %scan3A_18 = arith.constant 4 : i32
    }
    %scan3A_5 = arith.constant 2 : i32
    return
  }
}

</mosaic_0001>

<sc_bundles>
// kernel: kernel.3.cloned.1.call-start
scs
__scs_entry_jumppad:
0x0: {  	(pc) =	sbr.rel $0x88, $3  }
0x1: {  	(tag) =	ssettag $0x0;
	lr =	simm.s32 $0x1  }
0x2: {  	[smem:$0x3F9D] =	sst lr;
	_ =	strace $0xD0000000  }
0x3: {  	_ = 	snop  }
0x4: {  	_ = 	snop  }
0x5: {  	_ = 	snop  }
0x6: {  	_ = 	snop  }
0x7: {  	_ = 	snop  }
__scs_overlays_trampoline_lowered:
0x8: {  	[smem:$0x3FAC] =	sst s0  }
0x9: {  	[smem:$0x3FAD] =	sst s1  }
0xa: {  	[smem:$0x3FAE] =	sst s2  }
0xb: {  	[smem:$0x3FAF] =	sst s3  }
0xc: {  	[smem:$0x3FB0] =	sst s4  }
0xd: {  	[smem:$0x3FB1] =	sst s5  }
0xe: {  	[smem:$0x3FB2] =	sst s6  }
0xf: {  	[smem:$0x3FB3] =	sst s7  }
0x10: {  	[smem:$0x3FB4] =	sst s8  }
0x11: {  	[smem:$0x3FB5] =	sst s9;
	s0 =	simm.s32 @!p0 $0x0  }
0x12: {  	s1 =	sld [smem:$0x3F9B];
	s0 =	simm.s32 @p0 $0x1  }
0x13: {  	[smem:$0x3FB6] =	sst s0;
	s0 =	simm.s32 @!p1 $0x0  }
0x14: {  	s2 =	sld [smem:$0x3F9A];
	s0 =	simm.s32 @p1 $0x1  }
0x15: {  	[smem:$0x3FB7] =	sst s0;
	s0 =	simm.s32 @!p2 $0x0  }
0x16: {  	s3 =	sld [smem:$0x3FDB];
	s0 =	simm.s32 @p2 $0x1  }
0x17: {  	s4 =	simm.s32 $0x1BF5;
	[smem:$0x3FB9] =	sst s0  }
0x18: {  	s0 =	sld [smem:$0x3F9C];
	_ =	swait.ge [sflag:s4], $0x0  }
0x19: {  	s7 =	sld [smem:$0x3F9D]  }
0x1a: {  	s8 =	sadd.s32 $0xFFFFE003, lr  }
0x1b: {  	s9 =	sadd.s32 $0xFFFFFEF7, lr;
	s5 =	simm.s32 $0xFFFFFFFF;
	p2 =	slt.u32 s8, $0xFFFFF086  }
0x1c: {  	p1 =	slt.u32 s9, $0xF7A;
	s5 =	simm.s32 @!p2 $0x0  }
0x1d: {  	s5 =	simm.s32 @p1 $0x1;
	p0 =	seq.s32 s7, s2  }
0x1e: {  	s7 =	smul.u32 @!p0 $0xF7A, s2;
	p2 =	seq.s32 @!p0 s5, $0x0  }
0x1f: {  	s9 =	smul.u32 $0xF7A, s1;
	s8 =	simm.s32 @!p0 $0x1BF5;
	p2 =	por !p2, p0  }
0x20: {  	[sflag:s8] =	ssyncset.s32 @!p0 $0xFFFFF086;
	s6 =	sadd.s32 @!p0 s3, s7;
	s7 =	simm.s32 @!p0 $0x108  }
0x21: {  	s3 =	sadd.s32 s3, s9;
	s6 =	sadd.s32 @!p0 $0x88, s6;
	s7 =	simm.s32 @p2 $0x1082  }
0x22: {  	[simem:s7], [sflag:s8] =	dma.local @!p0 [hbm:s6], $0xF7A  }
0x23: {  	s9 =	sor.u32 $0xD0000000, s2;
	s6 =	simm.s32 $0x108;
	_ =	swait.ge @!p0 [sflag:s8], $0x0  }
0x24: {  	s3 =	sadd.s32 $0x88, s3;
	s6 =	simm.s32 @!p1 $0x1082;
	[sflag:s4] =	ssyncset.s32 $0xFFFFF086  }
0x25: {  	[simem:s6], [sflag:s4] =	dma.local [hbm:s3], $0xF7A  }
0x26: {  	[smem:$0x3F9D] =	sst s1;
	(tag) =	ssettag s2;
	_ =	strace s9  }
0x27: {  	s1 =	sld [smem:$0x3FAD]  }
0x28: {  	s2 =	sld [smem:$0x3FAE]  }
0x29: {  	s4 =	sld [smem:$0x3FB0]  }
0x2a: {  	p0 =	seq.s32 s5, $0x0;
	s5 =	sld [smem:$0x3FB1]  }
0x2b: {  	s6 =	sld [smem:$0x3FB2]  }
0x2c: {  	s7 =	sld [smem:$0x3FB3]  }
0x2d: {  	s3 =	simm.s32 $0x108;
	s8 =	sld [smem:$0x3FB4]  }
0x2e: {  	s3 =	simm.s32 @!p0 $0x1082;
	s9 =	sld [smem:$0x3FB5]  }
0x2f: {  	lr =	sadd.s32 s0, s3;
	s0 =	sld [smem:$0x3FAC]  }
0x30: {  	s3 =	sld [smem:$0x3FAF]  }
0x31: {  	[smem:$0x3FB8] =	sst s10  }
0x32: {  	s10 =	sld [smem:$0x3FB6];
	_ =	sdelay $0x3  }
0x33: {  	p0 =	seq.s32 s10, $0x1;
	s10 =	sld [smem:$0x3FB8];
	_ =	sdelay $0x3  }
0x34: {  	[smem:$0x3FB8] =	sst s10  }
0x35: {  	s10 =	sld [smem:$0x3FB7];
	_ =	sdelay $0x3  }
0x36: {  	p1 =	seq.s32 s10, $0x1;
	s10 =	sld [smem:$0x3FB8];
	_ =	sdelay $0x3  }
0x37: {  	[smem:$0x3FB8] =	sst s10  }
0x38: {  	s10 =	sld [smem:$0x3FB9]  }
0x39: {  	_ = 	snop;
	(pc) =	sbr.ind lr, $3  }
0x3a: {  	_ = 	snop  }
0x3b: {  	_ = 	snop  }
0x3c: {  	p2 =	seq.s32 s10, $0x1;
	s10 =	sld [smem:$0x3FB8]  }
0x3d: {  	_ =	shalt  }
0x3e: {  	_ =	shalt  }
0x3f: {  	_ =	shalt  }
0x40: {  	_ =	shalt  }
0x41: {  	_ =	shalt  }
0x42: {  	_ =	shalt  }
0x43: {  	_ =	shalt  }
0x44: {  	_ =	shalt  }
0x45: {  	_ =	shalt  }
0x46: {  	_ =	shalt  }
0x47: {  	_ =	shalt  }
0x48: {  	_ =	shalt  }
0x49: {  	_ =	shalt  }
0x4a: {  	_ =	shalt  }
0x4b: {  	_ =	shalt  }
0x4c: {  	_ =	shalt  }
0x4d: {  	_ =	shalt  }
0x4e: {  	_ =	shalt  }
0x4f: {  	_ =	shalt  }
0x50: {  	_ =	shalt  }
0x51: {  	_ =	shalt  }
0x52: {  	_ =	shalt  }
0x53: {  	_ =	shalt  }
0x54: {  	_ =	shalt  }
0x55: {  	_ =	shalt  }
0x56: {  	_ =	shalt  }
0x57: {  	_ =	shalt  }
0x58: {  	_ =	shalt  }
0x59: {  	_ =	shalt  }
0x5a: {  	_ =	shalt  }
0x5b: {  	_ =	shalt  }
0x5c: {  	_ =	shalt  }
0x5d: {  	_ =	shalt  }
0x5e: {  	_ =	shalt  }
0x5f: {  	_ =	shalt  }
0x60: {  	_ =	shalt  }
0x61: {  	_ =	shalt  }
0x62: {  	_ =	shalt  }
0x63: {  	_ =	shalt  }
0x64: {  	_ =	shalt  }
0x65: {  	_ =	shalt  }
0x66: {  	_ =	shalt  }
0x67: {  	_ =	shalt  }
0x68: {  	_ =	shalt  }
0x69: {  	_ =	shalt  }
0x6a: {  	_ =	shalt  }
0x6b: {  	_ =	shalt  }
0x6c: {  	_ =	shalt  }
0x6d: {  	_ =	shalt  }
0x6e: {  	_ =	shalt  }
0x6f: {  	_ =	shalt  }
0x70: {  	_ =	shalt  }
0x71: {  	_ =	shalt  }
0x72: {  	_ =	shalt  }
0x73: {  	_ =	shalt  }
0x74: {  	_ =	shalt  }
0x75: {  	_ =	shalt  }
0x76: {  	_ =	shalt  }
0x77: {  	_ =	shalt  }
0x78: {  	_ =	shalt  }
0x79: {  	_ =	shalt  }
0x7a: {  	_ =	shalt  }
0x7b: {  	_ =	shalt  }
0x7c: {  	_ =	shalt  }
0x7d: {  	_ =	shalt  }
0x7e: {  	_ =	shalt  }
0x7f: {  	_ =	shalt  }
0x80: {  	_ =	shalt  }
0x81: {  	_ =	shalt  }
0x82: {  	_ =	shalt  }
0x83: {  	_ =	shalt  }
0x84: {  	_ =	shalt  }
0x85: {  	_ =	shalt  }
0x86: {  	_ =	shalt  }
0x87: {  	_ =	shalt  }
.Lfunc_end0:
.L_simem_size_0:
called_computation_lowered:
.L_overlay_start_0:
0x88: {  	s2 =	sld [smem:$0x3FD9]  }
0x89: {  	s3 =	sld [smem:$0x3FFE];
	_ =	sdelay $0x1  }
0x8a: {  	s1 =	srdreg.scid  }
0x8b: {  	s0 =	sand.u32 $0x1, s1  }
0x8c: {  	s17 =	sshll.u32 s0, $0xA;
	s2 =	sadd.s32 s3, s2  }
0x8d: {  	s2 =	sadd.s32 s2, s17  }
0x8e: {  	[smem:$0x3FC4] =	sst s2  }
0x8f: {  	_ = 	snop  }
0x90: {  	s2 =	sld [smem:$0x3FC8]  }
0x91: {  	s18 =	sld [smem:$0x3FC7]  }
0x92: {  	s4 =	sld [smem:$0x3FC6]  }
0x93: {  	s5 =	sld [smem:$0x3FD0];
	(tm) =	ssettm $0x1  }
0x94: {  	s6 =	sld [smem:$0x3FFB];
	_ =	sdelay $0x3  }
0x95: {  	_ =	strace s6  }
0x96: {  	s6 =	sld [smem:$0x3FFC];
	_ =	sdelay $0x3  }
0x97: {  	_ =	strace s6  }
0x98: {  	s6 =	sld [smem:$0x3FFD];
	_ =	sdelay $0x3  }
0x99: {  	_ =	strace s6  }
0x9a: {  	_ =	strace $0x8FFFFFFF  }
0x9b: {  	s19 =	sld [smem:$0x3FDB];
	_ =	sdelay $0x1  }
0x9c: {  	s7 =	simm.s32 $_scs_section_size  }
0x9d: {  	s8 =	simm.s32 $_size__tile_overlayer_lowered;
	s9 =	simm.s32 $_tile_overlayer_lowered  }
0x9e: {  	s22 =	simm.s32 $0x1BFF;
	s21 =	sshll.u32 s9, $0x1;
	s6 =	sadd.s32 s7, s19  }
0x9f: {  	s10 =	simm.s32 $0x0;
	s20 =	sshll.u32 s8, $0x1;
	s8 =	sadd.s32 s21, s6  }
0xa0: {  	[timem:s10], [sflag:s22] =	dma.local [hbm:s8], s20  }
0xa1: {  	_ =	swait.ge [sflag:s22], s20  }
0xa2: {  	s7 =	ssub.s32 $0x0, s20;
	[sflag:s22] =	ssyncset.done $0x0  }
0xa3: {  	[sflag:s22] =	ssyncadd.s32 s7;
	_ =	sdelay $0x1  }
0xa4: {  	s23 =	simm.s32 $0x1B8B  }
0xa5: {  	_ =	swait.ge [sflag:s23], $0x1  }
0xa6: {  	[sflag:s23] =	ssyncset.done $0x0  }
0xa7: {  	s25 =	simm.s32 $0x1B8E;
	s24 =	sld [smem:$0x3FFE];
	[sflag:s23] =	ssyncadd.s32 $0xFFFFFFFF  }
0xa8: {  	s26 =	simm.s32 $execute0_lowered;
	[smem:$0x3FD2] =	sst s25  }
0xa9: {  	s8 =	sshll.u32 s26, $0x1;
	_ =	strace $0x80000046;
	[dreg:$0x1] =	wrdreg $0xFFFFFFFF  }
0xaa: {  	s28 =	simm.s32 $_size_execute0_lowered;
	s6 =	sadd.s32 s6, s8;
	[dreg:$0x0] =	wrdreg $0x0  }
0xab: {  	s8 =	sshll.u32 s28, $0x1;
	[dreg:$0x2] =	wrdreg s6  }
0xac: {  	[dreg:$0x3] =	wrdreg s8  }
0xad: {  	[dreg:$0x4] =	wrdreg $0xC0  }
0xae: {  	_ =	task [dreg:s10], $0x5FFFF  }
0xaf: {  	[dreg:$0x1] =	wrdreg $0xFFFFFFFF  }
0xb0: {  	[dreg:$0x0] =	wrdreg $0x60  }
0xb1: {  	[dreg:$0x2] =	wrdreg s24  }
0xb2: {  	[dreg:$0x3] =	wrdreg s4  }
0xb3: {  	[dreg:$0x4] =	wrdreg s2  }
0xb4: {  	[dreg:$0x5] =	wrdreg s18  }
0xb5: {  	[dreg:$0x6] =	wrdreg s5  }
0xb6: {  	[dreg:$0x7] =	wrdreg $0x9  }
0xb7: {  	_ =	task.clear_ibuf [dreg:s10], $0x8FFFF;
	_ =	strace $0x90000046  }
0xb8: {  	s29 =	simm.s32 $0x9;
	_ =	strace $0x80000048  }
0xb9: {  	_ =	swait.ge [sflag:s29], $0x1  }
0xba: {  	[sflag:s29] =	ssyncadd.s32 $0xFFFFFFFF  }
0xbb: {  	_ =	strace $0x90000048  }
0xbc: {  	_ =	sfence  }
0xbd: {  	s30 =	sld [smem:$0x0];
	_ =	sdelay $0x2  }
0xbe: {  	s31 =	sshll.u32 s1, $0xD;
	s1 =	sshrl.u32 s1, $0x2  }
0xbf: {  	s3 =	sand.u32 $0x4000, s31;
	s1 =	sadd.s32 s1, s30  }
0xc0: {  	s0 =	sor.u32 s3, s0;
	s1 =	sshll.u32 s1, $0x11  }
0xc1: {  	s0 =	sor.u32 s1, s0  }
0xc2: {  	s0 =	sadd.s32 $0x8F2B, s0  }
0xc3: {  	[sflag:s0] =	ssyncadd.remote.s32 $0x1  }
0xc4: {  	_ =	sfence.sel $0xFFFF  }
0xc5: {  	[dreg:$0x0] =	wrdreg $0xFFFFFFFF;
	(pc) =	sbr.abs _section_cstart, $3  }
0xc6: {  	[dreg:$0x1] =	wrdreg $0xFFFFFFFF  }
0xc7: {  	_ =	task.clear_ibuf [dreg:s10], $0x2FFFF;
	_ =	strace $0x9FFFFFFF  }
0xc8: {  	(tm) =	ssettm $0x7FFFFFFF  }
0xc9: {  	_ =	shalt  }
tec
execute0_lowered:
.L_overlay_start_1:
0x0: {  	(tag) =	ssettag $0x1  }
0x1: {  	s6 =	rddreg [dreg:$0x0]  }
0x2: {  	s1 =	rddreg [dreg:$0x1]  }
0x3: {  	s2 =	rddreg [dreg:$0x2]  }
0x4: {  	s3 =	rddreg [dreg:$0x3]  }
0x5: {  	s4 =	rddreg [dreg:$0x4]  }
0x6: {  	s0 =	rddreg [dreg:$0x5]  }
0x7: {  	s5 =	simm.s32 $0x0;
	s7 =	srdreg.scid;
	s11 =	simm.s32 $0x1000  }
0x8: {  	s12 =	simm.s32 $0x4000;
	s13 =	simm.s32 $0x10000;
	s14 =	simm.s32 $0x12000  }
0x9: {  	s15 =	simm.s32 $0x14200;
	s16 =	simm.s32 $0x0;
	s8 =	sand.u32 $0x1, s7  }
0xa: {  	[smem:$0x7FF] =	sst s5;
	s7 =	sadd.s32 $0x400, s6;
	s9 =	ssub.s32 $0x2, s8  }
0xb: {  	s6 =	stileid.u32;
	_ =	strace $0x80000047;
	s10 =	sshrl.u32 s9, $0x1  }
0xc: {  	s31 =	sshll.u32 s6, $0x2;
	s8 =	sshll.u32 s8, $0x1;
	s9 =	ssub.s32 s9, s10  }
0xd: {  	s8 =	sor.u32 s8, s31;
	s10 =	simm.s32 $0x1;
	s9 =	smax.u32 s9, $0x1  }
.LBB2_1:
0xe: {  	p1 =	por $0x1, $0x1;
	s17 =	simm.s32 $0x0  }
.LBB2_2:
0xf: {  	s18 =	sor.u32 s8, s17  }
0x10: {  	s17 =	sshll.u32 s18, $0xD  }
0x11: {  	s19 =	sadd.s32 s7, s17;
	s17 =	simm.s32 $0x0  }
0x12: {  	[tilespmem:s17], [sflag:$0x1] =	stream.linear.gather [hbm4b:s19+s17], $0x10000, $0x38;
	[tilespmem:$0x16200] =	vst v63  }
0x13: {  	_ =	swait.ge [sflag:s10], $0x10000  }
0x14: {  	p0 =	por p1, p1;
	s18 =	sshll.u32 s18, $0xC;
	[sflag:s10] =	ssyncset.done $0x0  }
0x15: {  	s18 =	sadd.s32 s4, s18;
	s19 =	simm.s32 $0x0;
	[sflag:s10] =	ssyncadd.s32 $0xFFFF0000  }
.LBB2_3:
0x16: {  	s20 =	sshll.u32 s19, $0x9  }
0x17: {  	s21 =	sadd.s32 s1, s20  }
0x18: {  	[tilespmem:s13], [sflag:$0x1] =	stream.strided.gather [hbm4b:s21+s11], $0x2000, s12, s11, $0x38;
	[tilespmem:$0x16200] =	vst v63  }
0x19: {  	_ =	swait.ge [sflag:s10], $0x2000  }
0x1a: {  	[sflag:s10] =	ssyncset.done $0x0  }
0x1b: {  	s30 =	sadd.s32 s2, s20;
	[sflag:s10] =	ssyncadd.s32 $0xFFFFE000  }
0x1c: {  	[tilespmem:s14], [sflag:$0x1] =	stream.strided.gather [hbm4b:s30+s11], $0x2000, s12, s11, $0x38;
	[tilespmem:$0x16200] =	vst v63  }
0x1d: {  	_ =	swait.ge [sflag:s10], $0x2000  }
0x1e: {  	s31 =	sshll.u32 s19, $0x6;
	[sflag:s10] =	ssyncset.done $0x0  }
0x1f: {  	s22 =	sadd.s32 s3, s31;
	s21 =	simm.s32 $0x14000;
	[sflag:s10] =	ssyncadd.s32 $0xFFFFE000  }
0x20: {  	[tilespmem:s21], [sflag:$0x1] =	stream.linear.gather [hbm4b:s22+s17], $0x200, $0x38;
	[tilespmem:$0x16200] =	vst v63  }
0x21: {  	_ =	swait.ge [sflag:s10], $0x200  }
0x22: {  	[sflag:s10] =	ssyncset.done $0x0  }
0x23: {  	s23 =	simm.s32 $0x0;
	s22 =	simm.s32 $0x0;
	[sflag:s10] =	ssyncadd.s32 $0xFFFFFE00  }
.LBB2_4:
0x24: {  	s24 =	sand.u32 $0x70, s23;
	s25 =	sand.u32 $0xC00, s22  }
0x25: {  	v17 =	vld [tilespmem:s21+$0x0];
	s25 =	sor.u32 s24, s25  }
0x26: {  	v15 =	vld [tilespmem:s25+$0x10000]  }
0x27: {  	v12 =	vld [tilespmem:s25+$0x10080]  }
0x28: {  	v13 =	vld [tilespmem:s25+$0x10100]  }
0x29: {  	v11 =	vld [tilespmem:s25+$0x10200]  }
0x2a: {  	v10 =	vld [tilespmem:s25+$0x10280]  }
0x2b: {  	v9 =	vld [tilespmem:s25+$0x10300]  }
0x2c: {  	v7 =	vld [tilespmem:s25+$0x11000]  }
0x2d: {  	v6 =	vld [tilespmem:s25+$0x11080]  }
0x2e: {  	v5 =	vld [tilespmem:s25+$0x11100]  }
0x2f: {  	v3 =	vld [tilespmem:s25+$0x11200]  }
0x30: {  	v2 =	vld [tilespmem:s25+$0x11280]  }
0x31: {  	v1 =	vld [tilespmem:s25+$0x11300]  }
0x32: {  	s30 =	sand.u32 $0xFFFFFC00, s22;
	v30 =	vld [tilespmem:s25+$0x12000]  }
0x33: {  	s24 =	sadd.s32 s30, s23;
	v28 =	vld [tilespmem:s25+$0x12080]  }
0x34: {  	s30 =	sor.u32 s23, s22;
	s29 =	sor.u32 $0x180, s24;
	v26 =	vld [tilespmem:s25+$0x12100]  }
0x35: {  	s28 =	sor.u32 $0x380, s30;
	v14 =	vld [tilespmem:s29+$0x10000]  }
0x36: {  	v8 =	vld [tilespmem:s28+$0x10000]  }
0x37: {  	s26 =	sor.u32 $0x1180, s24;
	v18 =	vld.idx.msk [tilespmem:v15+s5+$0x0], $0xffff  }
0x38: {  	v4 =	vld [tilespmem:s26+$0x10000]  }
0x39: {  	s31 =	sor.u32 $0x1380, s30;
	v19 =	vld.idx.msk [tilespmem:v12+s5+$0x0], $0xffff  }
0x3a: {  	v0 =	vld [tilespmem:s31+$0x10000]  }
0x3b: {  	v20 =	vld.idx.msk [tilespmem:v13+s5+$0x0], $0xffff  }
0x3c: {  	v16 =	vld [tilespmem:s29+$0x12000];
	v32 =	vsub.f32 $0.0e+00, v17;
	v18 =	vmul.f32 v18, v30  }
0x3d: {  	v21 =	vld.idx.msk [tilespmem:v14+s5+$0x0], $0xffff  }
0x3e: {  	v17 =	vld [tilespmem:s25+$0x12200];
	v19 =	vmul.f32 v19, v28;
	v22 =	vadd.f32 v18, v32  }
0x3f: {  	v23 =	vld.idx.msk [tilespmem:v11+s5+$0x0], $0xffff  }
0x40: {  	v24 =	vld.idx.msk [tilespmem:v10+s5+$0x0], $0xffff;
	v20 =	vmul.f32 v20, v26;
	v22 =	vadd.f32 v19, v22  }
0x41: {  	v18 =	vld [tilespmem:s25+$0x12280]  }
0x42: {  	v25 =	vld.idx.msk [tilespmem:v9+s5+$0x0], $0xffff;
	v21 =	vmul.f32 v21, v16;
	v22 =	vadd.f32 v20, v22  }
0x43: {  	v19 =	vld [tilespmem:s25+$0x12300]  }
0x44: {  	v27 =	vld.idx.msk [tilespmem:v8+s5+$0x0], $0xffff;
	v23 =	vmul.f32 v23, v17;
	v22 =	vadd.f32 v21, v22  }
0x45: {  	v20 =	vld [tilespmem:s28+$0x12000]  }
0x46: {  	v29 =	vld.idx.msk [tilespmem:v7+s5+$0x0], $0xffff;
	v24 =	vmul.f32 v24, v18;
	v23 =	vadd.f32 v23, v22  }
0x47: {  	v21 =	vld [tilespmem:s25+$0x13000]  }
0x48: {  	v31 =	vld.idx.msk [tilespmem:v6+s5+$0x0], $0xffff;
	v25 =	vmul.f32 v25, v19;
	v24 =	vadd.f32 v24, v23  }
0x49: {  	v22 =	vld [tilespmem:s25+$0x13080]  }
0x4a: {  	v33 =	vld.idx.msk [tilespmem:v5+s5+$0x0], $0xffff;
	v27 =	vmul.f32 v27, v20;
	v25 =	vadd.f32 v25, v24  }
0x4b: {  	v23 =	vld [tilespmem:s25+$0x13100]  }
0x4c: {  	v34 =	vld.idx.msk [tilespmem:v4+s5+$0x0], $0xffff;
	v29 =	vmul.f32 v29, v21;
	v27 =	vadd.f32 v27, v25  }
0x4d: {  	v24 =	vld [tilespmem:s26+$0x12000]  }
0x4e: {  	v35 =	vld.idx.msk [tilespmem:v3+s5+$0x0], $0xffff;
	v31 =	vmul.f32 v31, v22;
	v29 =	vadd.f32 v29, v27  }
0x4f: {  	v25 =	vld [tilespmem:s25+$0x13200]  }
0x50: {  	v36 =	vld.idx.msk [tilespmem:v2+s5+$0x0], $0xffff;
	v33 =	vmul.f32 v33, v23;
	v31 =	vadd.f32 v31, v29  }
0x51: {  	v27 =	vld [tilespmem:s25+$0x13280]  }
0x52: {  	v37 =	vld.idx.msk [tilespmem:v1+s5+$0x0], $0xffff;
	v34 =	vmul.f32 v34, v24;
	v33 =	vadd.f32 v33, v31  }
0x53: {  	v29 =	vld [tilespmem:s25+$0x13300]  }
0x54: {  	v42 =	vld.idx.msk [tilespmem:v0+s5+$0x0], $0xffff;
	v41 =	vmul.f32 v35, v25;
	v33 =	vadd.f32 v34, v33  }
0x55: {  	v31 =	vld [tilespmem:s31+$0x12000]  }
0x56: {  	v43 =	vmul.f32 v36, v27;
	v33 =	vadd.f32 v41, v33;
	_ =	sdelay $0x1  }
0x57: {  	v44 =	vmul.f32 v37, v29;
	v33 =	vadd.f32 v43, v33;
	_ =	sdelay $0x1  }
0x58: {  	v46 =	vadd.s32 $0x1000, v15;
	v45 =	vmul.f32 v42, v31;
	v33 =	vadd.f32 v44, v33;
	_ =	sdelay $0x1  }
0x59: {  	v47 =	vadd.s32 $0x1000, v12;
	v33 =	vadd.f32 v45, v33;
	_ =	sdelay $0x1  }
0x5a: {  	v48 =	vadd.s32 $0x1000, v13;
	[tilespmem:s25+$0x14200] =	vst v33  }
0x5b: {  	v35 =	vld.idx.msk [tilespmem:v46+s5+$0x0], $0xffff  }
0x5c: {  	v49 =	vadd.s32 $0x1000, v14  }
0x5d: {  	v34 =	vld.idx.msk [tilespmem:v47+s5+$0x0], $0xffff  }
0x5e: {  	v50 =	vadd.s32 $0x1000, v11  }
0x5f: {  	v33 =	vld.idx.msk [tilespmem:v48+s5+$0x0], $0xffff  }
0x60: {  	v38 =	vadd.s32 $0x1000, v10;
	v35 =	vmul.f32 v35, v30  }
0x61: {  	v36 =	vld.idx.msk [tilespmem:v49+s5+$0x0], $0xffff  }
0x62: {  	v39 =	vadd.s32 $0x1000, v9;
	v34 =	vmul.f32 v34, v28;
	v35 =	vadd.f32 v35, v32  }
0x63: {  	v37 =	vld.idx.msk [tilespmem:v50+s5+$0x0], $0xffff  }
0x64: {  	v51 =	vadd.s32 $0x1000, v8;
	v33 =	vmul.f32 v33, v26;
	v34 =	vadd.f32 v34, v35  }
0x65: {  	v38 =	vld.idx.msk [tilespmem:v38+s5+$0x0], $0xffff  }
0x66: {  	v53 =	vadd.s32 $0x1000, v7;
	v52 =	vmul.f32 v36, v16;
	v33 =	vadd.f32 v33, v34  }
0x67: {  	v39 =	vld.idx.msk [tilespmem:v39+s5+$0x0], $0xffff  }
0x68: {  	v55 =	vadd.s32 $0x1000, v6;
	v54 =	vmul.f32 v37, v17;
	v33 =	vadd.f32 v52, v33  }
0x69: {  	v35 =	vld.idx.msk [tilespmem:v51+s5+$0x0], $0xffff  }
0x6a: {  	v57 =	vadd.s32 $0x1000, v5;
	v56 =	vmul.f32 v38, v18;
	v33 =	vadd.f32 v54, v33  }
0x6b: {  	v36 =	vld.idx.msk [tilespmem:v53+s5+$0x0], $0xffff  }
0x6c: {  	v59 =	vadd.s32 $0x1000, v4;
	v58 =	vmul.f32 v39, v19;
	v33 =	vadd.f32 v56, v33  }
0x6d: {  	v37 =	vld.idx.msk [tilespmem:v55+s5+$0x0], $0xffff  }
0x6e: {  	v61 =	vadd.s32 $0x1000, v3;
	v60 =	vmul.f32 v35, v20;
	v33 =	vadd.f32 v58, v33  }
0x6f: {  	v38 =	vld.idx.msk [tilespmem:v57+s5+$0x0], $0xffff  }
0x70: {  	v63 =	vadd.s32 $0x1000, v2;
	v62 =	vmul.f32 v36, v21;
	v33 =	vadd.f32 v60, v33  }
0x71: {  	v39 =	vld.idx.msk [tilespmem:v59+s5+$0x0], $0xffff  }
0x72: {  	v43 =	vadd.s32 $0x1000, v1;
	v42 =	vmul.f32 v37, v22;
	v33 =	vadd.f32 v62, v33  }
0x73: {  	v35 =	vld.idx.msk [tilespmem:v61+s5+$0x0], $0xffff  }
0x74: {  	v45 =	vadd.s32 $0x1000, v0;
	v44 =	vmul.f32 v38, v23;
	v33 =	vadd.f32 v42, v33  }
0x75: {  	v36 =	vld.idx.msk [tilespmem:v63+s5+$0x0], $0xffff  }
0x76: {  	v46 =	vmul.f32 v39, v24;
	v33 =	vadd.f32 v44, v33  }
0x77: {  	v37 =	vld.idx.msk [tilespmem:v43+s5+$0x0], $0xffff  }
0x78: {  	v47 =	vmul.f32 v35, v25;
	v33 =	vadd.f32 v46, v33  }
0x79: {  	v48 =	vld.idx.msk [tilespmem:v45+s5+$0x0], $0xffff  }
0x7a: {  	v49 =	vmul.f32 v36, v27;
	v33 =	vadd.f32 v47, v33;
	_ =	sdelay $0x1  }
0x7b: {  	v50 =	vmul.f32 v37, v29;
	v33 =	vadd.f32 v49, v33;
	_ =	sdelay $0x1  }
0x7c: {  	v51 =	vmul.f32 v48, v31;
	v52 =	vadd.s32 $0x2000, v15;
	v33 =	vadd.f32 v50, v33;
	_ =	sdelay $0x1  }
0x7d: {  	v53 =	vadd.s32 $0x2000, v12;
	v33 =	vadd.f32 v51, v33;
	_ =	sdelay $0x1  }
0x7e: {  	v54 =	vadd.s32 $0x2000, v13;
	[tilespmem:s25+$0x14280] =	vst v33  }
0x7f: {  	v35 =	vld.idx.msk [tilespmem:v52+s5+$0x0], $0xffff  }
0x80: {  	v55 =	vadd.s32 $0x2000, v14  }
0x81: {  	v34 =	vld.idx.msk [tilespmem:v53+s5+$0x0], $0xffff  }
0x82: {  	v56 =	vadd.s32 $0x2000, v11  }
0x83: {  	v33 =	vld.idx.msk [tilespmem:v54+s5+$0x0], $0xffff  }
0x84: {  	v57 =	vadd.s32 $0x2000, v10;
	v35 =	vmul.f32 v35, v30  }
0x85: {  	v36 =	vld.idx.msk [tilespmem:v55+s5+$0x0], $0xffff  }
0x86: {  	v58 =	vadd.s32 $0x2000, v9;
	v34 =	vmul.f32 v34, v28;
	v35 =	vadd.f32 v35, v32  }
0x87: {  	v37 =	vld.idx.msk [tilespmem:v56+s5+$0x0], $0xffff  }
0x88: {  	v59 =	vadd.s32 $0x2000, v8;
	v33 =	vmul.f32 v33, v26;
	v34 =	vadd.f32 v34, v35  }
0x89: {  	v38 =	vld.idx.msk [tilespmem:v57+s5+$0x0], $0xffff  }
0x8a: {  	v61 =	vadd.s32 $0x2000, v7;
	v60 =	vmul.f32 v36, v16;
	v33 =	vadd.f32 v33, v34  }
0x8b: {  	v39 =	vld.idx.msk [tilespmem:v58+s5+$0x0], $0xffff  }
0x8c: {  	v63 =	vadd.s32 $0x2000, v6;
	v62 =	vmul.f32 v37, v17;
	v33 =	vadd.f32 v60, v33  }
0x8d: {  	v35 =	vld.idx.msk [tilespmem:v59+s5+$0x0], $0xffff  }
0x8e: {  	v42 =	vadd.s32 $0x2000, v5;
	v41 =	vmul.f32 v38, v18;
	v33 =	vadd.f32 v62, v33  }
0x8f: {  	v36 =	vld.idx.msk [tilespmem:v61+s5+$0x0], $0xffff  }
0x90: {  	v44 =	vadd.s32 $0x2000, v4;
	v43 =	vmul.f32 v39, v19;
	v33 =	vadd.f32 v41, v33  }
0x91: {  	v37 =	vld.idx.msk [tilespmem:v63+s5+$0x0], $0xffff  }
0x92: {  	v46 =	vadd.s32 $0x2000, v3;
	v45 =	vmul.f32 v35, v20;
	v33 =	vadd.f32 v43, v33  }
0x93: {  	v38 =	vld.idx.msk [tilespmem:v42+s5+$0x0], $0xffff  }
0x94: {  	v48 =	vadd.s32 $0x2000, v2;
	v47 =	vmul.f32 v36, v21;
	v33 =	vadd.f32 v45, v33  }
0x95: {  	v39 =	vld.idx.msk [tilespmem:v44+s5+$0x0], $0xffff  }
0x96: {  	v50 =	vadd.s32 $0x2000, v1;
	v49 =	vmul.f32 v37, v22;
	v33 =	vadd.f32 v47, v33  }
0x97: {  	v35 =	vld.idx.msk [tilespmem:v46+s5+$0x0], $0xffff  }
0x98: {  	v52 =	vadd.s32 $0x2000, v0;
	v51 =	vmul.f32 v38, v23;
	v33 =	vadd.f32 v49, v33  }
0x99: {  	v36 =	vld.idx.msk [tilespmem:v48+s5+$0x0], $0xffff  }
0x9a: {  	v53 =	vmul.f32 v39, v24;
	v33 =	vadd.f32 v51, v33  }
0x9b: {  	v37 =	vld.idx.msk [tilespmem:v50+s5+$0x0], $0xffff  }
0x9c: {  	v54 =	vmul.f32 v35, v25;
	v33 =	vadd.f32 v53, v33  }
0x9d: {  	v55 =	vld.idx.msk [tilespmem:v52+s5+$0x0], $0xffff  }
0x9e: {  	v56 =	vmul.f32 v36, v27;
	v33 =	vadd.f32 v54, v33;
	_ =	sdelay $0x1  }
0x9f: {  	v57 =	vmul.f32 v37, v29;
	v33 =	vadd.f32 v56, v33;
	_ =	sdelay $0x1  }
0xa0: {  	v59 =	vadd.s32 $0x3000, v15;
	v58 =	vmul.f32 v55, v31;
	v33 =	vadd.f32 v57, v33;
	_ =	sdelay $0x1  }
0xa1: {  	v60 =	vadd.s32 $0x3000, v12;
	v33 =	vadd.f32 v58, v33;
	_ =	sdelay $0x1  }
0xa2: {  	v61 =	vadd.s32 $0x3000, v13;
	[tilespmem:s25+$0x14300] =	vst v33  }
0xa3: {  	v35 =	vld.idx.msk [tilespmem:v59+s5+$0x0], $0xffff  }
0xa4: {  	v62 =	vadd.s32 $0x3000, v14  }
0xa5: {  	v34 =	vld.idx.msk [tilespmem:v60+s5+$0x0], $0xffff  }
0xa6: {  	v63 =	vadd.s32 $0x3000, v11  }
0xa7: {  	v33 =	vld.idx.msk [tilespmem:v61+s5+$0x0], $0xffff  }
0xa8: {  	v42 =	vadd.s32 $0x3000, v10;
	v35 =	vmul.f32 v35, v30  }
0xa9: {  	v36 =	vld.idx.msk [tilespmem:v62+s5+$0x0], $0xffff  }
0xaa: {  	v43 =	vadd.s32 $0x3000, v9;
	v34 =	vmul.f32 v34, v28;
	v35 =	vadd.f32 v35, v32  }
0xab: {  	v37 =	vld.idx.msk [tilespmem:v63+s5+$0x0], $0xffff  }
0xac: {  	v44 =	vadd.s32 $0x3000, v8;
	v33 =	vmul.f32 v33, v26;
	v34 =	vadd.f32 v34, v35  }
0xad: {  	v38 =	vld.idx.msk [tilespmem:v42+s5+$0x0], $0xffff  }
0xae: {  	v46 =	vadd.s32 $0x3000, v7;
	v45 =	vmul.f32 v36, v16;
	v33 =	vadd.f32 v33, v34  }
0xaf: {  	v39 =	vld.idx.msk [tilespmem:v43+s5+$0x0], $0xffff  }
0xb0: {  	v48 =	vadd.s32 $0x3000, v6;
	v47 =	vmul.f32 v37, v17;
	v33 =	vadd.f32 v45, v33  }
0xb1: {  	v35 =	vld.idx.msk [tilespmem:v44+s5+$0x0], $0xffff  }
0xb2: {  	v50 =	vadd.s32 $0x3000, v5;
	v49 =	vmul.f32 v38, v18;
	v33 =	vadd.f32 v47, v33  }
0xb3: {  	v36 =	vld.idx.msk [tilespmem:v46+s5+$0x0], $0xffff  }
0xb4: {  	v52 =	vadd.s32 $0x3000, v4;
	v51 =	vmul.f32 v39, v19;
	v33 =	vadd.f32 v49, v33  }
0xb5: {  	v37 =	vld.idx.msk [tilespmem:v48+s5+$0x0], $0xffff  }
0xb6: {  	v54 =	vadd.s32 $0x3000, v3;
	v53 =	vmul.f32 v35, v20;
	v33 =	vadd.f32 v51, v33  }
0xb7: {  	v38 =	vld.idx.msk [tilespmem:v50+s5+$0x0], $0xffff  }
0xb8: {  	v56 =	vadd.s32 $0x3000, v2;
	v55 =	vmul.f32 v36, v21;
	v33 =	vadd.f32 v53, v33  }
0xb9: {  	v39 =	vld.idx.msk [tilespmem:v52+s5+$0x0], $0xffff  }
0xba: {  	v58 =	vadd.s32 $0x3000, v1;
	v57 =	vmul.f32 v37, v22;
	v33 =	vadd.f32 v55, v33  }
0xbb: {  	v35 =	vld.idx.msk [tilespmem:v54+s5+$0x0], $0xffff  }
0xbc: {  	v60 =	vadd.s32 $0x3000, v0;
	v59 =	vmul.f32 v38, v23;
	v33 =	vadd.f32 v57, v33  }
0xbd: {  	v36 =	vld.idx.msk [tilespmem:v56+s5+$0x0], $0xffff  }
0xbe: {  	v61 =	vmul.f32 v39, v24;
	v33 =	vadd.f32 v59, v33  }
0xbf: {  	v37 =	vld.idx.msk [tilespmem:v58+s5+$0x0], $0xffff  }
0xc0: {  	v62 =	vmul.f32 v35, v25;
	v33 =	vadd.f32 v61, v33  }
0xc1: {  	v63 =	vld.idx.msk [tilespmem:v60+s5+$0x0], $0xffff  }
0xc2: {  	v36 =	vmul.f32 v36, v27;
	v33 =	vadd.f32 v62, v33;
	_ =	sdelay $0x1  }
0xc3: {  	v37 =	vmul.f32 v37, v29;
	v33 =	vadd.f32 v36, v33;
	_ =	sdelay $0x1  }
0xc4: {  	v38 =	vmul.f32 v63, v31;
	v39 =	vadd.s32 $0x4000, v15;
	v33 =	vadd.f32 v37, v33;
	_ =	sdelay $0x1  }
0xc5: {  	v40 =	vadd.s32 $0x4000, v12;
	v33 =	vadd.f32 v38, v33;
	_ =	sdelay $0x1  }
0xc6: {  	v41 =	vadd.s32 $0x4000, v13;
	[tilespmem:s29+$0x14200] =	vst v33  }
0xc7: {  	v35 =	vld.idx.msk [tilespmem:v39+s5+$0x0], $0xffff  }
0xc8: {  	v42 =	vadd.s32 $0x4000, v14  }
0xc9: {  	v34 =	vld.idx.msk [tilespmem:v40+s5+$0x0], $0xffff  }
0xca: {  	v43 =	vadd.s32 $0x4000, v11  }
0xcb: {  	v33 =	vld.idx.msk [tilespmem:v41+s5+$0x0], $0xffff  }
0xcc: {  	v44 =	vadd.s32 $0x4000, v10;
	v35 =	vmul.f32 v35, v30  }
0xcd: {  	v36 =	vld.idx.msk [tilespmem:v42+s5+$0x0], $0xffff  }
0xce: {  	v45 =	vadd.s32 $0x4000, v9;
	v34 =	vmul.f32 v34, v28;
	v35 =	vadd.f32 v35, v32  }
0xcf: {  	v37 =	vld.idx.msk [tilespmem:v43+s5+$0x0], $0xffff  }
0xd0: {  	v46 =	vadd.s32 $0x4000, v8;
	v33 =	vmul.f32 v33, v26;
	v34 =	vadd.f32 v34, v35  }
0xd1: {  	v38 =	vld.idx.msk [tilespmem:v44+s5+$0x0], $0xffff  }
0xd2: {  	v48 =	vadd.s32 $0x4000, v7;
	v47 =	vmul.f32 v36, v16;
	v33 =	vadd.f32 v33, v34  }
0xd3: {  	v39 =	vld.idx.msk [tilespmem:v45+s5+$0x0], $0xffff  }
0xd4: {  	v50 =	vadd.s32 $0x4000, v6;
	v49 =	vmul.f32 v37, v17;
	v33 =	vadd.f32 v47, v33  }
0xd5: {  	v35 =	vld.idx.msk [tilespmem:v46+s5+$0x0], $0xffff  }
0xd6: {  	v52 =	vadd.s32 $0x4000, v5;
	v51 =	vmul.f32 v38, v18;
	v33 =	vadd.f32 v49, v33  }
0xd7: {  	v36 =	vld.idx.msk [tilespmem:v48+s5+$0x0], $0xffff  }
0xd8: {  	v54 =	vadd.s32 $0x4000, v4;
	v53 =	vmul.f32 v39, v19;
	v33 =	vadd.f32 v51, v33  }
0xd9: {  	v37 =	vld.idx.msk [tilespmem:v50+s5+$0x0], $0xffff  }
0xda: {  	v56 =	vadd.s32 $0x4000, v3;
	v55 =	vmul.f32 v35, v20;
	v33 =	vadd.f32 v53, v33  }
0xdb: {  	v38 =	vld.idx.msk [tilespmem:v52+s5+$0x0], $0xffff  }
0xdc: {  	v58 =	vadd.s32 $0x4000, v2;
	v57 =	vmul.f32 v36, v21;
	v33 =	vadd.f32 v55, v33  }
0xdd: {  	v39 =	vld.idx.msk [tilespmem:v54+s5+$0x0], $0xffff  }
0xde: {  	v60 =	vadd.s32 $0x4000, v1;
	v59 =	vmul.f32 v37, v22;
	v33 =	vadd.f32 v57, v33  }
0xdf: {  	v35 =	vld.idx.msk [tilespmem:v56+s5+$0x0], $0xffff  }
0xe0: {  	v62 =	vadd.s32 $0x4000, v0;
	v61 =	vmul.f32 v38, v23;
	v33 =	vadd.f32 v59, v33  }
0xe1: {  	v36 =	vld.idx.msk [tilespmem:v58+s5+$0x0], $0xffff  }
0xe2: {  	v63 =	vmul.f32 v39, v24;
	v33 =	vadd.f32 v61, v33  }
0xe3: {  	v37 =	vld.idx.msk [tilespmem:v60+s5+$0x0], $0xffff  }
0xe4: {  	v39 =	vmul.f32 v35, v25;
	v33 =	vadd.f32 v63, v33  }
0xe5: {  	v40 =	vld.idx.msk [tilespmem:v62+s5+$0x0], $0xffff  }
0xe6: {  	v41 =	vmul.f32 v36, v27;
	v33 =	vadd.f32 v39, v33;
	_ =	sdelay $0x1  }
0xe7: {  	v42 =	vmul.f32 v37, v29;
	v33 =	vadd.f32 v41, v33;
	_ =	sdelay $0x1  }
0xe8: {  	v44 =	vadd.s32 $0x5000, v15;
	v43 =	vmul.f32 v40, v31;
	v33 =	vadd.f32 v42, v33;
	_ =	sdelay $0x1  }
0xe9: {  	v45 =	vadd.s32 $0x5000, v12;
	v33 =	vadd.f32 v43, v33;
	_ =	sdelay $0x1  }
0xea: {  	v46 =	vadd.s32 $0x5000, v13;
	[tilespmem:s25+$0x14400] =	vst v33  }
0xeb: {  	v35 =	vld.idx.msk [tilespmem:v44+s5+$0x0], $0xffff  }
0xec: {  	v47 =	vadd.s32 $0x5000, v14  }
0xed: {  	v34 =	vld.idx.msk [tilespmem:v45+s5+$0x0], $0xffff  }
0xee: {  	v48 =	vadd.s32 $0x5000, v11  }
0xef: {  	v33 =	vld.idx.msk [tilespmem:v46+s5+$0x0], $0xffff  }
0xf0: {  	v49 =	vadd.s32 $0x5000, v10;
	v35 =	vmul.f32 v35, v30  }
0xf1: {  	v36 =	vld.idx.msk [tilespmem:v47+s5+$0x0], $0xffff  }
0xf2: {  	v50 =	vadd.s32 $0x5000, v9;
	v34 =	vmul.f32 v34, v28;
	v35 =	vadd.f32 v35, v32  }
0xf3: {  	v37 =	vld.idx.msk [tilespmem:v48+s5+$0x0], $0xffff  }
0xf4: {  	v51 =	vadd.s32 $0x5000, v8;
	v33 =	vmul.f32 v33, v26;
	v34 =	vadd.f32 v34, v35  }
0xf5: {  	v38 =	vld.idx.msk [tilespmem:v49+s5+$0x0], $0xffff  }
0xf6: {  	v53 =	vadd.s32 $0x5000, v7;
	v52 =	vmul.f32 v36, v16;
	v33 =	vadd.f32 v33, v34  }
0xf7: {  	v39 =	vld.idx.msk [tilespmem:v50+s5+$0x0], $0xffff  }
0xf8: {  	v55 =	vadd.s32 $0x5000, v6;
	v54 =	vmul.f32 v37, v17;
	v33 =	vadd.f32 v52, v33  }
0xf9: {  	v35 =	vld.idx.msk [tilespmem:v51+s5+$0x0], $0xffff  }
0xfa: {  	v57 =	vadd.s32 $0x5000, v5;
	v56 =	vmul.f32 v38, v18;
	v33 =	vadd.f32 v54, v33  }
0xfb: {  	v36 =	vld.idx.msk [tilespmem:v53+s5+$0x0], $0xffff  }
0xfc: {  	v59 =	vadd.s32 $0x5000, v4;
	v58 =	vmul.f32 v39, v19;
	v33 =	vadd.f32 v56, v33  }
0xfd: {  	v37 =	vld.idx.msk [tilespmem:v55+s5+$0x0], $0xffff  }
0xfe: {  	v61 =	vadd.s32 $0x5000, v3;
	v60 =	vmul.f32 v35, v20;
	v33 =	vadd.f32 v58, v33  }
0xff: {  	v38 =	vld.idx.msk [tilespmem:v57+s5+$0x0], $0xffff  }
0x100: {  	v63 =	vadd.s32 $0x5000, v2;
	v62 =	vmul.f32 v36, v21;
	v33 =	vadd.f32 v60, v33  }
0x101: {  	v39 =	vld.idx.msk [tilespmem:v59+s5+$0x0], $0xffff  }
0x102: {  	v43 =	vadd.s32 $0x5000, v1;
	v42 =	vmul.f32 v37, v22;
	v33 =	vadd.f32 v62, v33  }
0x103: {  	v35 =	vld.idx.msk [tilespmem:v61+s5+$0x0], $0xffff  }
0x104: {  	v45 =	vadd.s32 $0x5000, v0;
	v44 =	vmul.f32 v38, v23;
	v33 =	vadd.f32 v42, v33  }
0x105: {  	v36 =	vld.idx.msk [tilespmem:v63+s5+$0x0], $0xffff  }
0x106: {  	v46 =	vmul.f32 v39, v24;
	v33 =	vadd.f32 v44, v33  }
0x107: {  	v37 =	vld.idx.msk [tilespmem:v43+s5+$0x0], $0xffff  }
0x108: {  	v47 =	vmul.f32 v35, v25;
	v33 =	vadd.f32 v46, v33  }
0x109: {  	v48 =	vld.idx.msk [tilespmem:v45+s5+$0x0], $0xffff  }
0x10a: {  	v49 =	vmul.f32 v36, v27;
	v33 =	vadd.f32 v47, v33;
	_ =	sdelay $0x1  }
0x10b: {  	v50 =	vmul.f32 v37, v29;
	v33 =	vadd.f32 v49, v33;
	_ =	sdelay $0x1  }
0x10c: {  	v51 =	vmul.f32 v48, v31;
	v52 =	vadd.s32 $0x6000, v15;
	v33 =	vadd.f32 v50, v33;
	_ =	sdelay $0x1  }
0x10d: {  	v53 =	vadd.s32 $0x6000, v12;
	v33 =	vadd.f32 v51, v33;
	_ =	sdelay $0x1  }
0x10e: {  	v54 =	vadd.s32 $0x6000, v13;
	[tilespmem:s25+$0x14480] =	vst v33  }
0x10f: {  	v35 =	vld.idx.msk [tilespmem:v52+s5+$0x0], $0xffff  }
0x110: {  	v55 =	vadd.s32 $0x6000, v14  }
0x111: {  	v34 =	vld.idx.msk [tilespmem:v53+s5+$0x0], $0xffff  }
0x112: {  	v56 =	vadd.s32 $0x6000, v11  }
0x113: {  	v33 =	vld.idx.msk [tilespmem:v54+s5+$0x0], $0xffff  }
0x114: {  	v57 =	vadd.s32 $0x6000, v10;
	v35 =	vmul.f32 v35, v30  }
0x115: {  	v36 =	vld.idx.msk [tilespmem:v55+s5+$0x0], $0xffff  }
0x116: {  	v58 =	vadd.s32 $0x6000, v9;
	v34 =	vmul.f32 v34, v28;
	v35 =	vadd.f32 v35, v32  }
0x117: {  	v37 =	vld.idx.msk [tilespmem:v56+s5+$0x0], $0xffff  }
0x118: {  	v59 =	vadd.s32 $0x6000, v8;
	v33 =	vmul.f32 v33, v26;
	v34 =	vadd.f32 v34, v35  }
0x119: {  	v38 =	vld.idx.msk [tilespmem:v57+s5+$0x0], $0xffff  }
0x11a: {  	v61 =	vadd.s32 $0x6000, v7;
	v60 =	vmul.f32 v36, v16;
	v33 =	vadd.f32 v33, v34  }
0x11b: {  	v39 =	vld.idx.msk [tilespmem:v58+s5+$0x0], $0xffff  }
0x11c: {  	v63 =	vadd.s32 $0x6000, v6;
	v62 =	vmul.f32 v37, v17;
	v33 =	vadd.f32 v60, v33  }
0x11d: {  	v35 =	vld.idx.msk [tilespmem:v59+s5+$0x0], $0xffff  }
0x11e: {  	v42 =	vadd.s32 $0x6000, v5;
	v41 =	vmul.f32 v38, v18;
	v33 =	vadd.f32 v62, v33  }
0x11f: {  	v36 =	vld.idx.msk [tilespmem:v61+s5+$0x0], $0xffff  }
0x120: {  	v44 =	vadd.s32 $0x6000, v4;
	v43 =	vmul.f32 v39, v19;
	v33 =	vadd.f32 v41, v33  }
0x121: {  	v37 =	vld.idx.msk [tilespmem:v63+s5+$0x0], $0xffff  }
0x122: {  	v46 =	vadd.s32 $0x6000, v3;
	v45 =	vmul.f32 v35, v20;
	v33 =	vadd.f32 v43, v33  }
0x123: {  	v38 =	vld.idx.msk [tilespmem:v42+s5+$0x0], $0xffff  }
0x124: {  	v48 =	vadd.s32 $0x6000, v2;
	v47 =	vmul.f32 v36, v21;
	v33 =	vadd.f32 v45, v33  }
0x125: {  	v39 =	vld.idx.msk [tilespmem:v44+s5+$0x0], $0xffff  }
0x126: {  	v50 =	vadd.s32 $0x6000, v1;
	v49 =	vmul.f32 v37, v22;
	v33 =	vadd.f32 v47, v33  }
0x127: {  	v35 =	vld.idx.msk [tilespmem:v46+s5+$0x0], $0xffff  }
0x128: {  	v52 =	vadd.s32 $0x6000, v0;
	v51 =	vmul.f32 v38, v23;
	v33 =	vadd.f32 v49, v33  }
0x129: {  	v36 =	vld.idx.msk [tilespmem:v48+s5+$0x0], $0xffff  }
0x12a: {  	v53 =	vmul.f32 v39, v24;
	v33 =	vadd.f32 v51, v33  }
0x12b: {  	v37 =	vld.idx.msk [tilespmem:v50+s5+$0x0], $0xffff  }
0x12c: {  	v54 =	vmul.f32 v35, v25;
	v33 =	vadd.f32 v53, v33  }
0x12d: {  	v55 =	vld.idx.msk [tilespmem:v52+s5+$0x0], $0xffff  }
0x12e: {  	v56 =	vmul.f32 v36, v27;
	v33 =	vadd.f32 v54, v33;
	_ =	sdelay $0x1  }
0x12f: {  	v57 =	vmul.f32 v37, v29;
	v33 =	vadd.f32 v56, v33;
	_ =	sdelay $0x1  }
0x130: {  	v59 =	vadd.s32 $0x7000, v15;
	v58 =	vmul.f32 v55, v31;
	v33 =	vadd.f32 v57, v33;
	_ =	sdelay $0x1  }
0x131: {  	v60 =	vadd.s32 $0x7000, v12;
	v33 =	vadd.f32 v58, v33;
	_ =	sdelay $0x1  }
0x132: {  	v61 =	vadd.s32 $0x7000, v13;
	[tilespmem:s25+$0x14500] =	vst v33  }
0x133: {  	v35 =	vld.idx.msk [tilespmem:v59+s5+$0x0], $0xffff  }
0x134: {  	v62 =	vadd.s32 $0x7000, v14  }
0x135: {  	v34 =	vld.idx.msk [tilespmem:v60+s5+$0x0], $0xffff  }
0x136: {  	v63 =	vadd.s32 $0x7000, v11  }
0x137: {  	v33 =	vld.idx.msk [tilespmem:v61+s5+$0x0], $0xffff  }
0x138: {  	v42 =	vadd.s32 $0x7000, v10;
	v35 =	vmul.f32 v35, v30  }
0x139: {  	v36 =	vld.idx.msk [tilespmem:v62+s5+$0x0], $0xffff  }
0x13a: {  	v43 =	vadd.s32 $0x7000, v9;
	v34 =	vmul.f32 v34, v28;
	v35 =	vadd.f32 v35, v32  }
0x13b: {  	v37 =	vld.idx.msk [tilespmem:v63+s5+$0x0], $0xffff  }
0x13c: {  	v44 =	vadd.s32 $0x7000, v8;
	v33 =	vmul.f32 v33, v26;
	v34 =	vadd.f32 v34, v35  }
0x13d: {  	v38 =	vld.idx.msk [tilespmem:v42+s5+$0x0], $0xffff  }
0x13e: {  	v46 =	vadd.s32 $0x7000, v7;
	v45 =	vmul.f32 v36, v16;
	v33 =	vadd.f32 v33, v34  }
0x13f: {  	v39 =	vld.idx.msk [tilespmem:v43+s5+$0x0], $0xffff  }
0x140: {  	v48 =	vadd.s32 $0x7000, v6;
	v47 =	vmul.f32 v37, v17;
	v33 =	vadd.f32 v45, v33  }
0x141: {  	v35 =	vld.idx.msk [tilespmem:v44+s5+$0x0], $0xffff  }
0x142: {  	v50 =	vadd.s32 $0x7000, v5;
	v49 =	vmul.f32 v38, v18;
	v33 =	vadd.f32 v47, v33  }
0x143: {  	v36 =	vld.idx.msk [tilespmem:v46+s5+$0x0], $0xffff  }
0x144: {  	v52 =	vadd.s32 $0x7000, v4;
	v51 =	vmul.f32 v39, v19;
	v33 =	vadd.f32 v49, v33  }
0x145: {  	v37 =	vld.idx.msk [tilespmem:v48+s5+$0x0], $0xffff  }
0x146: {  	v54 =	vadd.s32 $0x7000, v3;
	v53 =	vmul.f32 v35, v20;
	v33 =	vadd.f32 v51, v33  }
0x147: {  	v38 =	vld.idx.msk [tilespmem:v50+s5+$0x0], $0xffff  }
0x148: {  	v56 =	vadd.s32 $0x7000, v2;
	v55 =	vmul.f32 v36, v21;
	v33 =	vadd.f32 v53, v33  }
0x149: {  	v39 =	vld.idx.msk [tilespmem:v52+s5+$0x0], $0xffff  }
0x14a: {  	v58 =	vadd.s32 $0x7000, v1;
	v57 =	vmul.f32 v37, v22;
	v33 =	vadd.f32 v55, v33  }
0x14b: {  	v35 =	vld.idx.msk [tilespmem:v54+s5+$0x0], $0xffff  }
0x14c: {  	v60 =	vadd.s32 $0x7000, v0;
	v59 =	vmul.f32 v38, v23;
	v33 =	vadd.f32 v57, v33  }
0x14d: {  	v36 =	vld.idx.msk [tilespmem:v56+s5+$0x0], $0xffff  }
0x14e: {  	v61 =	vmul.f32 v39, v24;
	v33 =	vadd.f32 v59, v33  }
0x14f: {  	v37 =	vld.idx.msk [tilespmem:v58+s5+$0x0], $0xffff  }
0x150: {  	v62 =	vmul.f32 v35, v25;
	v33 =	vadd.f32 v61, v33  }
0x151: {  	v63 =	vld.idx.msk [tilespmem:v60+s5+$0x0], $0xffff  }
0x152: {  	v36 =	vmul.f32 v36, v27;
	v33 =	vadd.f32 v62, v33;
	_ =	sdelay $0x1  }
0x153: {  	v38 =	vmul.f32 v37, v29;
	v33 =	vadd.f32 v36, v33;
	_ =	sdelay $0x1  }
0x154: {  	v40 =	vadd.s32 $0x8000, v15;
	v39 =	vmul.f32 v63, v31;
	v33 =	vadd.f32 v38, v33;
	_ =	sdelay $0x1  }
0x155: {  	v41 =	vadd.s32 $0x8000, v12;
	v33 =	vadd.f32 v39, v33;
	_ =	sdelay $0x1  }
0x156: {  	v42 =	vadd.s32 $0x8000, v13;
	[tilespmem:s28+$0x14200] =	vst v33  }
0x157: {  	v35 =	vld.idx.msk [tilespmem:v40+s5+$0x0], $0xffff  }
0x158: {  	v43 =	vadd.s32 $0x8000, v14  }
0x159: {  	v34 =	vld.idx.msk [tilespmem:v41+s5+$0x0], $0xffff  }
0x15a: {  	v44 =	vadd.s32 $0x8000, v11  }
0x15b: {  	v33 =	vld.idx.msk [tilespmem:v42+s5+$0x0], $0xffff  }
0x15c: {  	v45 =	vadd.s32 $0x8000, v10;
	v35 =	vmul.f32 v35, v30  }
0x15d: {  	v36 =	vld.idx.msk [tilespmem:v43+s5+$0x0], $0xffff  }
0x15e: {  	v46 =	vadd.s32 $0x8000, v9;
	v34 =	vmul.f32 v34, v28;
	v35 =	vadd.f32 v35, v32  }
0x15f: {  	v37 =	vld.idx.msk [tilespmem:v44+s5+$0x0], $0xffff  }
0x160: {  	v47 =	vadd.s32 $0x8000, v8;
	v33 =	vmul.f32 v33, v26;
	v34 =	vadd.f32 v34, v35  }
0x161: {  	v38 =	vld.idx.msk [tilespmem:v45+s5+$0x0], $0xffff  }
0x162: {  	v49 =	vadd.s32 $0x8000, v7;
	v48 =	vmul.f32 v36, v16;
	v33 =	vadd.f32 v33, v34  }
0x163: {  	v39 =	vld.idx.msk [tilespmem:v46+s5+$0x0], $0xffff  }
0x164: {  	v51 =	vadd.s32 $0x8000, v6;
	v50 =	vmul.f32 v37, v17;
	v33 =	vadd.f32 v48, v33  }
0x165: {  	v35 =	vld.idx.msk [tilespmem:v47+s5+$0x0], $0xffff  }
0x166: {  	v53 =	vadd.s32 $0x8000, v5;
	v52 =	vmul.f32 v38, v18;
	v33 =	vadd.f32 v50, v33  }
0x167: {  	v36 =	vld.idx.msk [tilespmem:v49+s5+$0x0], $0xffff  }
0x168: {  	v55 =	vadd.s32 $0x8000, v4;
	v54 =	vmul.f32 v39, v19;
	v33 =	vadd.f32 v52, v33  }
0x169: {  	v37 =	vld.idx.msk [tilespmem:v51+s5+$0x0], $0xffff  }
0x16a: {  	v57 =	vadd.s32 $0x8000, v3;
	v56 =	vmul.f32 v35, v20;
	v33 =	vadd.f32 v54, v33  }
0x16b: {  	v38 =	vld.idx.msk [tilespmem:v53+s5+$0x0], $0xffff  }
0x16c: {  	v59 =	vadd.s32 $0x8000, v2;
	v58 =	vmul.f32 v36, v21;
	v33 =	vadd.f32 v56, v33  }
0x16d: {  	v39 =	vld.idx.msk [tilespmem:v55+s5+$0x0], $0xffff  }
0x16e: {  	v61 =	vadd.s32 $0x8000, v1;
	v60 =	vmul.f32 v37, v22;
	v33 =	vadd.f32 v58, v33  }
0x16f: {  	v35 =	vld.idx.msk [tilespmem:v57+s5+$0x0], $0xffff  }
0x170: {  	v63 =	vadd.s32 $0x8000, v0;
	v62 =	vmul.f32 v38, v23;
	v33 =	vadd.f32 v60, v33  }
0x171: {  	v36 =	vld.idx.msk [tilespmem:v59+s5+$0x0], $0xffff  }
0x172: {  	v40 =	vmul.f32 v39, v24;
	v33 =	vadd.f32 v62, v33  }
0x173: {  	v37 =	vld.idx.msk [tilespmem:v61+s5+$0x0], $0xffff  }
0x174: {  	v41 =	vmul.f32 v35, v25;
	v33 =	vadd.f32 v40, v33  }
0x175: {  	v42 =	vld.idx.msk [tilespmem:v63+s5+$0x0], $0xffff  }
0x176: {  	v43 =	vmul.f32 v36, v27;
	v33 =	vadd.f32 v41, v33;
	_ =	sdelay $0x1  }
0x177: {  	v44 =	vmul.f32 v37, v29;
	v33 =	vadd.f32 v43, v33;
	_ =	sdelay $0x1  }
0x178: {  	v46 =	vadd.s32 $0x9000, v15;
	v45 =	vmul.f32 v42, v31;
	v33 =	vadd.f32 v44, v33;
	_ =	sdelay $0x1  }
0x179: {  	v47 =	vadd.s32 $0x9000, v12;
	v33 =	vadd.f32 v45, v33;
	_ =	sdelay $0x1  }
0x17a: {  	v48 =	vadd.s32 $0x9000, v13;
	[tilespmem:s25+$0x15200] =	vst v33  }
0x17b: {  	v35 =	vld.idx.msk [tilespmem:v46+s5+$0x0], $0xffff  }
0x17c: {  	v49 =	vadd.s32 $0x9000, v14  }
0x17d: {  	v34 =	vld.idx.msk [tilespmem:v47+s5+$0x0], $0xffff  }
0x17e: {  	v50 =	vadd.s32 $0x9000, v11  }
0x17f: {  	v33 =	vld.idx.msk [tilespmem:v48+s5+$0x0], $0xffff  }
0x180: {  	v51 =	vadd.s32 $0x9000, v10;
	v35 =	vmul.f32 v35, v30  }
0x181: {  	v36 =	vld.idx.msk [tilespmem:v49+s5+$0x0], $0xffff  }
0x182: {  	v52 =	vadd.s32 $0x9000, v9;
	v34 =	vmul.f32 v34, v28;
	v35 =	vadd.f32 v35, v32  }
0x183: {  	v37 =	vld.idx.msk [tilespmem:v50+s5+$0x0], $0xffff  }
0x184: {  	v53 =	vadd.s32 $0x9000, v8;
	v33 =	vmul.f32 v33, v26;
	v34 =	vadd.f32 v34, v35  }
0x185: {  	v38 =	vld.idx.msk [tilespmem:v51+s5+$0x0], $0xffff  }
0x186: {  	v55 =	vadd.s32 $0x9000, v7;
	v54 =	vmul.f32 v36, v16;
	v33 =	vadd.f32 v33, v34  }
0x187: {  	v39 =	vld.idx.msk [tilespmem:v52+s5+$0x0], $0xffff  }
0x188: {  	v57 =	vadd.s32 $0x9000, v6;
	v56 =	vmul.f32 v37, v17;
	v33 =	vadd.f32 v54, v33  }
0x189: {  	v35 =	vld.idx.msk [tilespmem:v53+s5+$0x0], $0xffff  }
0x18a: {  	v59 =	vadd.s32 $0x9000, v5;
	v58 =	vmul.f32 v38, v18;
	v33 =	vadd.f32 v56, v33  }
0x18b: {  	v36 =	vld.idx.msk [tilespmem:v55+s5+$0x0], $0xffff  }
0x18c: {  	v61 =	vadd.s32 $0x9000, v4;
	v60 =	vmul.f32 v39, v19;
	v33 =	vadd.f32 v58, v33  }
0x18d: {  	v37 =	vld.idx.msk [tilespmem:v57+s5+$0x0], $0xffff  }
0x18e: {  	v63 =	vadd.s32 $0x9000, v3;
	v62 =	vmul.f32 v35, v20;
	v33 =	vadd.f32 v60, v33  }
0x18f: {  	v38 =	vld.idx.msk [tilespmem:v59+s5+$0x0], $0xffff  }
0x190: {  	v43 =	vadd.s32 $0x9000, v2;
	v42 =	vmul.f32 v36, v21;
	v33 =	vadd.f32 v62, v33  }
0x191: {  	v39 =	vld.idx.msk [tilespmem:v61+s5+$0x0], $0xffff  }
0x192: {  	v45 =	vadd.s32 $0x9000, v1;
	v44 =	vmul.f32 v37, v22;
	v33 =	vadd.f32 v42, v33  }
0x193: {  	v35 =	vld.idx.msk [tilespmem:v63+s5+$0x0], $0xffff  }
0x194: {  	v47 =	vadd.s32 $0x9000, v0;
	v46 =	vmul.f32 v38, v23;
	v33 =	vadd.f32 v44, v33  }
0x195: {  	v36 =	vld.idx.msk [tilespmem:v43+s5+$0x0], $0xffff  }
0x196: {  	v48 =	vmul.f32 v39, v24;
	v33 =	vadd.f32 v46, v33  }
0x197: {  	v37 =	vld.idx.msk [tilespmem:v45+s5+$0x0], $0xffff  }
0x198: {  	v49 =	vmul.f32 v35, v25;
	v33 =	vadd.f32 v48, v33  }
0x199: {  	v50 =	vld.idx.msk [tilespmem:v47+s5+$0x0], $0xffff  }
0x19a: {  	v51 =	vmul.f32 v36, v27;
	v33 =	vadd.f32 v49, v33;
	_ =	sdelay $0x1  }
0x19b: {  	v52 =	vmul.f32 v37, v29;
	v33 =	vadd.f32 v51, v33;
	_ =	sdelay $0x1  }
0x19c: {  	v53 =	vmul.f32 v50, v31;
	v54 =	vadd.s32 $0xA000, v15;
	v33 =	vadd.f32 v52, v33;
	_ =	sdelay $0x1  }
0x19d: {  	v55 =	vadd.s32 $0xA000, v12;
	v33 =	vadd.f32 v53, v33;
	_ =	sdelay $0x1  }
0x19e: {  	v56 =	vadd.s32 $0xA000, v13;
	[tilespmem:s25+$0x15280] =	vst v33  }
0x19f: {  	v35 =	vld.idx.msk [tilespmem:v54+s5+$0x0], $0xffff  }
0x1a0: {  	v57 =	vadd.s32 $0xA000, v14  }
0x1a1: {  	v34 =	vld.idx.msk [tilespmem:v55+s5+$0x0], $0xffff  }
0x1a2: {  	v58 =	vadd.s32 $0xA000, v11  }
0x1a3: {  	v33 =	vld.idx.msk [tilespmem:v56+s5+$0x0], $0xffff  }
0x1a4: {  	v59 =	vadd.s32 $0xA000, v10;
	v35 =	vmul.f32 v35, v30  }
0x1a5: {  	v36 =	vld.idx.msk [tilespmem:v57+s5+$0x0], $0xffff  }
0x1a6: {  	v60 =	vadd.s32 $0xA000, v9;
	v34 =	vmul.f32 v34, v28;
	v35 =	vadd.f32 v35, v32  }
0x1a7: {  	v37 =	vld.idx.msk [tilespmem:v58+s5+$0x0], $0xffff  }
0x1a8: {  	v61 =	vadd.s32 $0xA000, v8;
	v33 =	vmul.f32 v33, v26;
	v34 =	vadd.f32 v34, v35  }
0x1a9: {  	v38 =	vld.idx.msk [tilespmem:v59+s5+$0x0], $0xffff  }
0x1aa: {  	v63 =	vadd.s32 $0xA000, v7;
	v62 =	vmul.f32 v36, v16;
	v33 =	vadd.f32 v33, v34  }
0x1ab: {  	v39 =	vld.idx.msk [tilespmem:v60+s5+$0x0], $0xffff  }
0x1ac: {  	v43 =	vadd.s32 $0xA000, v6;
	v42 =	vmul.f32 v37, v17;
	v33 =	vadd.f32 v62, v33  }
0x1ad: {  	v35 =	vld.idx.msk [tilespmem:v61+s5+$0x0], $0xffff  }
0x1ae: {  	v45 =	vadd.s32 $0xA000, v5;
	v44 =	vmul.f32 v38, v18;
	v33 =	vadd.f32 v42, v33  }
0x1af: {  	v36 =	vld.idx.msk [tilespmem:v63+s5+$0x0], $0xffff  }
0x1b0: {  	v47 =	vadd.s32 $0xA000, v4;
	v46 =	vmul.f32 v39, v19;
	v33 =	vadd.f32 v44, v33  }
0x1b1: {  	v37 =	vld.idx.msk [tilespmem:v43+s5+$0x0], $0xffff  }
0x1b2: {  	v49 =	vadd.s32 $0xA000, v3;
	v48 =	vmul.f32 v35, v20;
	v33 =	vadd.f32 v46, v33  }
0x1b3: {  	v38 =	vld.idx.msk [tilespmem:v45+s5+$0x0], $0xffff  }
0x1b4: {  	v51 =	vadd.s32 $0xA000, v2;
	v50 =	vmul.f32 v36, v21;
	v33 =	vadd.f32 v48, v33  }
0x1b5: {  	v39 =	vld.idx.msk [tilespmem:v47+s5+$0x0], $0xffff  }
0x1b6: {  	v53 =	vadd.s32 $0xA000, v1;
	v52 =	vmul.f32 v37, v22;
	v33 =	vadd.f32 v50, v33  }
0x1b7: {  	v35 =	vld.idx.msk [tilespmem:v49+s5+$0x0], $0xffff  }
0x1b8: {  	v55 =	vadd.s32 $0xA000, v0;
	v54 =	vmul.f32 v38, v23;
	v33 =	vadd.f32 v52, v33  }
0x1b9: {  	v36 =	vld.idx.msk [tilespmem:v51+s5+$0x0], $0xffff  }
0x1ba: {  	v56 =	vmul.f32 v39, v24;
	v33 =	vadd.f32 v54, v33  }
0x1bb: {  	v37 =	vld.idx.msk [tilespmem:v53+s5+$0x0], $0xffff  }
0x1bc: {  	v57 =	vmul.f32 v35, v25;
	v33 =	vadd.f32 v56, v33  }
0x1bd: {  	v58 =	vld.idx.msk [tilespmem:v55+s5+$0x0], $0xffff  }
0x1be: {  	v59 =	vmul.f32 v36, v27;
	v33 =	vadd.f32 v57, v33;
	_ =	sdelay $0x1  }
0x1bf: {  	v60 =	vmul.f32 v37, v29;
	v33 =	vadd.f32 v59, v33;
	_ =	sdelay $0x1  }
0x1c0: {  	v61 =	vmul.f32 v58, v31;
	v62 =	vadd.s32 $0xB000, v15;
	v33 =	vadd.f32 v60, v33;
	_ =	sdelay $0x1  }
0x1c1: {  	v63 =	vadd.s32 $0xB000, v12;
	v33 =	vadd.f32 v61, v33;
	_ =	sdelay $0x1  }
0x1c2: {  	v40 =	vadd.s32 $0xB000, v13;
	[tilespmem:s25+$0x15300] =	vst v33  }
0x1c3: {  	v35 =	vld.idx.msk [tilespmem:v62+s5+$0x0], $0xffff  }
0x1c4: {  	v41 =	vadd.s32 $0xB000, v14  }
0x1c5: {  	v34 =	vld.idx.msk [tilespmem:v63+s5+$0x0], $0xffff  }
0x1c6: {  	v42 =	vadd.s32 $0xB000, v11  }
0x1c7: {  	v33 =	vld.idx.msk [tilespmem:v40+s5+$0x0], $0xffff  }
0x1c8: {  	v43 =	vadd.s32 $0xB000, v10;
	v35 =	vmul.f32 v35, v30  }
0x1c9: {  	v36 =	vld.idx.msk [tilespmem:v41+s5+$0x0], $0xffff  }
0x1ca: {  	v44 =	vadd.s32 $0xB000, v9;
	v34 =	vmul.f32 v34, v28;
	v35 =	vadd.f32 v35, v32  }
0x1cb: {  	v37 =	vld.idx.msk [tilespmem:v42+s5+$0x0], $0xffff  }
0x1cc: {  	v45 =	vadd.s32 $0xB000, v8;
	v33 =	vmul.f32 v33, v26;
	v34 =	vadd.f32 v34, v35  }
0x1cd: {  	v38 =	vld.idx.msk [tilespmem:v43+s5+$0x0], $0xffff  }
0x1ce: {  	v47 =	vadd.s32 $0xB000, v7;
	v46 =	vmul.f32 v36, v16;
	v33 =	vadd.f32 v33, v34  }
0x1cf: {  	v39 =	vld.idx.msk [tilespmem:v44+s5+$0x0], $0xffff  }
0x1d0: {  	v49 =	vadd.s32 $0xB000, v6;
	v48 =	vmul.f32 v37, v17;
	v33 =	vadd.f32 v46, v33  }
0x1d1: {  	v35 =	vld.idx.msk [tilespmem:v45+s5+$0x0], $0xffff  }
0x1d2: {  	v51 =	vadd.s32 $0xB000, v5;
	v50 =	vmul.f32 v38, v18;
	v33 =	vadd.f32 v48, v33  }
0x1d3: {  	v36 =	vld.idx.msk [tilespmem:v47+s5+$0x0], $0xffff  }
0x1d4: {  	v53 =	vadd.s32 $0xB000, v4;
	v52 =	vmul.f32 v39, v19;
	v33 =	vadd.f32 v50, v33  }
0x1d5: {  	v37 =	vld.idx.msk [tilespmem:v49+s5+$0x0], $0xffff  }
0x1d6: {  	v55 =	vadd.s32 $0xB000, v3;
	v54 =	vmul.f32 v35, v20;
	v33 =	vadd.f32 v52, v33  }
0x1d7: {  	v38 =	vld.idx.msk [tilespmem:v51+s5+$0x0], $0xffff  }
0x1d8: {  	v57 =	vadd.s32 $0xB000, v2;
	v56 =	vmul.f32 v36, v21;
	v33 =	vadd.f32 v54, v33  }
0x1d9: {  	v39 =	vld.idx.msk [tilespmem:v53+s5+$0x0], $0xffff  }
0x1da: {  	v59 =	vadd.s32 $0xB000, v1;
	v58 =	vmul.f32 v37, v22;
	v33 =	vadd.f32 v56, v33  }
0x1db: {  	v35 =	vld.idx.msk [tilespmem:v55+s5+$0x0], $0xffff  }
0x1dc: {  	v61 =	vadd.s32 $0xB000, v0;
	v60 =	vmul.f32 v38, v23;
	v33 =	vadd.f32 v58, v33  }
0x1dd: {  	v36 =	vld.idx.msk [tilespmem:v57+s5+$0x0], $0xffff  }
0x1de: {  	v62 =	vmul.f32 v39, v24;
	v33 =	vadd.f32 v60, v33  }
0x1df: {  	v37 =	vld.idx.msk [tilespmem:v59+s5+$0x0], $0xffff  }
0x1e0: {  	v63 =	vmul.f32 v35, v25;
	v33 =	vadd.f32 v62, v33  }
0x1e1: {  	v38 =	vld.idx.msk [tilespmem:v61+s5+$0x0], $0xffff  }
0x1e2: {  	v39 =	vmul.f32 v36, v27;
	v33 =	vadd.f32 v63, v33;
	_ =	sdelay $0x1  }
0x1e3: {  	v40 =	vmul.f32 v37, v29;
	v33 =	vadd.f32 v39, v33;
	_ =	sdelay $0x1  }
0x1e4: {  	v42 =	vadd.s32 $0xC000, v15;
	v41 =	vmul.f32 v38, v31;
	v33 =	vadd.f32 v40, v33;
	_ =	sdelay $0x1  }
0x1e5: {  	v43 =	vadd.s32 $0xC000, v12;
	v33 =	vadd.f32 v41, v33;
	_ =	sdelay $0x1  }
0x1e6: {  	v44 =	vadd.s32 $0xC000, v13;
	[tilespmem:s26+$0x14200] =	vst v33  }
0x1e7: {  	v35 =	vld.idx.msk [tilespmem:v42+s5+$0x0], $0xffff  }
0x1e8: {  	v45 =	vadd.s32 $0xC000, v14  }
0x1e9: {  	v34 =	vld.idx.msk [tilespmem:v43+s5+$0x0], $0xffff  }
0x1ea: {  	v46 =	vadd.s32 $0xC000, v11  }
0x1eb: {  	v33 =	vld.idx.msk [tilespmem:v44+s5+$0x0], $0xffff  }
0x1ec: {  	v47 =	vadd.s32 $0xC000, v10;
	v35 =	vmul.f32 v35, v30  }
0x1ed: {  	v36 =	vld.idx.msk [tilespmem:v45+s5+$0x0], $0xffff  }
0x1ee: {  	v48 =	vadd.s32 $0xC000, v9;
	v34 =	vmul.f32 v34, v28;
	v35 =	vadd.f32 v35, v32  }
0x1ef: {  	v37 =	vld.idx.msk [tilespmem:v46+s5+$0x0], $0xffff  }
0x1f0: {  	v49 =	vadd.s32 $0xC000, v8;
	v33 =	vmul.f32 v33, v26;
	v34 =	vadd.f32 v34, v35  }
0x1f1: {  	v38 =	vld.idx.msk [tilespmem:v47+s5+$0x0], $0xffff  }
0x1f2: {  	v51 =	vadd.s32 $0xC000, v7;
	v50 =	vmul.f32 v36, v16;
	v33 =	vadd.f32 v33, v34  }
0x1f3: {  	v39 =	vld.idx.msk [tilespmem:v48+s5+$0x0], $0xffff  }
0x1f4: {  	v53 =	vadd.s32 $0xC000, v6;
	v52 =	vmul.f32 v37, v17;
	v33 =	vadd.f32 v50, v33  }
0x1f5: {  	v35 =	vld.idx.msk [tilespmem:v49+s5+$0x0], $0xffff  }
0x1f6: {  	v55 =	vadd.s32 $0xC000, v5;
	v54 =	vmul.f32 v38, v18;
	v33 =	vadd.f32 v52, v33  }
0x1f7: {  	v36 =	vld.idx.msk [tilespmem:v51+s5+$0x0], $0xffff  }
0x1f8: {  	v57 =	vadd.s32 $0xC000, v4;
	v56 =	vmul.f32 v39, v19;
	v33 =	vadd.f32 v54, v33  }
0x1f9: {  	v37 =	vld.idx.msk [tilespmem:v53+s5+$0x0], $0xffff  }
0x1fa: {  	v59 =	vadd.s32 $0xC000, v3;
	v58 =	vmul.f32 v35, v20;
	v33 =	vadd.f32 v56, v33  }
0x1fb: {  	v38 =	vld.idx.msk [tilespmem:v55+s5+$0x0], $0xffff  }
0x1fc: {  	v61 =	vadd.s32 $0xC000, v2;
	v60 =	vmul.f32 v36, v21;
	v33 =	vadd.f32 v58, v33  }
0x1fd: {  	v39 =	vld.idx.msk [tilespmem:v57+s5+$0x0], $0xffff  }
0x1fe: {  	v63 =	vadd.s32 $0xC000, v1;
	v62 =	vmul.f32 v37, v22;
	v33 =	vadd.f32 v60, v33  }
0x1ff: {  	v35 =	vld.idx.msk [tilespmem:v59+s5+$0x0], $0xffff  }
0x200: {  	v41 =	vadd.s32 $0xC000, v0;
	v40 =	vmul.f32 v38, v23;
	v33 =	vadd.f32 v62, v33  }
0x201: {  	v36 =	vld.idx.msk [tilespmem:v61+s5+$0x0], $0xffff  }
0x202: {  	v42 =	vmul.f32 v39, v24;
	v33 =	vadd.f32 v40, v33  }
0x203: {  	v37 =	vld.idx.msk [tilespmem:v63+s5+$0x0], $0xffff  }
0x204: {  	v43 =	vmul.f32 v35, v25;
	v33 =	vadd.f32 v42, v33  }
0x205: {  	v44 =	vld.idx.msk [tilespmem:v41+s5+$0x0], $0xffff  }
0x206: {  	v45 =	vmul.f32 v36, v27;
	v33 =	vadd.f32 v43, v33;
	_ =	sdelay $0x1  }
0x207: {  	v46 =	vmul.f32 v37, v29;
	v33 =	vadd.f32 v45, v33;
	_ =	sdelay $0x1  }
0x208: {  	v48 =	vadd.s32 $0xD000, v15;
	v47 =	vmul.f32 v44, v31;
	v33 =	vadd.f32 v46, v33;
	_ =	sdelay $0x1  }
0x209: {  	v49 =	vadd.s32 $0xD000, v12;
	v33 =	vadd.f32 v47, v33;
	_ =	sdelay $0x1  }
0x20a: {  	v50 =	vadd.s32 $0xD000, v13;
	[tilespmem:s25+$0x15400] =	vst v33  }
0x20b: {  	v35 =	vld.idx.msk [tilespmem:v48+s5+$0x0], $0xffff  }
0x20c: {  	v51 =	vadd.s32 $0xD000, v14  }
0x20d: {  	v34 =	vld.idx.msk [tilespmem:v49+s5+$0x0], $0xffff  }
0x20e: {  	v52 =	vadd.s32 $0xD000, v11  }
0x20f: {  	v33 =	vld.idx.msk [tilespmem:v50+s5+$0x0], $0xffff  }
0x210: {  	v53 =	vadd.s32 $0xD000, v10;
	v35 =	vmul.f32 v35, v30  }
0x211: {  	v36 =	vld.idx.msk [tilespmem:v51+s5+$0x0], $0xffff  }
0x212: {  	v54 =	vadd.s32 $0xD000, v9;
	v34 =	vmul.f32 v34, v28;
	v35 =	vadd.f32 v35, v32  }
0x213: {  	v37 =	vld.idx.msk [tilespmem:v52+s5+$0x0], $0xffff  }
0x214: {  	v55 =	vadd.s32 $0xD000, v8;
	v33 =	vmul.f32 v33, v26;
	v34 =	vadd.f32 v34, v35  }
0x215: {  	v38 =	vld.idx.msk [tilespmem:v53+s5+$0x0], $0xffff  }
0x216: {  	v57 =	vadd.s32 $0xD000, v7;
	v56 =	vmul.f32 v36, v16;
	v33 =	vadd.f32 v33, v34  }
0x217: {  	v39 =	vld.idx.msk [tilespmem:v54+s5+$0x0], $0xffff  }
0x218: {  	v59 =	vadd.s32 $0xD000, v6;
	v58 =	vmul.f32 v37, v17;
	v33 =	vadd.f32 v56, v33  }
0x219: {  	v35 =	vld.idx.msk [tilespmem:v55+s5+$0x0], $0xffff  }
0x21a: {  	v61 =	vadd.s32 $0xD000, v5;
	v60 =	vmul.f32 v38, v18;
	v33 =	vadd.f32 v58, v33  }
0x21b: {  	v36 =	vld.idx.msk [tilespmem:v57+s5+$0x0], $0xffff  }
0x21c: {  	v63 =	vadd.s32 $0xD000, v4;
	v62 =	vmul.f32 v39, v19;
	v33 =	vadd.f32 v60, v33  }
0x21d: {  	v37 =	vld.idx.msk [tilespmem:v59+s5+$0x0], $0xffff  }
0x21e: {  	v42 =	vadd.s32 $0xD000, v3;
	v41 =	vmul.f32 v35, v20;
	v33 =	vadd.f32 v62, v33  }
0x21f: {  	v38 =	vld.idx.msk [tilespmem:v61+s5+$0x0], $0xffff  }
0x220: {  	v44 =	vadd.s32 $0xD000, v2;
	v43 =	vmul.f32 v36, v21;
	v33 =	vadd.f32 v41, v33  }
0x221: {  	v39 =	vld.idx.msk [tilespmem:v63+s5+$0x0], $0xffff  }
0x222: {  	v46 =	vadd.s32 $0xD000, v1;
	v45 =	vmul.f32 v37, v22;
	v33 =	vadd.f32 v43, v33  }
0x223: {  	v35 =	vld.idx.msk [tilespmem:v42+s5+$0x0], $0xffff  }
0x224: {  	v48 =	vadd.s32 $0xD000, v0;
	v47 =	vmul.f32 v38, v23;
	v33 =	vadd.f32 v45, v33  }
0x225: {  	v36 =	vld.idx.msk [tilespmem:v44+s5+$0x0], $0xffff  }
0x226: {  	v49 =	vmul.f32 v39, v24;
	v33 =	vadd.f32 v47, v33  }
0x227: {  	v37 =	vld.idx.msk [tilespmem:v46+s5+$0x0], $0xffff  }
0x228: {  	v50 =	vmul.f32 v35, v25;
	v33 =	vadd.f32 v49, v33  }
0x229: {  	v51 =	vld.idx.msk [tilespmem:v48+s5+$0x0], $0xffff  }
0x22a: {  	v52 =	vmul.f32 v36, v27;
	v33 =	vadd.f32 v50, v33;
	_ =	sdelay $0x1  }
0x22b: {  	v53 =	vmul.f32 v37, v29;
	v33 =	vadd.f32 v52, v33;
	_ =	sdelay $0x1  }
0x22c: {  	v55 =	vadd.s32 $0xE000, v15;
	v54 =	vmul.f32 v51, v31;
	v33 =	vadd.f32 v53, v33;
	_ =	sdelay $0x1  }
0x22d: {  	v56 =	vadd.s32 $0xE000, v12;
	v33 =	vadd.f32 v54, v33;
	_ =	sdelay $0x1  }
0x22e: {  	v57 =	vadd.s32 $0xE000, v13;
	[tilespmem:s25+$0x15480] =	vst v33  }
0x22f: {  	v35 =	vld.idx.msk [tilespmem:v55+s5+$0x0], $0xffff  }
0x230: {  	v58 =	vadd.s32 $0xE000, v14  }
0x231: {  	v34 =	vld.idx.msk [tilespmem:v56+s5+$0x0], $0xffff  }
0x232: {  	v59 =	vadd.s32 $0xE000, v11  }
0x233: {  	v33 =	vld.idx.msk [tilespmem:v57+s5+$0x0], $0xffff  }
0x234: {  	v60 =	vadd.s32 $0xE000, v10;
	v35 =	vmul.f32 v35, v30  }
0x235: {  	v36 =	vld.idx.msk [tilespmem:v58+s5+$0x0], $0xffff  }
0x236: {  	v61 =	vadd.s32 $0xE000, v9;
	v34 =	vmul.f32 v34, v28;
	v35 =	vadd.f32 v35, v32  }
0x237: {  	v37 =	vld.idx.msk [tilespmem:v59+s5+$0x0], $0xffff  }
0x238: {  	v62 =	vadd.s32 $0xE000, v8;
	v33 =	vmul.f32 v33, v26;
	v34 =	vadd.f32 v34, v35  }
0x239: {  	v38 =	vld.idx.msk [tilespmem:v60+s5+$0x0], $0xffff  }
0x23a: {  	v42 =	vadd.s32 $0xE000, v7;
	v63 =	vmul.f32 v36, v16;
	v33 =	vadd.f32 v33, v34  }
0x23b: {  	v39 =	vld.idx.msk [tilespmem:v61+s5+$0x0], $0xffff  }
0x23c: {  	v44 =	vadd.s32 $0xE000, v6;
	v43 =	vmul.f32 v37, v17;
	v33 =	vadd.f32 v63, v33  }
0x23d: {  	v35 =	vld.idx.msk [tilespmem:v62+s5+$0x0], $0xffff  }
0x23e: {  	v46 =	vadd.s32 $0xE000, v5;
	v45 =	vmul.f32 v38, v18;
	v33 =	vadd.f32 v43, v33  }
0x23f: {  	v36 =	vld.idx.msk [tilespmem:v42+s5+$0x0], $0xffff  }
0x240: {  	v48 =	vadd.s32 $0xE000, v4;
	v47 =	vmul.f32 v39, v19;
	v33 =	vadd.f32 v45, v33  }
0x241: {  	v37 =	vld.idx.msk [tilespmem:v44+s5+$0x0], $0xffff  }
0x242: {  	v50 =	vadd.s32 $0xE000, v3;
	v49 =	vmul.f32 v35, v20;
	v33 =	vadd.f32 v47, v33  }
0x243: {  	v38 =	vld.idx.msk [tilespmem:v46+s5+$0x0], $0xffff  }
0x244: {  	v52 =	vadd.s32 $0xE000, v2;
	v51 =	vmul.f32 v36, v21;
	v33 =	vadd.f32 v49, v33  }
0x245: {  	v39 =	vld.idx.msk [tilespmem:v48+s5+$0x0], $0xffff  }
0x246: {  	v54 =	vadd.s32 $0xE000, v1;
	v53 =	vmul.f32 v37, v22;
	v33 =	vadd.f32 v51, v33  }
0x247: {  	v35 =	vld.idx.msk [tilespmem:v50+s5+$0x0], $0xffff  }
0x248: {  	v56 =	vadd.s32 $0xE000, v0;
	v55 =	vmul.f32 v38, v23;
	v33 =	vadd.f32 v53, v33  }
0x249: {  	v36 =	vld.idx.msk [tilespmem:v52+s5+$0x0], $0xffff  }
0x24a: {  	v57 =	vmul.f32 v39, v24;
	v33 =	vadd.f32 v55, v33  }
0x24b: {  	v37 =	vld.idx.msk [tilespmem:v54+s5+$0x0], $0xffff  }
0x24c: {  	v58 =	vmul.f32 v35, v25;
	v33 =	vadd.f32 v57, v33  }
0x24d: {  	v59 =	vld.idx.msk [tilespmem:v56+s5+$0x0], $0xffff  }
0x24e: {  	v60 =	vmul.f32 v36, v27;
	v33 =	vadd.f32 v58, v33;
	_ =	sdelay $0x1  }
0x24f: {  	v61 =	vmul.f32 v37, v29;
	v33 =	vadd.f32 v60, v33;
	_ =	sdelay $0x1  }
0x250: {  	v15 =	vadd.s32 $0xF000, v15;
	v62 =	vmul.f32 v59, v31;
	v33 =	vadd.f32 v61, v33;
	_ =	sdelay $0x1  }
0x251: {  	v12 =	vadd.s32 $0xF000, v12;
	v33 =	vadd.f32 v62, v33;
	_ =	sdelay $0x1  }
0x252: {  	v13 =	vadd.s32 $0xF000, v13;
	[tilespmem:s25+$0x15500] =	vst v33  }
0x253: {  	v15 =	vld.idx.msk [tilespmem:v15+s5+$0x0], $0xffff  }
0x254: {  	v14 =	vadd.s32 $0xF000, v14  }
0x255: {  	v12 =	vld.idx.msk [tilespmem:v12+s5+$0x0], $0xffff  }
0x256: {  	v11 =	vadd.s32 $0xF000, v11  }
0x257: {  	v13 =	vld.idx.msk [tilespmem:v13+s5+$0x0], $0xffff  }
0x258: {  	v10 =	vadd.s32 $0xF000, v10;
	v15 =	vmul.f32 v15, v30  }
0x259: {  	v14 =	vld.idx.msk [tilespmem:v14+s5+$0x0], $0xffff  }
0x25a: {  	v9 =	vadd.s32 $0xF000, v9;
	v12 =	vmul.f32 v12, v28;
	v15 =	vadd.f32 v15, v32  }
0x25b: {  	v11 =	vld.idx.msk [tilespmem:v11+s5+$0x0], $0xffff  }
0x25c: {  	v8 =	vadd.s32 $0xF000, v8;
	v13 =	vmul.f32 v13, v26;
	v12 =	vadd.f32 v12, v15  }
0x25d: {  	v10 =	vld.idx.msk [tilespmem:v10+s5+$0x0], $0xffff  }
0x25e: {  	v7 =	vadd.s32 $0xF000, v7;
	v63 =	vmul.f32 v14, v16;
	v12 =	vadd.f32 v13, v12  }
0x25f: {  	v9 =	vld.idx.msk [tilespmem:v9+s5+$0x0], $0xffff  }
0x260: {  	v6 =	vadd.s32 $0xF000, v6;
	v11 =	vmul.f32 v11, v17;
	v12 =	vadd.f32 v63, v12  }
0x261: {  	v8 =	vld.idx.msk [tilespmem:v8+s5+$0x0], $0xffff  }
0x262: {  	v5 =	vadd.s32 $0xF000, v5;
	v10 =	vmul.f32 v10, v18;
	v11 =	vadd.f32 v11, v12  }
0x263: {  	v7 =	vld.idx.msk [tilespmem:v7+s5+$0x0], $0xffff  }
0x264: {  	v4 =	vadd.s32 $0xF000, v4;
	v9 =	vmul.f32 v9, v19;
	v10 =	vadd.f32 v10, v11  }
0x265: {  	v6 =	vld.idx.msk [tilespmem:v6+s5+$0x0], $0xffff  }
0x266: {  	v3 =	vadd.s32 $0xF000, v3;
	v8 =	vmul.f32 v8, v20;
	v9 =	vadd.f32 v9, v10  }
0x267: {  	v5 =	vld.idx.msk [tilespmem:v5+s5+$0x0], $0xffff  }
0x268: {  	v2 =	vadd.s32 $0xF000, v2;
	v7 =	vmul.f32 v7, v21;
	v8 =	vadd.f32 v8, v9  }
0x269: {  	v4 =	vld.idx.msk [tilespmem:v4+s5+$0x0], $0xffff  }
0x26a: {  	v1 =	vadd.s32 $0xF000, v1;
	v6 =	vmul.f32 v6, v22;
	v7 =	vadd.f32 v7, v8  }
0x26b: {  	v3 =	vld.idx.msk [tilespmem:v3+s5+$0x0], $0xffff  }
0x26c: {  	v0 =	vadd.s32 $0xF000, v0;
	v5 =	vmul.f32 v5, v23;
	v6 =	vadd.f32 v6, v7  }
0x26d: {  	v2 =	vld.idx.msk [tilespmem:v2+s5+$0x0], $0xffff  }
0x26e: {  	v4 =	vmul.f32 v4, v24;
	v5 =	vadd.f32 v5, v6  }
0x26f: {  	v1 =	vld.idx.msk [tilespmem:v1+s5+$0x0], $0xffff  }
0x270: {  	v3 =	vmul.f32 v3, v25;
	v4 =	vadd.f32 v4, v5  }
0x271: {  	v0 =	vld.idx.msk [tilespmem:v0+s5+$0x0], $0xffff  }
0x272: {  	v2 =	vmul.f32 v2, v27;
	v3 =	vadd.f32 v3, v4;
	_ =	sdelay $0x1  }
0x273: {  	v1 =	vmul.f32 v1, v29;
	v2 =	vadd.f32 v2, v3  }
0x274: {  	p1 =	sne.s32 s23, $0x1F0  }
.Ltmp0:
0x275: {  	v0 =	vmul.f32 v0, v31;
	v1 =	vadd.f32 v1, v2;
	(pc) =	sbr.rel @p1 .LBB2_4-.Ltmp0, $3  }
0x276: {  	_ = 	snop  }
0x277: {  	v0 =	vadd.f32 v0, v1;
	_ =	sdelay $0x1  }
0x278: {  	s21 =	sadd.s32 $0x10, s21;
	s22 =	sadd.s32 $0x80, s22;
	s23 =	sadd.s32 $0x10, s23;
	[tilespmem:s31+$0x14200] =	vst v0  }
0x279: {  	s19 =	sadd.s32 $0x1, s19  }
0x27a: {  	p1 =	sne.s32 s19, $0x4  }
.Ltmp1:
0x27b: {  	s20 =	sadd.s32 s20, s18;
	(pc) =	sbr.rel @p1 .LBB2_3-.Ltmp1, $4  }
0x27c: {  	[hbm4b:s20+s11] =	stream.strided.scatter [tilespmem:s15], [sflag:$0x1], $0x2000, s12, s11, $0x38;
	[tilespmem:$0x16200] =	vst v63  }
0x27d: {  	_ =	swait.ge [sflag:s10], $0x2000  }
0x27e: {  	[sflag:s10] =	ssyncset.done $0x0  }
0x27f: {  	[sflag:s10] =	ssyncadd.s32 $0xFFFFE000  }
.Ltmp2:
0x280: {  	(pc) =	sbr.rel @p0 .LBB2_2-.Ltmp2, $2  }
0x281: {  	_ =	sdelay $0x2  }
0x282: {  	s17 =	simm.s32 $0x1;
	p1 =	por $0x0, $0x0  }
0x283: {  	s16 =	sadd.s32 $0x1, s16  }
0x284: {  	p0 =	sne.s32 s16, s9  }
.Ltmp3:
0x285: {  	_ = 	snop;
	(pc) =	sbr.rel @p0 .LBB2_1-.Ltmp3, $1  }
0x286: {  	_ =	sdelay $0x3  }
0x287: {  	_ =	sfence.sel $0x180000  }
0x288: {  	[bflag:$0x0] =	sbarrier.arrive $0xFFFF  }
0x289: {  	p0 =	sne.s32 s6, $0x0;
	_ =	strace $0x90000047  }
0x28a: {  	s0 =	sadd.s32 @!p0 $0x100000, s0;
	[bflag:$0x2] =	sbarrier.arrive $0xFFFF  }
0x28b: {  	[sflag:s0] =	ssyncadd.tile.s32 @!p0 $0x1;
	_ =	shalt  }
.Lfunc_end2:
_tile_overlayer_lowered:
.L_overlay_start_2:
0x28c: {  	(tag) =	ssettag $0x2  }
0x28d: {  	s0 =	rddreg [dreg:$0x0];
	s2 =	stileid.u32  }
0x28e: {  	s1 =	rddreg [dreg:$0x1];
	p0 =	sne.s32 s2, $0x0  }
0x28f: {  	s3 =	rddreg [dreg:$0x2];
	[bflag:$0x3] =	sbarrier.arrive $0xFFFF;
	s2 =	simm.s32 @!p0 $0x1C01  }
0x290: {  	[timem:s3], [sflag:s2] =	dma.local @!p0 [hbm:s0], s1  }
0x291: {  	s0 =	simm.s32 @!p0 $0x1  }
0x292: {  	_ =	swait.ge @!p0 [sflag:s0], s1  }
0x293: {  	s1 =	ssub.s32 @!p0 $0x0, s1;
	[sflag:s0] =	ssyncset.done @!p0 $0x0  }
0x294: {  	[sflag:s0] =	ssyncadd.s32 @!p0 s1  }
0x295: {  	[bflag:$0x3] =	sbarrier.arrive $0xFFFF  }
0x296: {  	_ =	shalt  }

</sc_bundles>
